<compile_context>
chip_gen: v7x
topology: tpu7x:2x2x1
jax: 0.10.2.dev20260603
libtpu: 0.0.44.dev20260713+nightly
codegen_flags: <defaults>
</compile_context>

<pallas_src>
import functools

import jax
import jax.numpy as jnp
from jax import lax
from jax.experimental import pallas as pl
from jax.experimental.pallas import tpu as pltpu
from jax.experimental.pallas import tpu_sc as plsc

T = 1048576
N = 65536

BLK = 16384
RR = BLK // 128
NB = T // BLK
NCHUNK = T // 128
NGRP = NCHUNK // 128

NTILE = 32
RPT = N // NTILE
CH = 4096
BIG = 3.0e38

HT = T // 2
SLC = HT // 16
EPS0 = N // 16



def _sc_counts(cu_pad):
    mesh = plsc.VectorSubcoreMesh(core_axis_name="c", subcore_axis_name="s")

    @functools.partial(
        pl.kernel,
        out_type=jax.ShapeDtypeStruct((T,), jnp.int32),
        mesh=mesh,
        scratch_types=[
            pltpu.VMEM((EPS0,), jnp.int32),
            pltpu.VMEM((EPS0,), jnp.int32),
            pltpu.VMEM((EPS0,), jnp.int32),
            pltpu.VMEM((SLC,), jnp.int32),
            pltpu.VMEM_SHARED((HT + 256,), jnp.int32),
        ],
        compiler_params=pltpu.CompilerParams(needs_layout_passes=False),
    )
    def k(cu_hbm, out_hbm, idx_v, idx2_v, ones_v, zbuf_v, cnt_sh):
        cid = lax.axis_index("c")
        sid = lax.axis_index("s")
        z16 = jnp.zeros((16,), jnp.int32)
        o16 = jnp.ones((16,), jnp.int32)

        def fill(i, _):
            zbuf_v[pl.ds(i * 16, 16)] = z16
            return 0

        lax.fori_loop(0, SLC // 16, fill, 0)

        def fill2(i, _):
            ones_v[pl.ds(i * 16, 16)] = o16
            return 0

        lax.fori_loop(0, EPS0 // 16, fill2, 0)

        pltpu.sync_copy(zbuf_v, cnt_sh.at[pl.ds(sid * SLC, SLC)])

        @pl.when(sid == 0)
        def _():
            pltpu.sync_copy(zbuf_v.at[pl.ds(0, 256)],
                            cnt_sh.at[pl.ds(HT, 256)])

        plsc.subcore_barrier()

        pltpu.sync_copy(cu_hbm.at[pl.ds(sid * EPS0, EPS0)], idx_v)
        lo = cid * HT

        def redirect(j, _):
            v = idx_v[pl.ds(j * 16, 16)]
            rel = v - lo
            msk = (rel >= 0) & (rel < HT)
            idx2_v[pl.ds(j * 16, 16)] = jnp.where(msk, rel, HT)
            return 0

        lax.fori_loop(0, EPS0 // 16, redirect, 0)
        pltpu.sync_copy(ones_v, cnt_sh.at[idx2_v], add=True)
        plsc.subcore_barrier()

        pltpu.sync_copy(
            cnt_sh.at[pl.ds(sid * SLC, SLC)],
            out_hbm.at[pl.ds(cid * HT + sid * SLC, SLC)],
        )

    return k(cu_pad)



def _ptwise_kernel(xyz_r, dir_r, ts_r, w1_r, w2_r, g_r, p_r):
    x = xyz_r[0, 0]
    y = xyz_r[1, 0]
    z = xyz_r[2, 0]
    dx = dir_r[0, 0]
    dy = dir_r[1, 0]
    dz = dir_r[2, 0]
    t0 = ts_r[0, 0]
    dt = ts_r[1, 0]

    d2 = (x * x + z * z) + y * y
    sig = 10.0 * jnp.exp(d2 * (-2.0))
    e2 = jnp.exp(-sig * dt)
    alpha = 1.0 - e2
    g = jnp.log(jnp.clip(1.0 - alpha, 1e-10, 1.0))
    g_r[...] = g.T

    p_r[0, 0] = alpha
    p_r[1, 0] = alpha * t0
    for cch in range(3):
        zc = (x * w1_r[0, cch] + y * w1_r[1, cch] + z * w1_r[2, cch]
              + dx * w2_r[0, cch] + dy * w2_r[1, cch] + dz * w2_r[2, cch])
        rgb = 1.0 / (1.0 + jnp.exp(-zc))
        p_r[2 + cch, 0] = alpha * (rgb - 1.0)


def _tc_pointwise(xyz_t, dir_t, ts_t, w1, w2):
    bs3 = pl.BlockSpec((3, 1, RR, 128), lambda i: (0, i, 0, 0))
    bs2 = pl.BlockSpec((2, 1, RR, 128), lambda i: (0, i, 0, 0))
    bs_sm = pl.BlockSpec(memory_space=pltpu.SMEM)
    return pl.pallas_call(
        _ptwise_kernel,
        grid=(NB,),
        in_specs=[bs3, bs3, bs2, bs_sm, bs_sm],
        out_specs=(
            pl.BlockSpec((128, RR), lambda i: (0, i)),
            pl.BlockSpec((5, 1, RR, 128), lambda i: (0, i, 0, 0)),
        ),
        out_shape=(
            jax.ShapeDtypeStruct((128, NCHUNK), jnp.float32),
            jax.ShapeDtypeStruct((5, NB, RR, 128), jnp.float32),
        ),
    )(xyz_t, dir_t, ts_t, w1, w2)



def _scan123_kernel(x_r, o_r, acc):
    acc[...] = jnp.zeros((NGRP, 128), jnp.float32)

    def step(j, _):
        acc[...] = acc[...] + x_r[j]
        o_r[j] = acc[...]
        return 0

    lax.fori_loop(0, 128, step, 0)

    lane = lax.broadcasted_iota(jnp.int32, (NGRP, 128), 1)
    vals = acc[...]

    def shr_lane(a):
        return jnp.concatenate(
            [jnp.zeros((NGRP, 1), jnp.float32), a[:, :127]], axis=1)

    for u in range(1, 128):
        vals = jnp.where(lane == u, vals + shr_lane(vals), vals)

    sub = lax.broadcasted_iota(jnp.int32, (NGRP, 1), 0)
    col = vals[:, 127:128]

    def shr_sub(a):
        return jnp.concatenate(
            [jnp.zeros((1, 1), jnp.float32), a[: NGRP - 1, :]], axis=0)

    for g in range(1, NGRP):
        col = jnp.where(sub == g, col + shr_sub(col), col)
    p1 = vals + shr_sub(col)
    e = jnp.concatenate([shr_sub(p1[:, 127:128]), p1[:, :127]], axis=1)

    def combine(j, _):
        o_r[j] = o_r[j] + e
        return 0

    lax.fori_loop(0, 128, combine, 0)


def _tc_scan123(x2):
    x3 = x2.reshape(128, NGRP, 128)
    return pl.pallas_call(
        _scan123_kernel,
        in_specs=[pl.BlockSpec((128, NGRP, 128), lambda: (0, 0, 0))],
        out_specs=pl.BlockSpec((128, NGRP, 128), lambda: (0, 0, 0)),
        out_shape=jax.ShapeDtypeStruct((128, NGRP, 128), jnp.float32),
        scratch_shapes=[pltpu.VMEM((NGRP, 128), jnp.float32)],
    )(x3).reshape(128, NCHUNK)



def _combine_kernel(cs_r, g_r, cnt_r, ex_r, seg_r, scr):
    i = pl.program_id(0)

    @pl.when(i == 0)
    def _():
        scr[0] = 0.0

    ex_r[0] = (cs_r[...] - g_r[...]).T

    c = cnt_r[0]
    cf = c.astype(jnp.float32)
    ii = lax.broadcasted_iota(jnp.int32, (128, 128), 0)
    jj = lax.broadcasted_iota(jnp.int32, (128, 128), 1)
    ut = (ii <= jj).astype(jnp.float32)
    ri = lax.broadcasted_iota(jnp.int32, (RR, RR), 0)
    rj = lax.broadcasted_iota(jnp.int32, (RR, RR), 1)
    lt = (rj < ri).astype(jnp.float32)
    cl = jnp.dot(cf, ut, preferred_element_type=jnp.float32)
    coffs = jnp.dot(lt, cl[:, 127:128], preferred_element_type=jnp.float32)
    cinc = cl + coffs
    seg_r[0] = (cinc + scr[0] - 1.0).astype(jnp.int32)
    scr[0] = scr[0] + jnp.sum(cf)


def _tc_combine(cs_t, log1m_t, cnt):
    bs = pl.BlockSpec((1, RR, 128), lambda i: (i, 0, 0))
    bst = pl.BlockSpec((128, RR), lambda i: (0, i))
    return pl.pallas_call(
        _combine_kernel,
        grid=(NB,),
        in_specs=[bst, bst, bs],
        out_specs=(bs, bs),
        out_shape=(
            jax.ShapeDtypeStruct((NB, RR, 128), jnp.float32),
            jax.ShapeDtypeStruct((NB, RR, 128), jnp.int32),
        ),
        scratch_shapes=[pltpu.SMEM((1,), jnp.float32)],
        compiler_params=pltpu.CompilerParams(
            dimension_semantics=("arbitrary",),
        ),
    )(cs_t, log1m_t, cnt)



def _sc_reduce(excl, chans, seg, cu_pad):
    mesh = plsc.VectorSubcoreMesh(core_axis_name="c", subcore_axis_name="s")
    out_type = (
        jax.ShapeDtypeStruct((3 * N,), jnp.float32),
        jax.ShapeDtypeStruct((N,), jnp.float32),
        jax.ShapeDtypeStruct((N,), jnp.float32),
    )

    @functools.partial(
        pl.kernel,
        out_type=out_type,
        mesh=mesh,
        scratch_types=[
            pltpu.VMEM((16,), jnp.int32),
            pltpu.VMEM((16,), jnp.int32),
            pltpu.VMEM((RPT,), jnp.int32),
            pltpu.VMEM((RPT,), jnp.float32),
            pltpu.VMEM((CH,), jnp.int32),
            pltpu.VMEM((CH,), jnp.float32),
            [pltpu.VMEM((CH,), jnp.float32) for _ in range(5)],
            [pltpu.VMEM((RPT,), jnp.float32) for _ in range(5)],
            pltpu.SemaphoreType.DMA,
        ],
        compiler_params=pltpu.CompilerParams(needs_layout_passes=False),
    )
    def k(ex_hbm, ch_hbm, seg_hbm, cu_hbm, img_hbm, dep_hbm, ws_hbm,
          lo_v, hi_v, st_v, base_v, seg_v, ex_v, chbufs, accs, sem):
        cid = lax.axis_index("c")
        sid = lax.axis_index("s")
        w = cid * 16 + sid
        base_ray = w * RPT

        pltpu.sync_copy(cu_hbm.at[pl.ds(w * RPT, 16)], lo_v)
        pltpu.sync_copy(cu_hbm.at[pl.ds((w + 1) * RPT, 16)], hi_v)
        lo = lo_v[...][0]
        hi = hi_v[...][0]
        k0 = lo // CH
        k1 = (hi + CH - 1) // CH

        pltpu.sync_copy(cu_hbm.at[pl.ds(w * RPT, RPT)], st_v)
        pltpu.async_copy(ex_hbm.at[st_v], base_v, sem).wait()

        z16 = jnp.zeros((16,), jnp.float32)

        def zero(i, _):
            for a in accs:
                a[pl.ds(i * 16, 16)] = z16
            return 0

        lax.fori_loop(0, RPT // 16, zero, 0)

        def chunk(kc, _):
            cps = [pltpu.async_copy(seg_hbm.at[pl.ds(kc * CH, CH)], seg_v,
                                    sem),
                   pltpu.async_copy(ex_hbm.at[pl.ds(kc * CH, CH)], ex_v,
                                    sem)]
            for ci in range(5):
                cps.append(pltpu.async_copy(
                    ch_hbm.at[pl.ds(ci * T + kc * CH, CH)], chbufs[ci], sem))
            for cp in cps:
                cp.wait()

            def inner(j, _):
                s = seg_v[pl.ds(j * 16, 16)]
                rel = s - base_ray
                msk = (rel >= 0) & (rel < RPT)
                relc = jnp.where(msk, rel, 0)
                b = plsc.load_gather(base_v, [relc])
                trans = jnp.exp(ex_v[pl.ds(j * 16, 16)] - b)
                for ci in range(5):
                    v = chbufs[ci][pl.ds(j * 16, 16)] * trans
                    plsc.addupdate_scatter(accs[ci], [relc], v, mask=msk)
                return 0

            lax.fori_loop(0, CH // 16, inner, 0)
            return 0

        lax.fori_loop(k0, k1, chunk, 0)

        one16 = jnp.ones((16,), jnp.float32)

        def addone(i, _):
            for a in accs[2:]:
                a[pl.ds(i * 16, 16)] = a[pl.ds(i * 16, 16)] + one16
            return 0

        lax.fori_loop(0, RPT // 16, addone, 0)

        pltpu.sync_copy(accs[0], ws_hbm.at[pl.ds(base_ray, RPT)])
        pltpu.sync_copy(accs[1], dep_hbm.at[pl.ds(base_ray, RPT)])
        for ci in range(3):
            pltpu.sync_copy(accs[2 + ci],
                            img_hbm.at[pl.ds(ci * N + base_ray, RPT)])

    return k(excl, chans, seg, cu_pad)



def kernel(xyzs, dirs, ts, cu_seqlens, W1, W2):
    xyz_t = xyzs.T.reshape(3, NB, RR, 128)
    dir_t = dirs.T.reshape(3, NB, RR, 128)
    ts_t = ts.T.reshape(2, NB, RR, 128)
    cu_pad = jnp.concatenate(
        [cu_seqlens, jnp.full((15,), T, jnp.int32)])

    cnt = _sc_counts(cu_pad).reshape(NB, RR, 128)
    log1m_t, chans = _tc_pointwise(xyz_t, dir_t, ts_t, W1, W2)

    cs2t = _tc_scan123(log1m_t)
    excl, seg = _tc_combine(cs2t, log1m_t, cnt)

    img_t, depth, ws = _sc_reduce(
        excl.reshape(T), chans.reshape(5 * T), seg.reshape(T), cu_pad)
    return img_t.reshape(3, N).T, depth, ws

# --- scband reference (transcript-rebuilt; emitter-appended) ---
"""Pipeline reference for scband-renderer-72404558676846 (READ-ONLY COPY).

The authoritative reference and input builder live on the scoring server;
editing this copy changes nothing except your own understanding.
"""

import jax, jax.numpy as jnp
import numpy as np

N_RAYS = 65536
T_TOTAL = 1048576
BLOB_DENSITY = 10.0
BLOB_RADIUS = 0.5


def setup_inputs(seed: int = 0) -> dict:
    key = jax.random.key(seed)
    k1, k2, k3, k4, k5, k6 = jax.random.split(key, 6)
    xyzs = jax.random.normal(k1, (T_TOTAL, 3), dtype=jnp.float32)
    dirs = jax.random.normal(k2, (T_TOTAL, 3), dtype=jnp.float32)
    dirs = dirs / (jnp.linalg.norm(dirs, axis=-1, keepdims=True) + 1e-20)
    ts = jax.random.uniform(k3, (T_TOTAL, 2), dtype=jnp.float32, minval=1e-3, maxval=1.0)
    cu = jnp.sort(jax.random.randint(k4, (N_RAYS + 1,), 0, T_TOTAL, dtype=jnp.int32))
    cu = cu.at[0].set(0).at[-1].set(T_TOTAL)
    W1 = jax.random.normal(k5, (3, 3), dtype=jnp.float32) * 0.5
    W2 = jax.random.normal(k6, (3, 3), dtype=jnp.float32) * 0.5
    return {"xyzs": xyzs, "dirs": dirs, "ts": ts, "cu_seqlens": cu, "W1": W1, "W2": W2}


def _composite(xyzs, dirs, ts, W1, W2, cu):
    # densityBlob (Renderer.densityBlob with densityActivation='exp')
    d2 = jnp.sum(xyzs ** 2, axis=-1)
    sigmas = BLOB_DENSITY * jnp.exp(-d2 / (2.0 * BLOB_RADIUS ** 2))
    # simple shading head standing in for the abstract self(xyzs, dirs, ...)
    rgbs = jax.nn.sigmoid(xyzs @ W1 + dirs @ W2)

    T = xyzs.shape[0]
    N = cu.shape[0] - 1
    # ragged segment ids from cu_seqlens (rays packing from march_rays_train)
    seg = jnp.clip(jnp.searchsorted(cu, jnp.arange(T), side='right') - 1, 0, N - 1)

    # composite_rays_train: alpha compositing with per-ray exclusive transmittance
    dt = ts[:, 1]
    alpha = 1.0 - jnp.exp(-sigmas * dt)
    log1m = jnp.log(jnp.clip(1.0 - alpha, 1e-10, 1.0))
    csum = jnp.cumsum(log1m)
    excl = csum - log1m  # global exclusive cumsum
    starts = jnp.clip(cu[:-1], 0, T - 1)
    base = excl[starts][seg]  # exclusive cumsum value at each sample's ray start
    trans = jnp.exp(excl - base)  # in-ray exclusive transmittance
    weights = alpha * trans

    weights_sum = jax.ops.segment_sum(weights, seg, num_segments=N)
    depth = jax.ops.segment_sum(weights * ts[:, 0], seg, num_segments=N)
    image = jax.ops.segment_sum(weights[:, None] * rgbs, seg, num_segments=N)
    # bgColor = 1 branch (bgRadius <= 0)
    image = image + (1.0 - weights_sum)[:, None] * 1.0
    return image, depth, weights_sum


def reference(xyzs, dirs, ts, cu_seqlens, W1, W2):
    return _composite(xyzs, dirs, ts, W1, W2, cu_seqlens)

if __name__ == "__main__":
    import jax
    _d = setup_inputs()
    print(jax.jit(kernel)(*tuple(_d.values())))

</pallas_src>

<mosaic_0001>
#map = affine_map<(d0, d1) -> (0)>
module attributes {stable_mosaic.version = 14 : i64} {
  func.func @k(%arg0: i32, %arg1: i32, %arg2: memref<1048576xf32, #tpu.memory_space<hbm>>, %arg3: memref<5242880xf32, #tpu.memory_space<hbm>>, %arg4: memref<1048576xi32, #tpu.memory_space<hbm>>, %arg5: memref<65552xi32, #tpu.memory_space<hbm>>, %arg6: memref<196608xf32, #tpu.memory_space<hbm>>, %arg7: memref<65536xf32, #tpu.memory_space<hbm>>, %arg8: memref<65536xf32, #tpu.memory_space<hbm>>, %arg9: memref<16xi32, #tpu.memory_space<vmem>>, %arg10: memref<16xi32, #tpu.memory_space<vmem>>, %arg11: memref<2048xi32, #tpu.memory_space<vmem>>, %arg12: memref<2048xf32, #tpu.memory_space<vmem>>, %arg13: memref<4096xi32, #tpu.memory_space<vmem>>, %arg14: memref<4096xf32, #tpu.memory_space<vmem>>, %arg15: memref<4096xf32, #tpu.memory_space<vmem>>, %arg16: memref<4096xf32, #tpu.memory_space<vmem>>, %arg17: memref<4096xf32, #tpu.memory_space<vmem>>, %arg18: memref<4096xf32, #tpu.memory_space<vmem>>, %arg19: memref<4096xf32, #tpu.memory_space<vmem>>, %arg20: memref<2048xf32, #tpu.memory_space<vmem>>, %arg21: memref<2048xf32, #tpu.memory_space<vmem>>, %arg22: memref<2048xf32, #tpu.memory_space<vmem>>, %arg23: memref<2048xf32, #tpu.memory_space<vmem>>, %arg24: memref<2048xf32, #tpu.memory_space<vmem>>, %arg25: memref<!tpu.dma_semaphore, #tpu.memory_space<semaphore_mem>>) attributes {dimension_semantics = [#tpu.dimension_semantics<core_parallel>, #tpu.dimension_semantics<subcore_parallel>], iteration_bounds = array<i64: 2, 16>, scalar_prefetch = 0 : i64, scratch_operands = 17 : i64, tpu.core_type = #tpu.core_type<sc_vector_subcore>, window_params = [{transform_indices = #map}, {transform_indices = #map}, {transform_indices = #map}, {transform_indices = #map}, {transform_indices = #map}, {transform_indices = #map}, {transform_indices = #map}]} {
    %mul3A = arith.constant 16 : i32
    %mul3A_0 = arith.muli %arg0, %mul3A : i32
    %add3A = arith.addi %mul3A_0, %arg1 : i32
    %mul3A_1 = arith.constant 2048 : i32
    %mul3A_2 = arith.muli %add3A, %mul3A_1 : i32
    %mul3A_3 = arith.constant 2048 : i32
    %mul3A_4 = arith.muli %add3A, %mul3A_3 : i32
    "tpu.region"() ({
      %run_scoped3A = tpu.sem_alloc : memref<!tpu.dma_semaphore, #tpu.memory_space<semaphore_mem>>
      %dma_start3A_94 = tpu.memref_slice %arg5[%mul3A_4] : memref<65552xi32, #tpu.memory_space<hbm>> -> memref<16xi32, #tpu.memory_space<hbm>>
      %dma_start3A_95 = tpu.memref_slice %arg5[%mul3A_4] : memref<65552xi32, #tpu.memory_space<hbm>> -> memref<16xi32, #tpu.memory_space<hbm>>
      tpu.enqueue_dma source(%dma_start3A_95 : memref<16xi32, #tpu.memory_space<hbm>>) target(%arg9 : memref<16xi32, #tpu.memory_space<vmem>>) target_semaphore(%run_scoped3A : memref<!tpu.dma_semaphore, #tpu.memory_space<semaphore_mem>>)
      %dma_wait3A_96 = tpu.memref_slice %arg5[%mul3A_4] : memref<65552xi32, #tpu.memory_space<hbm>> -> memref<16xi32, #tpu.memory_space<hbm>>
      %dma_wait3A_97 = tpu.memref_slice %arg5[%mul3A_4] : memref<65552xi32, #tpu.memory_space<hbm>> -> memref<16xi32, #tpu.memory_space<hbm>>
      tpu.wait_dma2 semaphore(%run_scoped3A : memref<!tpu.dma_semaphore, #tpu.memory_space<semaphore_mem>>) src(%dma_wait3A_97 : memref<16xi32, #tpu.memory_space<hbm>>) dst(%arg9 : memref<16xi32, #tpu.memory_space<vmem>>)
      tpu.yield
    }) : () -> ()
    %add3A_5 = arith.constant 1 : i32
    %add3A_6 = arith.addi %add3A, %add3A_5 : i32
    %mul3A_7 = arith.constant 2048 : i32
    %mul3A_8 = arith.muli %add3A_6, %mul3A_7 : i32
    "tpu.region"() ({
      %run_scoped3A = tpu.sem_alloc : memref<!tpu.dma_semaphore, #tpu.memory_space<semaphore_mem>>
      %dma_start3A_94 = tpu.memref_slice %arg5[%mul3A_8] : memref<65552xi32, #tpu.memory_space<hbm>> -> memref<16xi32, #tpu.memory_space<hbm>>
      %dma_start3A_95 = tpu.memref_slice %arg5[%mul3A_8] : memref<65552xi32, #tpu.memory_space<hbm>> -> memref<16xi32, #tpu.memory_space<hbm>>
      tpu.enqueue_dma source(%dma_start3A_95 : memref<16xi32, #tpu.memory_space<hbm>>) target(%arg10 : memref<16xi32, #tpu.memory_space<vmem>>) target_semaphore(%run_scoped3A : memref<!tpu.dma_semaphore, #tpu.memory_space<semaphore_mem>>)
      %dma_wait3A_96 = tpu.memref_slice %arg5[%mul3A_8] : memref<65552xi32, #tpu.memory_space<hbm>> -> memref<16xi32, #tpu.memory_space<hbm>>
      %dma_wait3A_97 = tpu.memref_slice %arg5[%mul3A_8] : memref<65552xi32, #tpu.memory_space<hbm>> -> memref<16xi32, #tpu.memory_space<hbm>>
      tpu.wait_dma2 semaphore(%run_scoped3A : memref<!tpu.dma_semaphore, #tpu.memory_space<semaphore_mem>>) src(%dma_wait3A_97 : memref<16xi32, #tpu.memory_space<hbm>>) dst(%arg10 : memref<16xi32, #tpu.memory_space<vmem>>)
      tpu.yield
    }) : () -> ()
    %get3A = arith.constant 0 : index
    %get3A_9 = tpu.vector_load %arg9[%get3A] {strides = array<i32>} : memref<16xi32, #tpu.memory_space<vmem>>, vector<16xi32>,
    %slice3A = vector.extract_strided_slice %get3A_9 {offsets = [0], sizes = [1], strides = [1]} : vector<16xi32> to vector<1xi32>
    %squeeze3A = vector.extract %slice3A[0] : i32 from vector<1xi32>
    %get3A_10 = arith.constant 0 : index
    %get3A_11 = tpu.vector_load %arg10[%get3A_10] {strides = array<i32>} : memref<16xi32, #tpu.memory_space<vmem>>, vector<16xi32>,
    %slice3A_12 = vector.extract_strided_slice %get3A_11 {offsets = [0], sizes = [1], strides = [1]} : vector<16xi32> to vector<1xi32>
    %squeeze3A_13 = vector.extract %slice3A_12[0] : i32 from vector<1xi32>
    %jit3A = arith.constant 4096 : i32
    %div3A = arith.divsi %squeeze3A, %jit3A : i32
    %sign3A = arith.constant 0 : i32
    %sign3A_14 = arith.cmpi sgt, %squeeze3A, %sign3A : i32
    %sign3A_15 = arith.extui %sign3A_14 : i1 to i32
    %sign3A_16 = arith.constant 0 : i32
    %sign3A_17 = arith.cmpi slt, %squeeze3A, %sign3A_16 : i32
    %sign3A_18 = arith.extui %sign3A_17 : i1 to i32
    %sign3A_19 = arith.subi %sign3A_15, %sign3A_18 : i32
    %sign3A_20 = arith.constant 0 : i32
    %sign3A_21 = arith.cmpi sgt, %jit3A, %sign3A_20 : i32
    %sign3A_22 = arith.extui %sign3A_21 : i1 to i32
    %sign3A_23 = arith.constant 0 : i32
    %sign3A_24 = arith.cmpi slt, %jit3A, %sign3A_23 : i32
    %sign3A_25 = arith.extui %sign3A_24 : i1 to i32
    %sign3A_26 = arith.subi %sign3A_22, %sign3A_25 : i32
    %ne3A = arith.cmpi ne, %sign3A_19, %sign3A_26 : i32
    %rem3A = arith.remsi %squeeze3A, %jit3A : i32
    %ne3A_27 = arith.constant 0 : i32
    %ne3A_28 = arith.cmpi ne, %rem3A, %ne3A_27 : i32
    %and3A = arith.andi %ne3A, %ne3A_28 : i1
    %sub3A = arith.constant 1 : i32
    %sub3A_29 = arith.subi %div3A, %sub3A : i32
    %select_n3A = arith.select %and3A, %sub3A_29, %div3A : i32
    %add3A_30 = arith.constant 4096 : i32
    %add3A_31 = arith.addi %squeeze3A_13, %add3A_30 : i32
    %sub3A_32 = arith.constant 1 : i32
    %sub3A_33 = arith.subi %add3A_31, %sub3A_32 : i32
    %jit3A_34 = arith.constant 4096 : i32
    %div3A_35 = arith.divsi %sub3A_33, %jit3A_34 : i32
    %sign3A_36 = arith.constant 0 : i32
    %sign3A_37 = arith.cmpi sgt, %sub3A_33, %sign3A_36 : i32
    %sign3A_38 = arith.extui %sign3A_37 : i1 to i32
    %sign3A_39 = arith.constant 0 : i32
    %sign3A_40 = arith.cmpi slt, %sub3A_33, %sign3A_39 : i32
    %sign3A_41 = arith.extui %sign3A_40 : i1 to i32
    %sign3A_42 = arith.subi %sign3A_38, %sign3A_41 : i32
    %sign3A_43 = arith.constant 0 : i32
    %sign3A_44 = arith.cmpi sgt, %jit3A_34, %sign3A_43 : i32
    %sign3A_45 = arith.extui %sign3A_44 : i1 to i32
    %sign3A_46 = arith.constant 0 : i32
    %sign3A_47 = arith.cmpi slt, %jit3A_34, %sign3A_46 : i32
    %sign3A_48 = arith.extui %sign3A_47 : i1 to i32
    %sign3A_49 = arith.subi %sign3A_45, %sign3A_48 : i32
    %ne3A_50 = arith.cmpi ne, %sign3A_42, %sign3A_49 : i32
    %rem3A_51 = arith.remsi %sub3A_33, %jit3A_34 : i32
    %ne3A_52 = arith.constant 0 : i32
    %ne3A_53 = arith.cmpi ne, %rem3A_51, %ne3A_52 : i32
    %and3A_54 = arith.andi %ne3A_50, %ne3A_53 : i1
    %sub3A_55 = arith.constant 1 : i32
    %sub3A_56 = arith.subi %div3A_35, %sub3A_55 : i32
    %select_n3A_57 = arith.select %and3A_54, %sub3A_56, %div3A_35 : i32
    %mul3A_58 = arith.constant 2048 : i32
    %mul3A_59 = arith.muli %add3A, %mul3A_58 : i32
    "tpu.region"() ({
      %run_scoped3A = tpu.sem_alloc : memref<!tpu.dma_semaphore, #tpu.memory_space<semaphore_mem>>
      %dma_start3A_94 = tpu.memref_slice %arg5[%mul3A_59] : memref<65552xi32, #tpu.memory_space<hbm>> -> memref<2048xi32, #tpu.memory_space<hbm>>
      %dma_start3A_95 = tpu.memref_slice %arg5[%mul3A_59] : memref<65552xi32, #tpu.memory_space<hbm>> -> memref<2048xi32, #tpu.memory_space<hbm>>
      tpu.enqueue_dma source(%dma_start3A_95 : memref<2048xi32, #tpu.memory_space<hbm>>) target(%arg11 : memref<2048xi32, #tpu.memory_space<vmem>>) target_semaphore(%run_scoped3A : memref<!tpu.dma_semaphore, #tpu.memory_space<semaphore_mem>>)
      %dma_wait3A_96 = tpu.memref_slice %arg5[%mul3A_59] : memref<65552xi32, #tpu.memory_space<hbm>> -> memref<2048xi32, #tpu.memory_space<hbm>>
      %dma_wait3A_97 = tpu.memref_slice %arg5[%mul3A_59] : memref<65552xi32, #tpu.memory_space<hbm>> -> memref<2048xi32, #tpu.memory_space<hbm>>
      tpu.wait_dma2 semaphore(%run_scoped3A : memref<!tpu.dma_semaphore, #tpu.memory_space<semaphore_mem>>) src(%dma_wait3A_97 : memref<2048xi32, #tpu.memory_space<hbm>>) dst(%arg11 : memref<2048xi32, #tpu.memory_space<vmem>>)
      tpu.yield
    }) : () -> ()
    %dma_start3A = arith.constant 0 : i32
    %dma_start3A_60 = tpu.memref_slice %arg2[%dma_start3A] : memref<1048576xf32, #tpu.memory_space<hbm>> -> memref<1048576xf32, #tpu.memory_space<hbm>>
    tpu.enqueue_indirect_dma source(%dma_start3A_60 : memref<1048576xf32, #tpu.memory_space<hbm>>) target(%arg12 : memref<2048xf32, #tpu.memory_space<vmem>>) offsets(%arg11 : memref<2048xi32, #tpu.memory_space<vmem>>) semaphore(%arg25 : memref<!tpu.dma_semaphore, #tpu.memory_space<semaphore_mem>>)
    %dma_wait3A = arith.constant 0 : i32
    %dma_wait3A_61 = tpu.memref_slice %arg2[%dma_wait3A] : memref<1048576xf32, #tpu.memory_space<hbm>> -> memref<1048576xf32, #tpu.memory_space<hbm>>
    tpu.wait_indirect_dma semaphore(%arg25 : memref<!tpu.dma_semaphore, #tpu.memory_space<semaphore_mem>>) src(%dma_wait3A_61 : memref<1048576xf32, #tpu.memory_space<hbm>>) dst(%arg12 : memref<2048xf32, #tpu.memory_space<vmem>>)
    %broadcast_in_dim3A = arith.constant 0.000000e+00 : f32
    %broadcast_in_dim3A_62 = vector.broadcast %broadcast_in_dim3A : f32 to vector<16xf32>
    %scan3A = arith.constant 0 : i32
    %scan3A_63 = arith.constant 0 : i32
    %scan3A_64 = arith.constant 128 : i32
    %scan3A_65 = arith.addi %scan3A_63, %scan3A_64 : i32
    %scan3A_66 = arith.constant 1 : i32
    %scan3A_67 = scf.for %scan3A_94 = %scan3A_63 to %scan3A_65 step %scan3A_66 iter_args(%scan3A_95 = %scan3A) -> (i32)  : i32 {
      %mul3A_96 = arith.constant 16 : i32
      %mul3A_97 = arith.muli %scan3A_94, %mul3A_96 : i32
      %swap3A = arith.index_cast %mul3A_97 : i32 to index
      %swap3A_98 = tpu.vector_load %arg20[%swap3A] {strides = array<i32>} : memref<2048xf32, #tpu.memory_space<vmem>>, vector<16xf32>,
      tpu.vector_store %arg20[%swap3A], %broadcast_in_dim3A_62 {strides = array<i32>} : memref<2048xf32, #tpu.memory_space<vmem>>, vector<16xf32>,
      %mul3A_99 = arith.constant 16 : i32
      %mul3A_100 = arith.muli %scan3A_94, %mul3A_99 : i32
      %swap3A_101 = arith.index_cast %mul3A_100 : i32 to index
      %swap3A_102 = tpu.vector_load %arg21[%swap3A_101] {strides = array<i32>} : memref<2048xf32, #tpu.memory_space<vmem>>, vector<16xf32>,
      tpu.vector_store %arg21[%swap3A_101], %broadcast_in_dim3A_62 {strides = array<i32>} : memref<2048xf32, #tpu.memory_space<vmem>>, vector<16xf32>,
      %mul3A_103 = arith.constant 16 : i32
      %mul3A_104 = arith.muli %scan3A_94, %mul3A_103 : i32
      %swap3A_105 = arith.index_cast %mul3A_104 : i32 to index
      %swap3A_106 = tpu.vector_load %arg22[%swap3A_105] {strides = array<i32>} : memref<2048xf32, #tpu.memory_space<vmem>>, vector<16xf32>,
      tpu.vector_store %arg22[%swap3A_105], %broadcast_in_dim3A_62 {strides = array<i32>} : memref<2048xf32, #tpu.memory_space<vmem>>, vector<16xf32>,
      %mul3A_107 = arith.constant 16 : i32
      %mul3A_108 = arith.muli %scan3A_94, %mul3A_107 : i32
      %swap3A_109 = arith.index_cast %mul3A_108 : i32 to index
      %swap3A_110 = tpu.vector_load %arg23[%swap3A_109] {strides = array<i32>} : memref<2048xf32, #tpu.memory_space<vmem>>, vector<16xf32>,
      tpu.vector_store %arg23[%swap3A_109], %broadcast_in_dim3A_62 {strides = array<i32>} : memref<2048xf32, #tpu.memory_space<vmem>>, vector<16xf32>,
      %mul3A_111 = arith.constant 16 : i32
      %mul3A_112 = arith.muli %scan3A_94, %mul3A_111 : i32
      %swap3A_113 = arith.index_cast %mul3A_112 : i32 to index
      %swap3A_114 = tpu.vector_load %arg24[%swap3A_113] {strides = array<i32>} : memref<2048xf32, #tpu.memory_space<vmem>>, vector<16xf32>,
      tpu.vector_store %arg24[%swap3A_113], %broadcast_in_dim3A_62 {strides = array<i32>} : memref<2048xf32, #tpu.memory_space<vmem>>, vector<16xf32>,
      %scan3A_115 = arith.constant 0 : i32
      scf.yield %scan3A_115 : i32
    }
    %scan3A_68 = arith.constant 128 : i32
    %while3A = arith.constant 0 : i32
    %while3A_69 = arith.subi %select_n3A_57, %select_n3A : i32
    %while3A_70 = arith.addi %select_n3A, %while3A_69 : i32
    %while3A_71 = arith.constant 1 : i32
    %while3A_72 = arith.divsi %while3A_69, %while3A_71 : i32
    %while3A_73 = arith.muli %while3A_72, %while3A_71 : i32
    %while3A_74 = arith.addi %select_n3A, %while3A_73 : i32
    %while3A_75 = arith.constant 1 : i32
    %while3A_76 = scf.for %while3A_94 = %select_n3A to %while3A_74 step %while3A_75 iter_args(%while3A_95 = %while3A) -> (i32)  : i32 {
      %mul3A_96 = arith.constant 4096 : i32
      %mul3A_97 = arith.muli %while3A_94, %mul3A_96 : i32
      %dma_start3A_98 = tpu.memref_slice %arg4[%mul3A_97] : memref<1048576xi32, #tpu.memory_space<hbm>> -> memref<4096xi32, #tpu.memory_space<hbm>>
      %dma_start3A_99 = tpu.memref_slice %arg4[%mul3A_97] : memref<1048576xi32, #tpu.memory_space<hbm>> -> memref<4096xi32, #tpu.memory_space<hbm>>
      tpu.enqueue_dma source(%dma_start3A_99 : memref<4096xi32, #tpu.memory_space<hbm>>) target(%arg13 : memref<4096xi32, #tpu.memory_space<vmem>>) target_semaphore(%arg25 : memref<!tpu.dma_semaphore, #tpu.memory_space<semaphore_mem>>)
      %mul3A_100 = arith.constant 4096 : i32
      %mul3A_101 = arith.muli %while3A_94, %mul3A_100 : i32
      %dma_start3A_102 = tpu.memref_slice %arg2[%mul3A_101] : memref<1048576xf32, #tpu.memory_space<hbm>> -> memref<4096xf32, #tpu.memory_space<hbm>>
      %dma_start3A_103 = tpu.memref_slice %arg2[%mul3A_101] : memref<1048576xf32, #tpu.memory_space<hbm>> -> memref<4096xf32, #tpu.memory_space<hbm>>
      tpu.enqueue_dma source(%dma_start3A_103 : memref<4096xf32, #tpu.memory_space<hbm>>) target(%arg14 : memref<4096xf32, #tpu.memory_space<vmem>>) target_semaphore(%arg25 : memref<!tpu.dma_semaphore, #tpu.memory_space<semaphore_mem>>)
      %mul3A_104 = arith.constant 4096 : i32
      %mul3A_105 = arith.muli %while3A_94, %mul3A_104 : i32
      %add3A_106 = arith.constant 0 : i32
      %add3A_107 = arith.addi %add3A_106, %mul3A_105 : i32
      %dma_start3A_108 = tpu.memref_slice %arg3[%add3A_107] : memref<5242880xf32, #tpu.memory_space<hbm>> -> memref<4096xf32, #tpu.memory_space<hbm>>
      %dma_start3A_109 = tpu.memref_slice %arg3[%add3A_107] : memref<5242880xf32, #tpu.memory_space<hbm>> -> memref<4096xf32, #tpu.memory_space<hbm>>
      tpu.enqueue_dma source(%dma_start3A_109 : memref<4096xf32, #tpu.memory_space<hbm>>) target(%arg15 : memref<4096xf32, #tpu.memory_space<vmem>>) target_semaphore(%arg25 : memref<!tpu.dma_semaphore, #tpu.memory_space<semaphore_mem>>)
      %mul3A_110 = arith.constant 4096 : i32
      %mul3A_111 = arith.muli %while3A_94, %mul3A_110 : i32
      %add3A_112 = arith.constant 1048576 : i32
      %add3A_113 = arith.addi %add3A_112, %mul3A_111 : i32
      %dma_start3A_114 = tpu.memref_slice %arg3[%add3A_113] : memref<5242880xf32, #tpu.memory_space<hbm>> -> memref<4096xf32, #tpu.memory_space<hbm>>
      %dma_start3A_115 = tpu.memref_slice %arg3[%add3A_113] : memref<5242880xf32, #tpu.memory_space<hbm>> -> memref<4096xf32, #tpu.memory_space<hbm>>
      tpu.enqueue_dma source(%dma_start3A_115 : memref<4096xf32, #tpu.memory_space<hbm>>) target(%arg16 : memref<4096xf32, #tpu.memory_space<vmem>>) target_semaphore(%arg25 : memref<!tpu.dma_semaphore, #tpu.memory_space<semaphore_mem>>)
      %mul3A_116 = arith.constant 4096 : i32
      %mul3A_117 = arith.muli %while3A_94, %mul3A_116 : i32
      %add3A_118 = arith.constant 2097152 : i32
      %add3A_119 = arith.addi %add3A_118, %mul3A_117 : i32
      %dma_start3A_120 = tpu.memref_slice %arg3[%add3A_119] : memref<5242880xf32, #tpu.memory_space<hbm>> -> memref<4096xf32, #tpu.memory_space<hbm>>
      %dma_start3A_121 = tpu.memref_slice %arg3[%add3A_119] : memref<5242880xf32, #tpu.memory_space<hbm>> -> memref<4096xf32, #tpu.memory_space<hbm>>
      tpu.enqueue_dma source(%dma_start3A_121 : memref<4096xf32, #tpu.memory_space<hbm>>) target(%arg17 : memref<4096xf32, #tpu.memory_space<vmem>>) target_semaphore(%arg25 : memref<!tpu.dma_semaphore, #tpu.memory_space<semaphore_mem>>)
      %mul3A_122 = arith.constant 4096 : i32
      %mul3A_123 = arith.muli %while3A_94, %mul3A_122 : i32
      %add3A_124 = arith.constant 3145728 : i32
      %add3A_125 = arith.addi %add3A_124, %mul3A_123 : i32
      %dma_start3A_126 = tpu.memref_slice %arg3[%add3A_125] : memref<5242880xf32, #tpu.memory_space<hbm>> -> memref<4096xf32, #tpu.memory_space<hbm>>
      %dma_start3A_127 = tpu.memref_slice %arg3[%add3A_125] : memref<5242880xf32, #tpu.memory_space<hbm>> -> memref<4096xf32, #tpu.memory_space<hbm>>
      tpu.enqueue_dma source(%dma_start3A_127 : memref<4096xf32, #tpu.memory_space<hbm>>) target(%arg18 : memref<4096xf32, #tpu.memory_space<vmem>>) target_semaphore(%arg25 : memref<!tpu.dma_semaphore, #tpu.memory_space<semaphore_mem>>)
      %mul3A_128 = arith.constant 4096 : i32
      %mul3A_129 = arith.muli %while3A_94, %mul3A_128 : i32
      %add3A_130 = arith.constant 4194304 : i32
      %add3A_131 = arith.addi %add3A_130, %mul3A_129 : i32
      %dma_start3A_132 = tpu.memref_slice %arg3[%add3A_131] : memref<5242880xf32, #tpu.memory_space<hbm>> -> memref<4096xf32, #tpu.memory_space<hbm>>
      %dma_start3A_133 = tpu.memref_slice %arg3[%add3A_131] : memref<5242880xf32, #tpu.memory_space<hbm>> -> memref<4096xf32, #tpu.memory_space<hbm>>
      tpu.enqueue_dma source(%dma_start3A_133 : memref<4096xf32, #tpu.memory_space<hbm>>) target(%arg19 : memref<4096xf32, #tpu.memory_space<vmem>>) target_semaphore(%arg25 : memref<!tpu.dma_semaphore, #tpu.memory_space<semaphore_mem>>)
      %dma_wait3A_134 = tpu.memref_slice %arg4[%mul3A_97] : memref<1048576xi32, #tpu.memory_space<hbm>> -> memref<4096xi32, #tpu.memory_space<hbm>>
      %dma_wait3A_135 = tpu.memref_slice %arg4[%mul3A_97] : memref<1048576xi32, #tpu.memory_space<hbm>> -> memref<4096xi32, #tpu.memory_space<hbm>>
      tpu.wait_dma2 semaphore(%arg25 : memref<!tpu.dma_semaphore, #tpu.memory_space<semaphore_mem>>) src(%dma_wait3A_135 : memref<4096xi32, #tpu.memory_space<hbm>>) dst(%arg13 : memref<4096xi32, #tpu.memory_space<vmem>>)
      %dma_wait3A_136 = tpu.memref_slice %arg2[%mul3A_101] : memref<1048576xf32, #tpu.memory_space<hbm>> -> memref<4096xf32, #tpu.memory_space<hbm>>
      %dma_wait3A_137 = tpu.memref_slice %arg2[%mul3A_101] : memref<1048576xf32, #tpu.memory_space<hbm>> -> memref<4096xf32, #tpu.memory_space<hbm>>
      tpu.wait_dma2 semaphore(%arg25 : memref<!tpu.dma_semaphore, #tpu.memory_space<semaphore_mem>>) src(%dma_wait3A_137 : memref<4096xf32, #tpu.memory_space<hbm>>) dst(%arg14 : memref<4096xf32, #tpu.memory_space<vmem>>)
      %dma_wait3A_138 = tpu.memref_slice %arg3[%add3A_107] : memref<5242880xf32, #tpu.memory_space<hbm>> -> memref<4096xf32, #tpu.memory_space<hbm>>
      %dma_wait3A_139 = tpu.memref_slice %arg3[%add3A_107] : memref<5242880xf32, #tpu.memory_space<hbm>> -> memref<4096xf32, #tpu.memory_space<hbm>>
      tpu.wait_dma2 semaphore(%arg25 : memref<!tpu.dma_semaphore, #tpu.memory_space<semaphore_mem>>) src(%dma_wait3A_139 : memref<4096xf32, #tpu.memory_space<hbm>>) dst(%arg15 : memref<4096xf32, #tpu.memory_space<vmem>>)
      %dma_wait3A_140 = tpu.memref_slice %arg3[%add3A_113] : memref<5242880xf32, #tpu.memory_space<hbm>> -> memref<4096xf32, #tpu.memory_space<hbm>>
      %dma_wait3A_141 = tpu.memref_slice %arg3[%add3A_113] : memref<5242880xf32, #tpu.memory_space<hbm>> -> memref<4096xf32, #tpu.memory_space<hbm>>
      tpu.wait_dma2 semaphore(%arg25 : memref<!tpu.dma_semaphore, #tpu.memory_space<semaphore_mem>>) src(%dma_wait3A_141 : memref<4096xf32, #tpu.memory_space<hbm>>) dst(%arg16 : memref<4096xf32, #tpu.memory_space<vmem>>)
      %dma_wait3A_142 = tpu.memref_slice %arg3[%add3A_119] : memref<5242880xf32, #tpu.memory_space<hbm>> -> memref<4096xf32, #tpu.memory_space<hbm>>
      %dma_wait3A_143 = tpu.memref_slice %arg3[%add3A_119] : memref<5242880xf32, #tpu.memory_space<hbm>> -> memref<4096xf32, #tpu.memory_space<hbm>>
      tpu.wait_dma2 semaphore(%arg25 : memref<!tpu.dma_semaphore, #tpu.memory_space<semaphore_mem>>) src(%dma_wait3A_143 : memref<4096xf32, #tpu.memory_space<hbm>>) dst(%arg17 : memref<4096xf32, #tpu.memory_space<vmem>>)
      %dma_wait3A_144 = tpu.memref_slice %arg3[%add3A_125] : memref<5242880xf32, #tpu.memory_space<hbm>> -> memref<4096xf32, #tpu.memory_space<hbm>>
      %dma_wait3A_145 = tpu.memref_slice %arg3[%add3A_125] : memref<5242880xf32, #tpu.memory_space<hbm>> -> memref<4096xf32, #tpu.memory_space<hbm>>
      tpu.wait_dma2 semaphore(%arg25 : memref<!tpu.dma_semaphore, #tpu.memory_space<semaphore_mem>>) src(%dma_wait3A_145 : memref<4096xf32, #tpu.memory_space<hbm>>) dst(%arg18 : memref<4096xf32, #tpu.memory_space<vmem>>)
      %dma_wait3A_146 = tpu.memref_slice %arg3[%add3A_131] : memref<5242880xf32, #tpu.memory_space<hbm>> -> memref<4096xf32, #tpu.memory_space<hbm>>
      %dma_wait3A_147 = tpu.memref_slice %arg3[%add3A_131] : memref<5242880xf32, #tpu.memory_space<hbm>> -> memref<4096xf32, #tpu.memory_space<hbm>>
      tpu.wait_dma2 semaphore(%arg25 : memref<!tpu.dma_semaphore, #tpu.memory_space<semaphore_mem>>) src(%dma_wait3A_147 : memref<4096xf32, #tpu.memory_space<hbm>>) dst(%arg19 : memref<4096xf32, #tpu.memory_space<vmem>>)
      %scan3A_148 = arith.constant 0 : i32
      %scan3A_149 = arith.constant 0 : i32
      %scan3A_150 = arith.constant 256 : i32
      %scan3A_151 = arith.addi %scan3A_149, %scan3A_150 : i32
      %scan3A_152 = arith.constant 1 : i32
      %scan3A_153 = scf.for %scan3A_156 = %scan3A_149 to %scan3A_151 step %scan3A_152 iter_args(%scan3A_157 = %scan3A_148) -> (i32)  : i32 {
        %mul3A_158 = arith.constant 16 : i32
        %mul3A_159 = arith.muli %scan3A_156, %mul3A_158 : i32
        %get3A_160 = arith.index_cast %mul3A_159 : i32 to index
        %get3A_161 = tpu.vector_load %arg13[%get3A_160] {strides = array<i32>} : memref<4096xi32, #tpu.memory_space<vmem>>, vector<16xi32>,
        %sub3A_162 = vector.broadcast %mul3A_2 : i32 to vector<16xi32>
        %sub3A_163 = arith.subi %get3A_161, %sub3A_162 : vector<16xi32>
        %ge3A = arith.constant 0 : i32
        %ge3A_164 = vector.broadcast %ge3A : i32 to vector<16xi32>
        %ge3A_165 = arith.cmpi sge, %sub3A_163, %ge3A_164 : vector<16xi32>
        %lt3A = arith.constant 2048 : i32
        %lt3A_166 = vector.broadcast %lt3A : i32 to vector<16xi32>
        %lt3A_167 = arith.cmpi slt, %sub3A_163, %lt3A_166 : vector<16xi32>
        %and3A_168 = arith.andi %ge3A_165, %lt3A_167 : vector<16xi1>
        %jit3A_169 = arith.constant 0 : i32
        %broadcast_in_dim3A_170 = vector.broadcast %jit3A_169 : i32 to vector<16xi32>
        %select_n3A_171 = arith.select %and3A_168, %sub3A_163, %broadcast_in_dim3A_170 : vector<16xi1>, vector<16xi32>
        %gather3A = tpu.vector_load_idx %arg12[%select_n3A_171] : memref<2048xf32, #tpu.memory_space<vmem>>[vector<16xi32>], vector<16xf32>,
        %mul3A_172 = arith.constant 16 : i32
        %mul3A_173 = arith.muli %scan3A_156, %mul3A_172 : i32
        %get3A_174 = arith.index_cast %mul3A_173 : i32 to index
        %get3A_175 = tpu.vector_load %arg14[%get3A_174] {strides = array<i32>} : memref<4096xf32, #tpu.memory_space<vmem>>, vector<16xf32>,
        %sub3A_176 = arith.subf %get3A_175, %gather3A : vector<16xf32>
        %exp3A = math.exp %sub3A_176 : vector<16xf32>
        %mul3A_177 = arith.constant 16 : i32
        %mul3A_178 = arith.muli %scan3A_156, %mul3A_177 : i32
        %get3A_179 = arith.index_cast %mul3A_178 : i32 to index
        %get3A_180 = tpu.vector_load %arg15[%get3A_179] {strides = array<i32>} : memref<4096xf32, #tpu.memory_space<vmem>>, vector<16xf32>,
        %mul3A_181 = arith.mulf %get3A_180, %exp3A : vector<16xf32>
        tpu.vector_store_idx %arg20[%select_n3A_171], %mul3A_181 masked %and3A_168 {add = true} : memref<2048xf32, #tpu.memory_space<vmem>>[vector<16xi32>], vector<16xf32>, vector<16xi1>
        %mul3A_182 = arith.constant 16 : i32
        %mul3A_183 = arith.muli %scan3A_156, %mul3A_182 : i32
        %get3A_184 = arith.index_cast %mul3A_183 : i32 to index
        %get3A_185 = tpu.vector_load %arg16[%get3A_184] {strides = array<i32>} : memref<4096xf32, #tpu.memory_space<vmem>>, vector<16xf32>,
        %mul3A_186 = arith.mulf %get3A_185, %exp3A : vector<16xf32>
        tpu.vector_store_idx %arg21[%select_n3A_171], %mul3A_186 masked %and3A_168 {add = true} : memref<2048xf32, #tpu.memory_space<vmem>>[vector<16xi32>], vector<16xf32>, vector<16xi1>
        %mul3A_187 = arith.constant 16 : i32
        %mul3A_188 = arith.muli %scan3A_156, %mul3A_187 : i32
        %get3A_189 = arith.index_cast %mul3A_188 : i32 to index
        %get3A_190 = tpu.vector_load %arg17[%get3A_189] {strides = array<i32>} : memref<4096xf32, #tpu.memory_space<vmem>>, vector<16xf32>,
        %mul3A_191 = arith.mulf %get3A_190, %exp3A : vector<16xf32>
        tpu.vector_store_idx %arg22[%select_n3A_171], %mul3A_191 masked %and3A_168 {add = true} : memref<2048xf32, #tpu.memory_space<vmem>>[vector<16xi32>], vector<16xf32>, vector<16xi1>
        %mul3A_192 = arith.constant 16 : i32
        %mul3A_193 = arith.muli %scan3A_156, %mul3A_192 : i32
        %get3A_194 = arith.index_cast %mul3A_193 : i32 to index
        %get3A_195 = tpu.vector_load %arg18[%get3A_194] {strides = array<i32>} : memref<4096xf32, #tpu.memory_space<vmem>>, vector<16xf32>,
        %mul3A_196 = arith.mulf %get3A_195, %exp3A : vector<16xf32>
        tpu.vector_store_idx %arg23[%select_n3A_171], %mul3A_196 masked %and3A_168 {add = true} : memref<2048xf32, #tpu.memory_space<vmem>>[vector<16xi32>], vector<16xf32>, vector<16xi1>
        %mul3A_197 = arith.constant 16 : i32
        %mul3A_198 = arith.muli %scan3A_156, %mul3A_197 : i32
        %get3A_199 = arith.index_cast %mul3A_198 : i32 to index
        %get3A_200 = tpu.vector_load %arg19[%get3A_199] {strides = array<i32>} : memref<4096xf32, #tpu.memory_space<vmem>>, vector<16xf32>,
        %mul3A_201 = arith.mulf %get3A_200, %exp3A : vector<16xf32>
        tpu.vector_store_idx %arg24[%select_n3A_171], %mul3A_201 masked %and3A_168 {add = true} : memref<2048xf32, #tpu.memory_space<vmem>>[vector<16xi32>], vector<16xf32>, vector<16xi1>
        %scan3A_202 = arith.constant 0 : i32
        scf.yield %scan3A_202 : i32
      }
      %scan3A_154 = arith.constant 256 : i32
      %while3A_155 = arith.constant 0 : i32
      scf.yield %while3A_155 : i32
    }
    %while3A_77 = arith.constant 1 : i32
    %while3A_78 = scf.for %while3A_94 = %while3A_74 to %while3A_70 step %while3A_77 iter_args(%while3A_95 = %while3A_76) -> (i32)  : i32 {
      %mul3A_96 = arith.constant 4096 : i32
      %mul3A_97 = arith.muli %while3A_94, %mul3A_96 : i32
      %dma_start3A_98 = tpu.memref_slice %arg4[%mul3A_97] : memref<1048576xi32, #tpu.memory_space<hbm>> -> memref<4096xi32, #tpu.memory_space<hbm>>
      %dma_start3A_99 = tpu.memref_slice %arg4[%mul3A_97] : memref<1048576xi32, #tpu.memory_space<hbm>> -> memref<4096xi32, #tpu.memory_space<hbm>>
      tpu.enqueue_dma source(%dma_start3A_99 : memref<4096xi32, #tpu.memory_space<hbm>>) target(%arg13 : memref<4096xi32, #tpu.memory_space<vmem>>) target_semaphore(%arg25 : memref<!tpu.dma_semaphore, #tpu.memory_space<semaphore_mem>>)
      %mul3A_100 = arith.constant 4096 : i32
      %mul3A_101 = arith.muli %while3A_94, %mul3A_100 : i32
      %dma_start3A_102 = tpu.memref_slice %arg2[%mul3A_101] : memref<1048576xf32, #tpu.memory_space<hbm>> -> memref<4096xf32, #tpu.memory_space<hbm>>
      %dma_start3A_103 = tpu.memref_slice %arg2[%mul3A_101] : memref<1048576xf32, #tpu.memory_space<hbm>> -> memref<4096xf32, #tpu.memory_space<hbm>>
      tpu.enqueue_dma source(%dma_start3A_103 : memref<4096xf32, #tpu.memory_space<hbm>>) target(%arg14 : memref<4096xf32, #tpu.memory_space<vmem>>) target_semaphore(%arg25 : memref<!tpu.dma_semaphore, #tpu.memory_space<semaphore_mem>>)
      %mul3A_104 = arith.constant 4096 : i32
      %mul3A_105 = arith.muli %while3A_94, %mul3A_104 : i32
      %add3A_106 = arith.constant 0 : i32
      %add3A_107 = arith.addi %add3A_106, %mul3A_105 : i32
      %dma_start3A_108 = tpu.memref_slice %arg3[%add3A_107] : memref<5242880xf32, #tpu.memory_space<hbm>> -> memref<4096xf32, #tpu.memory_space<hbm>>
      %dma_start3A_109 = tpu.memref_slice %arg3[%add3A_107] : memref<5242880xf32, #tpu.memory_space<hbm>> -> memref<4096xf32, #tpu.memory_space<hbm>>
      tpu.enqueue_dma source(%dma_start3A_109 : memref<4096xf32, #tpu.memory_space<hbm>>) target(%arg15 : memref<4096xf32, #tpu.memory_space<vmem>>) target_semaphore(%arg25 : memref<!tpu.dma_semaphore, #tpu.memory_space<semaphore_mem>>)
      %mul3A_110 = arith.constant 4096 : i32
      %mul3A_111 = arith.muli %while3A_94, %mul3A_110 : i32
      %add3A_112 = arith.constant 1048576 : i32
      %add3A_113 = arith.addi %add3A_112, %mul3A_111 : i32
      %dma_start3A_114 = tpu.memref_slice %arg3[%add3A_113] : memref<5242880xf32, #tpu.memory_space<hbm>> -> memref<4096xf32, #tpu.memory_space<hbm>>
      %dma_start3A_115 = tpu.memref_slice %arg3[%add3A_113] : memref<5242880xf32, #tpu.memory_space<hbm>> -> memref<4096xf32, #tpu.memory_space<hbm>>
      tpu.enqueue_dma source(%dma_start3A_115 : memref<4096xf32, #tpu.memory_space<hbm>>) target(%arg16 : memref<4096xf32, #tpu.memory_space<vmem>>) target_semaphore(%arg25 : memref<!tpu.dma_semaphore, #tpu.memory_space<semaphore_mem>>)
      %mul3A_116 = arith.constant 4096 : i32
      %mul3A_117 = arith.muli %while3A_94, %mul3A_116 : i32
      %add3A_118 = arith.constant 2097152 : i32
      %add3A_119 = arith.addi %add3A_118, %mul3A_117 : i32
      %dma_start3A_120 = tpu.memref_slice %arg3[%add3A_119] : memref<5242880xf32, #tpu.memory_space<hbm>> -> memref<4096xf32, #tpu.memory_space<hbm>>
      %dma_start3A_121 = tpu.memref_slice %arg3[%add3A_119] : memref<5242880xf32, #tpu.memory_space<hbm>> -> memref<4096xf32, #tpu.memory_space<hbm>>
      tpu.enqueue_dma source(%dma_start3A_121 : memref<4096xf32, #tpu.memory_space<hbm>>) target(%arg17 : memref<4096xf32, #tpu.memory_space<vmem>>) target_semaphore(%arg25 : memref<!tpu.dma_semaphore, #tpu.memory_space<semaphore_mem>>)
      %mul3A_122 = arith.constant 4096 : i32
      %mul3A_123 = arith.muli %while3A_94, %mul3A_122 : i32
      %add3A_124 = arith.constant 3145728 : i32
      %add3A_125 = arith.addi %add3A_124, %mul3A_123 : i32
      %dma_start3A_126 = tpu.memref_slice %arg3[%add3A_125] : memref<5242880xf32, #tpu.memory_space<hbm>> -> memref<4096xf32, #tpu.memory_space<hbm>>
      %dma_start3A_127 = tpu.memref_slice %arg3[%add3A_125] : memref<5242880xf32, #tpu.memory_space<hbm>> -> memref<4096xf32, #tpu.memory_space<hbm>>
      tpu.enqueue_dma source(%dma_start3A_127 : memref<4096xf32, #tpu.memory_space<hbm>>) target(%arg18 : memref<4096xf32, #tpu.memory_space<vmem>>) target_semaphore(%arg25 : memref<!tpu.dma_semaphore, #tpu.memory_space<semaphore_mem>>)
      %mul3A_128 = arith.constant 4096 : i32
      %mul3A_129 = arith.muli %while3A_94, %mul3A_128 : i32
      %add3A_130 = arith.constant 4194304 : i32
      %add3A_131 = arith.addi %add3A_130, %mul3A_129 : i32
      %dma_start3A_132 = tpu.memref_slice %arg3[%add3A_131] : memref<5242880xf32, #tpu.memory_space<hbm>> -> memref<4096xf32, #tpu.memory_space<hbm>>
      %dma_start3A_133 = tpu.memref_slice %arg3[%add3A_131] : memref<5242880xf32, #tpu.memory_space<hbm>> -> memref<4096xf32, #tpu.memory_space<hbm>>
      tpu.enqueue_dma source(%dma_start3A_133 : memref<4096xf32, #tpu.memory_space<hbm>>) target(%arg19 : memref<4096xf32, #tpu.memory_space<vmem>>) target_semaphore(%arg25 : memref<!tpu.dma_semaphore, #tpu.memory_space<semaphore_mem>>)
      %dma_wait3A_134 = tpu.memref_slice %arg4[%mul3A_97] : memref<1048576xi32, #tpu.memory_space<hbm>> -> memref<4096xi32, #tpu.memory_space<hbm>>
      %dma_wait3A_135 = tpu.memref_slice %arg4[%mul3A_97] : memref<1048576xi32, #tpu.memory_space<hbm>> -> memref<4096xi32, #tpu.memory_space<hbm>>
      tpu.wait_dma2 semaphore(%arg25 : memref<!tpu.dma_semaphore, #tpu.memory_space<semaphore_mem>>) src(%dma_wait3A_135 : memref<4096xi32, #tpu.memory_space<hbm>>) dst(%arg13 : memref<4096xi32, #tpu.memory_space<vmem>>)
      %dma_wait3A_136 = tpu.memref_slice %arg2[%mul3A_101] : memref<1048576xf32, #tpu.memory_space<hbm>> -> memref<4096xf32, #tpu.memory_space<hbm>>
      %dma_wait3A_137 = tpu.memref_slice %arg2[%mul3A_101] : memref<1048576xf32, #tpu.memory_space<hbm>> -> memref<4096xf32, #tpu.memory_space<hbm>>
      tpu.wait_dma2 semaphore(%arg25 : memref<!tpu.dma_semaphore, #tpu.memory_space<semaphore_mem>>) src(%dma_wait3A_137 : memref<4096xf32, #tpu.memory_space<hbm>>) dst(%arg14 : memref<4096xf32, #tpu.memory_space<vmem>>)
      %dma_wait3A_138 = tpu.memref_slice %arg3[%add3A_107] : memref<5242880xf32, #tpu.memory_space<hbm>> -> memref<4096xf32, #tpu.memory_space<hbm>>
      %dma_wait3A_139 = tpu.memref_slice %arg3[%add3A_107] : memref<5242880xf32, #tpu.memory_space<hbm>> -> memref<4096xf32, #tpu.memory_space<hbm>>
      tpu.wait_dma2 semaphore(%arg25 : memref<!tpu.dma_semaphore, #tpu.memory_space<semaphore_mem>>) src(%dma_wait3A_139 : memref<4096xf32, #tpu.memory_space<hbm>>) dst(%arg15 : memref<4096xf32, #tpu.memory_space<vmem>>)
      %dma_wait3A_140 = tpu.memref_slice %arg3[%add3A_113] : memref<5242880xf32, #tpu.memory_space<hbm>> -> memref<4096xf32, #tpu.memory_space<hbm>>
      %dma_wait3A_141 = tpu.memref_slice %arg3[%add3A_113] : memref<5242880xf32, #tpu.memory_space<hbm>> -> memref<4096xf32, #tpu.memory_space<hbm>>
      tpu.wait_dma2 semaphore(%arg25 : memref<!tpu.dma_semaphore, #tpu.memory_space<semaphore_mem>>) src(%dma_wait3A_141 : memref<4096xf32, #tpu.memory_space<hbm>>) dst(%arg16 : memref<4096xf32, #tpu.memory_space<vmem>>)
      %dma_wait3A_142 = tpu.memref_slice %arg3[%add3A_119] : memref<5242880xf32, #tpu.memory_space<hbm>> -> memref<4096xf32, #tpu.memory_space<hbm>>
      %dma_wait3A_143 = tpu.memref_slice %arg3[%add3A_119] : memref<5242880xf32, #tpu.memory_space<hbm>> -> memref<4096xf32, #tpu.memory_space<hbm>>
      tpu.wait_dma2 semaphore(%arg25 : memref<!tpu.dma_semaphore, #tpu.memory_space<semaphore_mem>>) src(%dma_wait3A_143 : memref<4096xf32, #tpu.memory_space<hbm>>) dst(%arg17 : memref<4096xf32, #tpu.memory_space<vmem>>)
      %dma_wait3A_144 = tpu.memref_slice %arg3[%add3A_125] : memref<5242880xf32, #tpu.memory_space<hbm>> -> memref<4096xf32, #tpu.memory_space<hbm>>
      %dma_wait3A_145 = tpu.memref_slice %arg3[%add3A_125] : memref<5242880xf32, #tpu.memory_space<hbm>> -> memref<4096xf32, #tpu.memory_space<hbm>>
      tpu.wait_dma2 semaphore(%arg25 : memref<!tpu.dma_semaphore, #tpu.memory_space<semaphore_mem>>) src(%dma_wait3A_145 : memref<4096xf32, #tpu.memory_space<hbm>>) dst(%arg18 : memref<4096xf32, #tpu.memory_space<vmem>>)
      %dma_wait3A_146 = tpu.memref_slice %arg3[%add3A_131] : memref<5242880xf32, #tpu.memory_space<hbm>> -> memref<4096xf32, #tpu.memory_space<hbm>>
      %dma_wait3A_147 = tpu.memref_slice %arg3[%add3A_131] : memref<5242880xf32, #tpu.memory_space<hbm>> -> memref<4096xf32, #tpu.memory_space<hbm>>
      tpu.wait_dma2 semaphore(%arg25 : memref<!tpu.dma_semaphore, #tpu.memory_space<semaphore_mem>>) src(%dma_wait3A_147 : memref<4096xf32, #tpu.memory_space<hbm>>) dst(%arg19 : memref<4096xf32, #tpu.memory_space<vmem>>)
      %scan3A_148 = arith.constant 0 : i32
      %scan3A_149 = arith.constant 0 : i32
      %scan3A_150 = arith.constant 256 : i32
      %scan3A_151 = arith.addi %scan3A_149, %scan3A_150 : i32
      %scan3A_152 = arith.constant 1 : i32
      %scan3A_153 = scf.for %scan3A_156 = %scan3A_149 to %scan3A_151 step %scan3A_152 iter_args(%scan3A_157 = %scan3A_148) -> (i32)  : i32 {
        %mul3A_158 = arith.constant 16 : i32
        %mul3A_159 = arith.muli %scan3A_156, %mul3A_158 : i32
        %get3A_160 = arith.index_cast %mul3A_159 : i32 to index
        %get3A_161 = tpu.vector_load %arg13[%get3A_160] {strides = array<i32>} : memref<4096xi32, #tpu.memory_space<vmem>>, vector<16xi32>,
        %sub3A_162 = vector.broadcast %mul3A_2 : i32 to vector<16xi32>
        %sub3A_163 = arith.subi %get3A_161, %sub3A_162 : vector<16xi32>
        %ge3A = arith.constant 0 : i32
        %ge3A_164 = vector.broadcast %ge3A : i32 to vector<16xi32>
        %ge3A_165 = arith.cmpi sge, %sub3A_163, %ge3A_164 : vector<16xi32>
        %lt3A = arith.constant 2048 : i32
        %lt3A_166 = vector.broadcast %lt3A : i32 to vector<16xi32>
        %lt3A_167 = arith.cmpi slt, %sub3A_163, %lt3A_166 : vector<16xi32>
        %and3A_168 = arith.andi %ge3A_165, %lt3A_167 : vector<16xi1>
        %jit3A_169 = arith.constant 0 : i32
        %broadcast_in_dim3A_170 = vector.broadcast %jit3A_169 : i32 to vector<16xi32>
        %select_n3A_171 = arith.select %and3A_168, %sub3A_163, %broadcast_in_dim3A_170 : vector<16xi1>, vector<16xi32>
        %gather3A = tpu.vector_load_idx %arg12[%select_n3A_171] : memref<2048xf32, #tpu.memory_space<vmem>>[vector<16xi32>], vector<16xf32>,
        %mul3A_172 = arith.constant 16 : i32
        %mul3A_173 = arith.muli %scan3A_156, %mul3A_172 : i32
        %get3A_174 = arith.index_cast %mul3A_173 : i32 to index
        %get3A_175 = tpu.vector_load %arg14[%get3A_174] {strides = array<i32>} : memref<4096xf32, #tpu.memory_space<vmem>>, vector<16xf32>,
        %sub3A_176 = arith.subf %get3A_175, %gather3A : vector<16xf32>
        %exp3A = math.exp %sub3A_176 : vector<16xf32>
        %mul3A_177 = arith.constant 16 : i32
        %mul3A_178 = arith.muli %scan3A_156, %mul3A_177 : i32
        %get3A_179 = arith.index_cast %mul3A_178 : i32 to index
        %get3A_180 = tpu.vector_load %arg15[%get3A_179] {strides = array<i32>} : memref<4096xf32, #tpu.memory_space<vmem>>, vector<16xf32>,
        %mul3A_181 = arith.mulf %get3A_180, %exp3A : vector<16xf32>
        tpu.vector_store_idx %arg20[%select_n3A_171], %mul3A_181 masked %and3A_168 {add = true} : memref<2048xf32, #tpu.memory_space<vmem>>[vector<16xi32>], vector<16xf32>, vector<16xi1>
        %mul3A_182 = arith.constant 16 : i32
        %mul3A_183 = arith.muli %scan3A_156, %mul3A_182 : i32
        %get3A_184 = arith.index_cast %mul3A_183 : i32 to index
        %get3A_185 = tpu.vector_load %arg16[%get3A_184] {strides = array<i32>} : memref<4096xf32, #tpu.memory_space<vmem>>, vector<16xf32>,
        %mul3A_186 = arith.mulf %get3A_185, %exp3A : vector<16xf32>
        tpu.vector_store_idx %arg21[%select_n3A_171], %mul3A_186 masked %and3A_168 {add = true} : memref<2048xf32, #tpu.memory_space<vmem>>[vector<16xi32>], vector<16xf32>, vector<16xi1>
        %mul3A_187 = arith.constant 16 : i32
        %mul3A_188 = arith.muli %scan3A_156, %mul3A_187 : i32
        %get3A_189 = arith.index_cast %mul3A_188 : i32 to index
        %get3A_190 = tpu.vector_load %arg17[%get3A_189] {strides = array<i32>} : memref<4096xf32, #tpu.memory_space<vmem>>, vector<16xf32>,
        %mul3A_191 = arith.mulf %get3A_190, %exp3A : vector<16xf32>
        tpu.vector_store_idx %arg22[%select_n3A_171], %mul3A_191 masked %and3A_168 {add = true} : memref<2048xf32, #tpu.memory_space<vmem>>[vector<16xi32>], vector<16xf32>, vector<16xi1>
        %mul3A_192 = arith.constant 16 : i32
        %mul3A_193 = arith.muli %scan3A_156, %mul3A_192 : i32
        %get3A_194 = arith.index_cast %mul3A_193 : i32 to index
        %get3A_195 = tpu.vector_load %arg18[%get3A_194] {strides = array<i32>} : memref<4096xf32, #tpu.memory_space<vmem>>, vector<16xf32>,
        %mul3A_196 = arith.mulf %get3A_195, %exp3A : vector<16xf32>
        tpu.vector_store_idx %arg23[%select_n3A_171], %mul3A_196 masked %and3A_168 {add = true} : memref<2048xf32, #tpu.memory_space<vmem>>[vector<16xi32>], vector<16xf32>, vector<16xi1>
        %mul3A_197 = arith.constant 16 : i32
        %mul3A_198 = arith.muli %scan3A_156, %mul3A_197 : i32
        %get3A_199 = arith.index_cast %mul3A_198 : i32 to index
        %get3A_200 = tpu.vector_load %arg19[%get3A_199] {strides = array<i32>} : memref<4096xf32, #tpu.memory_space<vmem>>, vector<16xf32>,
        %mul3A_201 = arith.mulf %get3A_200, %exp3A : vector<16xf32>
        tpu.vector_store_idx %arg24[%select_n3A_171], %mul3A_201 masked %and3A_168 {add = true} : memref<2048xf32, #tpu.memory_space<vmem>>[vector<16xi32>], vector<16xf32>, vector<16xi1>
        %scan3A_202 = arith.constant 0 : i32
        scf.yield %scan3A_202 : i32
      }
      %scan3A_154 = arith.constant 256 : i32
      %while3A_155 = arith.constant 0 : i32
      scf.yield %while3A_155 : i32
    }
    %broadcast_in_dim3A_79 = arith.constant 1.000000e+00 : f32
    %broadcast_in_dim3A_80 = vector.broadcast %broadcast_in_dim3A_79 : f32 to vector<16xf32>
    %scan3A_81 = arith.constant 0 : i32
    %scan3A_82 = arith.constant 0 : i32
    %scan3A_83 = arith.constant 128 : i32
    %scan3A_84 = arith.addi %scan3A_82, %scan3A_83 : i32
    %scan3A_85 = arith.constant 1 : i32
    %scan3A_86 = scf.for %scan3A_94 = %scan3A_82 to %scan3A_84 step %scan3A_85 iter_args(%scan3A_95 = %scan3A_81) -> (i32)  : i32 {
      %mul3A_96 = arith.constant 16 : i32
      %mul3A_97 = arith.muli %scan3A_94, %mul3A_96 : i32
      %get3A_98 = arith.index_cast %mul3A_97 : i32 to index
      %get3A_99 = tpu.vector_load %arg22[%get3A_98] {strides = array<i32>} : memref<2048xf32, #tpu.memory_space<vmem>>, vector<16xf32>,
      %add3A_100 = arith.addf %get3A_99, %broadcast_in_dim3A_80 : vector<16xf32>
      %mul3A_101 = arith.constant 16 : i32
      %mul3A_102 = arith.muli %scan3A_94, %mul3A_101 : i32
      %swap3A = arith.index_cast %mul3A_102 : i32 to index
      %swap3A_103 = tpu.vector_load %arg22[%swap3A] {strides = array<i32>} : memref<2048xf32, #tpu.memory_space<vmem>>, vector<16xf32>,
      tpu.vector_store %arg22[%swap3A], %add3A_100 {strides = array<i32>} : memref<2048xf32, #tpu.memory_space<vmem>>, vector<16xf32>,
      %mul3A_104 = arith.constant 16 : i32
      %mul3A_105 = arith.muli %scan3A_94, %mul3A_104 : i32
      %get3A_106 = arith.index_cast %mul3A_105 : i32 to index
      %get3A_107 = tpu.vector_load %arg23[%get3A_106] {strides = array<i32>} : memref<2048xf32, #tpu.memory_space<vmem>>, vector<16xf32>,
      %add3A_108 = arith.addf %get3A_107, %broadcast_in_dim3A_80 : vector<16xf32>
      %mul3A_109 = arith.constant 16 : i32
      %mul3A_110 = arith.muli %scan3A_94, %mul3A_109 : i32
      %swap3A_111 = arith.index_cast %mul3A_110 : i32 to index
      %swap3A_112 = tpu.vector_load %arg23[%swap3A_111] {strides = array<i32>} : memref<2048xf32, #tpu.memory_space<vmem>>, vector<16xf32>,
      tpu.vector_store %arg23[%swap3A_111], %add3A_108 {strides = array<i32>} : memref<2048xf32, #tpu.memory_space<vmem>>, vector<16xf32>,
      %mul3A_113 = arith.constant 16 : i32
      %mul3A_114 = arith.muli %scan3A_94, %mul3A_113 : i32
      %get3A_115 = arith.index_cast %mul3A_114 : i32 to index
      %get3A_116 = tpu.vector_load %arg24[%get3A_115] {strides = array<i32>} : memref<2048xf32, #tpu.memory_space<vmem>>, vector<16xf32>,
      %add3A_117 = arith.addf %get3A_116, %broadcast_in_dim3A_80 : vector<16xf32>
      %mul3A_118 = arith.constant 16 : i32
      %mul3A_119 = arith.muli %scan3A_94, %mul3A_118 : i32
      %swap3A_120 = arith.index_cast %mul3A_119 : i32 to index
      %swap3A_121 = tpu.vector_load %arg24[%swap3A_120] {strides = array<i32>} : memref<2048xf32, #tpu.memory_space<vmem>>, vector<16xf32>,
      tpu.vector_store %arg24[%swap3A_120], %add3A_117 {strides = array<i32>} : memref<2048xf32, #tpu.memory_space<vmem>>, vector<16xf32>,
      %scan3A_122 = arith.constant 0 : i32
      scf.yield %scan3A_122 : i32
    }
    %scan3A_87 = arith.constant 128 : i32
    "tpu.region"() ({
      %run_scoped3A = tpu.sem_alloc : memref<!tpu.dma_semaphore, #tpu.memory_space<semaphore_mem>>
      %dma_start3A_94 = tpu.memref_slice %arg8[%mul3A_2] : memref<65536xf32, #tpu.memory_space<hbm>> -> memref<2048xf32, #tpu.memory_space<hbm>>
      %dma_start3A_95 = tpu.memref_slice %arg8[%mul3A_2] : memref<65536xf32, #tpu.memory_space<hbm>> -> memref<2048xf32, #tpu.memory_space<hbm>>
      tpu.enqueue_dma source(%arg20 : memref<2048xf32, #tpu.memory_space<vmem>>) target(%dma_start3A_95 : memref<2048xf32, #tpu.memory_space<hbm>>) target_semaphore(%run_scoped3A : memref<!tpu.dma_semaphore, #tpu.memory_space<semaphore_mem>>)
      %dma_wait3A_96 = tpu.memref_slice %arg8[%mul3A_2] : memref<65536xf32, #tpu.memory_space<hbm>> -> memref<2048xf32, #tpu.memory_space<hbm>>
      %dma_wait3A_97 = tpu.memref_slice %arg8[%mul3A_2] : memref<65536xf32, #tpu.memory_space<hbm>> -> memref<2048xf32, #tpu.memory_space<hbm>>
      tpu.wait_dma2 semaphore(%run_scoped3A : memref<!tpu.dma_semaphore, #tpu.memory_space<semaphore_mem>>) src(%arg20 : memref<2048xf32, #tpu.memory_space<vmem>>) dst(%dma_wait3A_97 : memref<2048xf32, #tpu.memory_space<hbm>>)
      tpu.yield
    }) : () -> ()
    "tpu.region"() ({
      %run_scoped3A = tpu.sem_alloc : memref<!tpu.dma_semaphore, #tpu.memory_space<semaphore_mem>>
      %dma_start3A_94 = tpu.memref_slice %arg7[%mul3A_2] : memref<65536xf32, #tpu.memory_space<hbm>> -> memref<2048xf32, #tpu.memory_space<hbm>>
      %dma_start3A_95 = tpu.memref_slice %arg7[%mul3A_2] : memref<65536xf32, #tpu.memory_space<hbm>> -> memref<2048xf32, #tpu.memory_space<hbm>>
      tpu.enqueue_dma source(%arg21 : memref<2048xf32, #tpu.memory_space<vmem>>) target(%dma_start3A_95 : memref<2048xf32, #tpu.memory_space<hbm>>) target_semaphore(%run_scoped3A : memref<!tpu.dma_semaphore, #tpu.memory_space<semaphore_mem>>)
      %dma_wait3A_96 = tpu.memref_slice %arg7[%mul3A_2] : memref<65536xf32, #tpu.memory_space<hbm>> -> memref<2048xf32, #tpu.memory_space<hbm>>
      %dma_wait3A_97 = tpu.memref_slice %arg7[%mul3A_2] : memref<65536xf32, #tpu.memory_space<hbm>> -> memref<2048xf32, #tpu.memory_space<hbm>>
      tpu.wait_dma2 semaphore(%run_scoped3A : memref<!tpu.dma_semaphore, #tpu.memory_space<semaphore_mem>>) src(%arg21 : memref<2048xf32, #tpu.memory_space<vmem>>) dst(%dma_wait3A_97 : memref<2048xf32, #tpu.memory_space<hbm>>)
      tpu.yield
    }) : () -> ()
    %add3A_88 = arith.constant 0 : i32
    %add3A_89 = arith.addi %add3A_88, %mul3A_2 : i32
    "tpu.region"() ({
      %run_scoped3A = tpu.sem_alloc : memref<!tpu.dma_semaphore, #tpu.memory_space<semaphore_mem>>
      %dma_start3A_94 = tpu.memref_slice %arg6[%add3A_89] : memref<196608xf32, #tpu.memory_space<hbm>> -> memref<2048xf32, #tpu.memory_space<hbm>>
      %dma_start3A_95 = tpu.memref_slice %arg6[%add3A_89] : memref<196608xf32, #tpu.memory_space<hbm>> -> memref<2048xf32, #tpu.memory_space<hbm>>
      tpu.enqueue_dma source(%arg22 : memref<2048xf32, #tpu.memory_space<vmem>>) target(%dma_start3A_95 : memref<2048xf32, #tpu.memory_space<hbm>>) target_semaphore(%run_scoped3A : memref<!tpu.dma_semaphore, #tpu.memory_space<semaphore_mem>>)
      %dma_wait3A_96 = tpu.memref_slice %arg6[%add3A_89] : memref<196608xf32, #tpu.memory_space<hbm>> -> memref<2048xf32, #tpu.memory_space<hbm>>
      %dma_wait3A_97 = tpu.memref_slice %arg6[%add3A_89] : memref<196608xf32, #tpu.memory_space<hbm>> -> memref<2048xf32, #tpu.memory_space<hbm>>
      tpu.wait_dma2 semaphore(%run_scoped3A : memref<!tpu.dma_semaphore, #tpu.memory_space<semaphore_mem>>) src(%arg22 : memref<2048xf32, #tpu.memory_space<vmem>>) dst(%dma_wait3A_97 : memref<2048xf32, #tpu.memory_space<hbm>>)
      tpu.yield
    }) : () -> ()
    %add3A_90 = arith.constant 65536 : i32
    %add3A_91 = arith.addi %add3A_90, %mul3A_2 : i32
    "tpu.region"() ({
      %run_scoped3A = tpu.sem_alloc : memref<!tpu.dma_semaphore, #tpu.memory_space<semaphore_mem>>
      %dma_start3A_94 = tpu.memref_slice %arg6[%add3A_91] : memref<196608xf32, #tpu.memory_space<hbm>> -> memref<2048xf32, #tpu.memory_space<hbm>>
      %dma_start3A_95 = tpu.memref_slice %arg6[%add3A_91] : memref<196608xf32, #tpu.memory_space<hbm>> -> memref<2048xf32, #tpu.memory_space<hbm>>
      tpu.enqueue_dma source(%arg23 : memref<2048xf32, #tpu.memory_space<vmem>>) target(%dma_start3A_95 : memref<2048xf32, #tpu.memory_space<hbm>>) target_semaphore(%run_scoped3A : memref<!tpu.dma_semaphore, #tpu.memory_space<semaphore_mem>>)
      %dma_wait3A_96 = tpu.memref_slice %arg6[%add3A_91] : memref<196608xf32, #tpu.memory_space<hbm>> -> memref<2048xf32, #tpu.memory_space<hbm>>
      %dma_wait3A_97 = tpu.memref_slice %arg6[%add3A_91] : memref<196608xf32, #tpu.memory_space<hbm>> -> memref<2048xf32, #tpu.memory_space<hbm>>
      tpu.wait_dma2 semaphore(%run_scoped3A : memref<!tpu.dma_semaphore, #tpu.memory_space<semaphore_mem>>) src(%arg23 : memref<2048xf32, #tpu.memory_space<vmem>>) dst(%dma_wait3A_97 : memref<2048xf32, #tpu.memory_space<hbm>>)
      tpu.yield
    }) : () -> ()
    %add3A_92 = arith.constant 131072 : i32
    %add3A_93 = arith.addi %add3A_92, %mul3A_2 : i32
    "tpu.region"() ({
      %run_scoped3A = tpu.sem_alloc : memref<!tpu.dma_semaphore, #tpu.memory_space<semaphore_mem>>
      %dma_start3A_94 = tpu.memref_slice %arg6[%add3A_93] : memref<196608xf32, #tpu.memory_space<hbm>> -> memref<2048xf32, #tpu.memory_space<hbm>>
      %dma_start3A_95 = tpu.memref_slice %arg6[%add3A_93] : memref<196608xf32, #tpu.memory_space<hbm>> -> memref<2048xf32, #tpu.memory_space<hbm>>
      tpu.enqueue_dma source(%arg24 : memref<2048xf32, #tpu.memory_space<vmem>>) target(%dma_start3A_95 : memref<2048xf32, #tpu.memory_space<hbm>>) target_semaphore(%run_scoped3A : memref<!tpu.dma_semaphore, #tpu.memory_space<semaphore_mem>>)
      %dma_wait3A_96 = tpu.memref_slice %arg6[%add3A_93] : memref<196608xf32, #tpu.memory_space<hbm>> -> memref<2048xf32, #tpu.memory_space<hbm>>
      %dma_wait3A_97 = tpu.memref_slice %arg6[%add3A_93] : memref<196608xf32, #tpu.memory_space<hbm>> -> memref<2048xf32, #tpu.memory_space<hbm>>
      tpu.wait_dma2 semaphore(%run_scoped3A : memref<!tpu.dma_semaphore, #tpu.memory_space<semaphore_mem>>) src(%arg24 : memref<2048xf32, #tpu.memory_space<vmem>>) dst(%dma_wait3A_97 : memref<2048xf32, #tpu.memory_space<hbm>>)
      tpu.yield
    }) : () -> ()
    return
  }
}

#map = affine_map<(d0, d1) -> (0)>
module attributes {stable_mosaic.version = 14 : i64} {
  func.func @k(%arg0: i32, %arg1: i32, %arg2: memref<65552xi32, #tpu.memory_space<hbm>>, %arg3: memref<1048576xi32, #tpu.memory_space<hbm>>, %arg4: memref<4096xi32, #tpu.memory_space<vmem>>, %arg5: memref<4096xi32, #tpu.memory_space<vmem>>, %arg6: memref<4096xi32, #tpu.memory_space<vmem>>, %arg7: memref<32768xi32, #tpu.memory_space<vmem>>, %arg8: memref<524544xi32, #tpu.memory_space<vmem_shared>>) attributes {dimension_semantics = [#tpu.dimension_semantics<core_parallel>, #tpu.dimension_semantics<subcore_parallel>], iteration_bounds = array<i64: 2, 16>, scalar_prefetch = 0 : i64, scratch_operands = 5 : i64, tpu.core_type = #tpu.core_type<sc_vector_subcore>, window_params = [{transform_indices = #map}, {transform_indices = #map}]} {
    %broadcast_in_dim3A = arith.constant 0 : i32
    %broadcast_in_dim3A_0 = vector.broadcast %broadcast_in_dim3A : i32 to vector<16xi32>
    %broadcast_in_dim3A_1 = arith.constant 1 : i32
    %broadcast_in_dim3A_2 = vector.broadcast %broadcast_in_dim3A_1 : i32 to vector<16xi32>
    %scan3A = arith.constant 0 : i32
    %scan3A_3 = arith.constant 0 : i32
    %scan3A_4 = arith.constant 2048 : i32
    %scan3A_5 = arith.addi %scan3A_3, %scan3A_4 : i32
    %scan3A_6 = arith.constant 1 : i32
    %scan3A_7 = scf.for %scan3A_37 = %scan3A_3 to %scan3A_5 step %scan3A_6 iter_args(%scan3A_38 = %scan3A) -> (i32)  : i32 {
      %mul3A_39 = arith.constant 16 : i32
      %mul3A_40 = arith.muli %scan3A_37, %mul3A_39 : i32
      %swap3A = arith.index_cast %mul3A_40 : i32 to index
      %swap3A_41 = tpu.vector_load %arg7[%swap3A] {strides = array<i32>} : memref<32768xi32, #tpu.memory_space<vmem>>, vector<16xi32>,
      tpu.vector_store %arg7[%swap3A], %broadcast_in_dim3A_0 {strides = array<i32>} : memref<32768xi32, #tpu.memory_space<vmem>>, vector<16xi32>,
      %scan3A_42 = arith.constant 0 : i32
      scf.yield %scan3A_42 : i32
    }
    %scan3A_8 = arith.constant 2048 : i32
    %scan3A_9 = arith.constant 0 : i32
    %scan3A_10 = arith.constant 0 : i32
    %scan3A_11 = arith.constant 256 : i32
    %scan3A_12 = arith.addi %scan3A_10, %scan3A_11 : i32
    %scan3A_13 = arith.constant 1 : i32
    %scan3A_14 = scf.for %scan3A_37 = %scan3A_10 to %scan3A_12 step %scan3A_13 iter_args(%scan3A_38 = %scan3A_9) -> (i32)  : i32 {
      %mul3A_39 = arith.constant 16 : i32
      %mul3A_40 = arith.muli %scan3A_37, %mul3A_39 : i32
      %swap3A = arith.index_cast %mul3A_40 : i32 to index
      %swap3A_41 = tpu.vector_load %arg6[%swap3A] {strides = array<i32>} : memref<4096xi32, #tpu.memory_space<vmem>>, vector<16xi32>,
      tpu.vector_store %arg6[%swap3A], %broadcast_in_dim3A_2 {strides = array<i32>} : memref<4096xi32, #tpu.memory_space<vmem>>, vector<16xi32>,
      %scan3A_42 = arith.constant 0 : i32
      scf.yield %scan3A_42 : i32
    }
    %scan3A_15 = arith.constant 256 : i32
    %mul3A = arith.constant 32768 : i32
    %mul3A_16 = arith.muli %arg1, %mul3A : i32
    "tpu.region"() ({
      %run_scoped3A = tpu.sem_alloc : memref<!tpu.dma_semaphore, #tpu.memory_space<semaphore_mem>>
      %dma_start3A = tpu.memref_slice %arg8[%mul3A_16] : memref<524544xi32, #tpu.memory_space<vmem_shared>> -> memref<32768xi32, #tpu.memory_space<vmem_shared>>
      %dma_start3A_37 = tpu.memref_slice %arg8[%mul3A_16] : memref<524544xi32, #tpu.memory_space<vmem_shared>> -> memref<32768xi32, #tpu.memory_space<vmem_shared>>
      tpu.enqueue_dma source(%arg7 : memref<32768xi32, #tpu.memory_space<vmem>>) target(%dma_start3A_37 : memref<32768xi32, #tpu.memory_space<vmem_shared>>) target_semaphore(%run_scoped3A : memref<!tpu.dma_semaphore, #tpu.memory_space<semaphore_mem>>)
      %dma_wait3A = tpu.memref_slice %arg8[%mul3A_16] : memref<524544xi32, #tpu.memory_space<vmem_shared>> -> memref<32768xi32, #tpu.memory_space<vmem_shared>>
      %dma_wait3A_38 = tpu.memref_slice %arg8[%mul3A_16] : memref<524544xi32, #tpu.memory_space<vmem_shared>> -> memref<32768xi32, #tpu.memory_space<vmem_shared>>
      tpu.wait_dma2 semaphore(%run_scoped3A : memref<!tpu.dma_semaphore, #tpu.memory_space<semaphore_mem>>) src(%arg7 : memref<32768xi32, #tpu.memory_space<vmem>>) dst(%dma_wait3A_38 : memref<32768xi32, #tpu.memory_space<vmem_shared>>)
      tpu.yield
    }) : () -> ()
    %eq3A = arith.constant 0 : i32
    %eq3A_17 = arith.cmpi eq, %arg1, %eq3A : i32
    %convert_element_type3A = arith.extui %eq3A_17 : i1 to i32
    %cond3A = arith.constant 0 : i32
    %cond3A_18 = arith.cmpi ne, %convert_element_type3A, %cond3A : i32
    scf.if %cond3A_18 {
      "tpu.region"() ({
        %run_scoped3A = tpu.sem_alloc : memref<!tpu.dma_semaphore, #tpu.memory_space<semaphore_mem>>
        %dma_start3A = arith.constant 0 : i32
        %dma_start3A_37 = tpu.memref_slice %arg7[%dma_start3A] : memref<32768xi32, #tpu.memory_space<vmem>> -> memref<256xi32, #tpu.memory_space<vmem>>
        %dma_start3A_38 = arith.constant 524288 : i32
        %dma_start3A_39 = tpu.memref_slice %arg8[%dma_start3A_38] : memref<524544xi32, #tpu.memory_space<vmem_shared>> -> memref<256xi32, #tpu.memory_space<vmem_shared>>
        %dma_start3A_40 = arith.constant 524288 : i32
        %dma_start3A_41 = tpu.memref_slice %arg8[%dma_start3A_40] : memref<524544xi32, #tpu.memory_space<vmem_shared>> -> memref<256xi32, #tpu.memory_space<vmem_shared>>
        %dma_start3A_42 = arith.constant 0 : i32
        %dma_start3A_43 = tpu.memref_slice %arg7[%dma_start3A_42] : memref<32768xi32, #tpu.memory_space<vmem>> -> memref<256xi32, #tpu.memory_space<vmem>>
        tpu.enqueue_dma source(%dma_start3A_43 : memref<256xi32, #tpu.memory_space<vmem>>) target(%dma_start3A_41 : memref<256xi32, #tpu.memory_space<vmem_shared>>) target_semaphore(%run_scoped3A : memref<!tpu.dma_semaphore, #tpu.memory_space<semaphore_mem>>)
        %dma_wait3A = arith.constant 0 : i32
        %dma_wait3A_44 = tpu.memref_slice %arg7[%dma_wait3A] : memref<32768xi32, #tpu.memory_space<vmem>> -> memref<256xi32, #tpu.memory_space<vmem>>
        %dma_wait3A_45 = arith.constant 524288 : i32
        %dma_wait3A_46 = tpu.memref_slice %arg8[%dma_wait3A_45] : memref<524544xi32, #tpu.memory_space<vmem_shared>> -> memref<256xi32, #tpu.memory_space<vmem_shared>>
        %dma_wait3A_47 = arith.constant 524288 : i32
        %dma_wait3A_48 = tpu.memref_slice %arg8[%dma_wait3A_47] : memref<524544xi32, #tpu.memory_space<vmem_shared>> -> memref<256xi32, #tpu.memory_space<vmem_shared>>
        %dma_wait3A_49 = arith.constant 0 : i32
        %dma_wait3A_50 = tpu.memref_slice %arg7[%dma_wait3A_49] : memref<32768xi32, #tpu.memory_space<vmem>> -> memref<256xi32, #tpu.memory_space<vmem>>
        tpu.wait_dma2 semaphore(%run_scoped3A : memref<!tpu.dma_semaphore, #tpu.memory_space<semaphore_mem>>) src(%dma_wait3A_50 : memref<256xi32, #tpu.memory_space<vmem>>) dst(%dma_wait3A_48 : memref<256xi32, #tpu.memory_space<vmem_shared>>)
        tpu.yield
      }) : () -> ()
    } else {
    }
    %barrier3A = arith.constant 0 : index
    tpu.barrier barrier_id(%barrier3A)
    %mul3A_19 = arith.constant 4096 : i32
    %mul3A_20 = arith.muli %arg1, %mul3A_19 : i32
    "tpu.region"() ({
      %run_scoped3A = tpu.sem_alloc : memref<!tpu.dma_semaphore, #tpu.memory_space<semaphore_mem>>
      %dma_start3A = tpu.memref_slice %arg2[%mul3A_20] : memref<65552xi32, #tpu.memory_space<hbm>> -> memref<4096xi32, #tpu.memory_space<hbm>>
      %dma_start3A_37 = tpu.memref_slice %arg2[%mul3A_20] : memref<65552xi32, #tpu.memory_space<hbm>> -> memref<4096xi32, #tpu.memory_space<hbm>>
      tpu.enqueue_dma source(%dma_start3A_37 : memref<4096xi32, #tpu.memory_space<hbm>>) target(%arg4 : memref<4096xi32, #tpu.memory_space<vmem>>) target_semaphore(%run_scoped3A : memref<!tpu.dma_semaphore, #tpu.memory_space<semaphore_mem>>)
      %dma_wait3A = tpu.memref_slice %arg2[%mul3A_20] : memref<65552xi32, #tpu.memory_space<hbm>> -> memref<4096xi32, #tpu.memory_space<hbm>>
      %dma_wait3A_38 = tpu.memref_slice %arg2[%mul3A_20] : memref<65552xi32, #tpu.memory_space<hbm>> -> memref<4096xi32, #tpu.memory_space<hbm>>
      tpu.wait_dma2 semaphore(%run_scoped3A : memref<!tpu.dma_semaphore, #tpu.memory_space<semaphore_mem>>) src(%dma_wait3A_38 : memref<4096xi32, #tpu.memory_space<hbm>>) dst(%arg4 : memref<4096xi32, #tpu.memory_space<vmem>>)
      tpu.yield
    }) : () -> ()
    %mul3A_21 = arith.constant 524288 : i32
    %mul3A_22 = arith.muli %arg0, %mul3A_21 : i32
    %scan3A_23 = arith.constant 0 : i32
    %scan3A_24 = arith.constant 0 : i32
    %scan3A_25 = arith.constant 256 : i32
    %scan3A_26 = arith.addi %scan3A_24, %scan3A_25 : i32
    %scan3A_27 = arith.constant 1 : i32
    %scan3A_28 = scf.for %scan3A_37 = %scan3A_24 to %scan3A_26 step %scan3A_27 iter_args(%scan3A_38 = %scan3A_23) -> (i32)  : i32 {
      %mul3A_39 = arith.constant 16 : i32
      %mul3A_40 = arith.muli %scan3A_37, %mul3A_39 : i32
      %get3A = arith.index_cast %mul3A_40 : i32 to index
      %get3A_41 = tpu.vector_load %arg4[%get3A] {strides = array<i32>} : memref<4096xi32, #tpu.memory_space<vmem>>, vector<16xi32>,
      %sub3A = vector.broadcast %mul3A_22 : i32 to vector<16xi32>
      %sub3A_42 = arith.subi %get3A_41, %sub3A : vector<16xi32>
      %ge3A = arith.constant 0 : i32
      %ge3A_43 = vector.broadcast %ge3A : i32 to vector<16xi32>
      %ge3A_44 = arith.cmpi sge, %sub3A_42, %ge3A_43 : vector<16xi32>
      %lt3A = arith.constant 524288 : i32
      %lt3A_45 = vector.broadcast %lt3A : i32 to vector<16xi32>
      %lt3A_46 = arith.cmpi slt, %sub3A_42, %lt3A_45 : vector<16xi32>
      %and3A = arith.andi %ge3A_44, %lt3A_46 : vector<16xi1>
      %jit3A = arith.constant 524288 : i32
      %broadcast_in_dim3A_47 = vector.broadcast %jit3A : i32 to vector<16xi32>
      %select_n3A = arith.select %and3A, %sub3A_42, %broadcast_in_dim3A_47 : vector<16xi1>, vector<16xi32>
      %mul3A_48 = arith.constant 16 : i32
      %mul3A_49 = arith.muli %scan3A_37, %mul3A_48 : i32
      %swap3A = arith.index_cast %mul3A_49 : i32 to index
      %swap3A_50 = tpu.vector_load %arg5[%swap3A] {strides = array<i32>} : memref<4096xi32, #tpu.memory_space<vmem>>, vector<16xi32>,
      tpu.vector_store %arg5[%swap3A], %select_n3A {strides = array<i32>} : memref<4096xi32, #tpu.memory_space<vmem>>, vector<16xi32>,
      %scan3A_51 = arith.constant 0 : i32
      scf.yield %scan3A_51 : i32
    }
    %scan3A_29 = arith.constant 256 : i32
    "tpu.region"() ({
      %run_scoped3A = tpu.sem_alloc : memref<!tpu.dma_semaphore, #tpu.memory_space<semaphore_mem>>
      %dma_start3A = arith.constant 0 : i32
      %dma_start3A_37 = tpu.memref_slice %arg8[%dma_start3A] : memref<524544xi32, #tpu.memory_space<vmem_shared>> -> memref<524544xi32, #tpu.memory_space<vmem_shared>>
      tpu.enqueue_indirect_dma source(%arg6 : memref<4096xi32, #tpu.memory_space<vmem>>) target(%dma_start3A_37 : memref<524544xi32, #tpu.memory_space<vmem_shared>>) offsets(%arg5 : memref<4096xi32, #tpu.memory_space<vmem>>) semaphore(%run_scoped3A : memref<!tpu.dma_semaphore, #tpu.memory_space<semaphore_mem>>) {add = true}
      %dma_wait3A = arith.constant 0 : i32
      %dma_wait3A_38 = tpu.memref_slice %arg8[%dma_wait3A] : memref<524544xi32, #tpu.memory_space<vmem_shared>> -> memref<524544xi32, #tpu.memory_space<vmem_shared>>
      tpu.wait_indirect_dma semaphore(%run_scoped3A : memref<!tpu.dma_semaphore, #tpu.memory_space<semaphore_mem>>) src(%arg6 : memref<4096xi32, #tpu.memory_space<vmem>>) dst(%dma_wait3A_38 : memref<524544xi32, #tpu.memory_space<vmem_shared>>)
      tpu.yield
    }) : () -> ()
    %barrier3A_30 = arith.constant 0 : index
    tpu.barrier barrier_id(%barrier3A_30)
    %mul3A_31 = arith.constant 32768 : i32
    %mul3A_32 = arith.muli %arg1, %mul3A_31 : i32
    %mul3A_33 = arith.constant 524288 : i32
    %mul3A_34 = arith.muli %arg0, %mul3A_33 : i32
    %mul3A_35 = arith.constant 32768 : i32
    %mul3A_36 = arith.muli %arg1, %mul3A_35 : i32
    %add3A = arith.addi %mul3A_34, %mul3A_36 : i32
    "tpu.region"() ({
      %run_scoped3A = tpu.sem_alloc : memref<!tpu.dma_semaphore, #tpu.memory_space<semaphore_mem>>
      %dma_start3A = tpu.memref_slice %arg3[%add3A] : memref<1048576xi32, #tpu.memory_space<hbm>> -> memref<32768xi32, #tpu.memory_space<hbm>>
      %dma_start3A_37 = tpu.memref_slice %arg8[%mul3A_32] : memref<524544xi32, #tpu.memory_space<vmem_shared>> -> memref<32768xi32, #tpu.memory_space<vmem_shared>>
      tpu.enqueue_dma source(%dma_start3A_37 : memref<32768xi32, #tpu.memory_space<vmem_shared>>) target(%dma_start3A : memref<32768xi32, #tpu.memory_space<hbm>>) target_semaphore(%run_scoped3A : memref<!tpu.dma_semaphore, #tpu.memory_space<semaphore_mem>>)
      %dma_wait3A = tpu.memref_slice %arg3[%add3A] : memref<1048576xi32, #tpu.memory_space<hbm>> -> memref<32768xi32, #tpu.memory_space<hbm>>
      %dma_wait3A_38 = tpu.memref_slice %arg8[%mul3A_32] : memref<524544xi32, #tpu.memory_space<vmem_shared>> -> memref<32768xi32, #tpu.memory_space<vmem_shared>>
      tpu.wait_dma2 semaphore(%run_scoped3A : memref<!tpu.dma_semaphore, #tpu.memory_space<semaphore_mem>>) src(%dma_wait3A_38 : memref<32768xi32, #tpu.memory_space<vmem_shared>>) dst(%dma_wait3A : memref<32768xi32, #tpu.memory_space<hbm>>)
      tpu.yield
    }) : () -> ()
    return
  }
}

module attributes {stable_mosaic.version = 14 : i64} {
  func.func @_ptwise_kernel(%arg0: i32, %arg1: memref<3x1x128x128xf32, #tpu.memory_space<vmem>>, %arg2: memref<3x1x128x128xf32, #tpu.memory_space<vmem>>, %arg3: memref<2x1x128x128xf32, #tpu.memory_space<vmem>>, %arg4: memref<3x3xf32, #tpu.memory_space<smem>>, %arg5: memref<3x3xf32, #tpu.memory_space<smem>>, %arg6: memref<128x128xf32, #tpu.memory_space<vmem>>, %arg7: memref<5x1x128x128xf32, #tpu.memory_space<vmem>>) attributes {dimension_semantics = [#tpu.dimension_semantics<arbitrary>], iteration_bounds = array<i64: 64>, scalar_prefetch = 0 : i64, scratch_operands = 0 : i64, tpu.core_type = #tpu.core_type<tc>, window_params = [{transform_indices = @transform_0, window_bounds = array<i64: 3, 1, 128, 128>}, {transform_indices = @transform_1, window_bounds = array<i64: 3, 1, 128, 128>}, {transform_indices = @transform_2, window_bounds = array<i64: 2, 1, 128, 128>}, {transform_indices = @transform_3, window_bounds = array<i64: 3, 3>}, {transform_indices = @transform_4, window_bounds = array<i64: 3, 3>}, {transform_indices = @transform_5, window_bounds = array<i64: 128, 128>}, {transform_indices = @transform_6, window_bounds = array<i64: 5, 1, 128, 128>}]} {
    %get3A = arith.constant 0 : index
    %get3A_0 = arith.constant 0 : index
    %get3A_1 = arith.constant 0 : index
    %get3A_2 = arith.constant 0 : index
    %get3A_3 = vector.load %arg1[%get3A, %get3A_0, %get3A_1, %get3A_2] : memref<3x1x128x128xf32, #tpu.memory_space<vmem>>, vector<1x1x128x128xf32>
    %get3A_4 = vector.shape_cast %get3A_3 : vector<1x1x128x128xf32> to vector<128x128xf32>
    %get3A_5 = arith.constant 1 : index
    %get3A_6 = arith.constant 0 : index
    %get3A_7 = arith.constant 0 : index
    %get3A_8 = arith.constant 0 : index
    %get3A_9 = vector.load %arg1[%get3A_5, %get3A_6, %get3A_7, %get3A_8] : memref<3x1x128x128xf32, #tpu.memory_space<vmem>>, vector<1x1x128x128xf32>
    %get3A_10 = vector.shape_cast %get3A_9 : vector<1x1x128x128xf32> to vector<128x128xf32>
    %get3A_11 = arith.constant 2 : index
    %get3A_12 = arith.constant 0 : index
    %get3A_13 = arith.constant 0 : index
    %get3A_14 = arith.constant 0 : index
    %get3A_15 = vector.load %arg1[%get3A_11, %get3A_12, %get3A_13, %get3A_14] : memref<3x1x128x128xf32, #tpu.memory_space<vmem>>, vector<1x1x128x128xf32>
    %get3A_16 = vector.shape_cast %get3A_15 : vector<1x1x128x128xf32> to vector<128x128xf32>
    %get3A_17 = arith.constant 0 : index
    %get3A_18 = arith.constant 0 : index
    %get3A_19 = arith.constant 0 : index
    %get3A_20 = arith.constant 0 : index
    %get3A_21 = vector.load %arg2[%get3A_17, %get3A_18, %get3A_19, %get3A_20] : memref<3x1x128x128xf32, #tpu.memory_space<vmem>>, vector<1x1x128x128xf32>
    %get3A_22 = vector.shape_cast %get3A_21 : vector<1x1x128x128xf32> to vector<128x128xf32>
    %get3A_23 = arith.constant 1 : index
    %get3A_24 = arith.constant 0 : index
    %get3A_25 = arith.constant 0 : index
    %get3A_26 = arith.constant 0 : index
    %get3A_27 = vector.load %arg2[%get3A_23, %get3A_24, %get3A_25, %get3A_26] : memref<3x1x128x128xf32, #tpu.memory_space<vmem>>, vector<1x1x128x128xf32>
    %get3A_28 = vector.shape_cast %get3A_27 : vector<1x1x128x128xf32> to vector<128x128xf32>
    %get3A_29 = arith.constant 2 : index
    %get3A_30 = arith.constant 0 : index
    %get3A_31 = arith.constant 0 : index
    %get3A_32 = arith.constant 0 : index
    %get3A_33 = vector.load %arg2[%get3A_29, %get3A_30, %get3A_31, %get3A_32] : memref<3x1x128x128xf32, #tpu.memory_space<vmem>>, vector<1x1x128x128xf32>
    %get3A_34 = vector.shape_cast %get3A_33 : vector<1x1x128x128xf32> to vector<128x128xf32>
    %get3A_35 = arith.constant 0 : index
    %get3A_36 = arith.constant 0 : index
    %get3A_37 = arith.constant 0 : index
    %get3A_38 = arith.constant 0 : index
    %get3A_39 = vector.load %arg3[%get3A_35, %get3A_36, %get3A_37, %get3A_38] : memref<2x1x128x128xf32, #tpu.memory_space<vmem>>, vector<1x1x128x128xf32>
    %get3A_40 = vector.shape_cast %get3A_39 : vector<1x1x128x128xf32> to vector<128x128xf32>
    %get3A_41 = arith.constant 1 : index
    %get3A_42 = arith.constant 0 : index
    %get3A_43 = arith.constant 0 : index
    %get3A_44 = arith.constant 0 : index
    %get3A_45 = vector.load %arg3[%get3A_41, %get3A_42, %get3A_43, %get3A_44] : memref<2x1x128x128xf32, #tpu.memory_space<vmem>>, vector<1x1x128x128xf32>
    %get3A_46 = vector.shape_cast %get3A_45 : vector<1x1x128x128xf32> to vector<128x128xf32>
    %mul3A = arith.mulf %get3A_4, %get3A_4 : vector<128x128xf32>
    %mul3A_47 = arith.mulf %get3A_16, %get3A_16 : vector<128x128xf32>
    %add3A = arith.addf %mul3A, %mul3A_47 : vector<128x128xf32>
    %mul3A_48 = arith.mulf %get3A_10, %get3A_10 : vector<128x128xf32>
    %add3A_49 = arith.addf %add3A, %mul3A_48 : vector<128x128xf32>
    %mul3A_50 = arith.constant -2.000000e+00 : f32
    %mul3A_51 = vector.broadcast %mul3A_50 : f32 to vector<128x128xf32>
    %mul3A_52 = arith.mulf %add3A_49, %mul3A_51 : vector<128x128xf32>
    %exp3A = math.exp %mul3A_52 : vector<128x128xf32>
    %mul3A_53 = arith.constant 1.000000e+01 : f32
    %mul3A_54 = vector.broadcast %mul3A_53 : f32 to vector<128x128xf32>
    %mul3A_55 = arith.mulf %mul3A_54, %exp3A : vector<128x128xf32>
    %neg3A = arith.constant 0.000000e+00 : f32
    %neg3A_56 = vector.broadcast %neg3A : f32 to vector<128x128xf32>
    %neg3A_57 = arith.subf %neg3A_56, %mul3A_55 : vector<128x128xf32>
    %mul3A_58 = arith.mulf %neg3A_57, %get3A_46 : vector<128x128xf32>
    %exp3A_59 = math.exp %mul3A_58 : vector<128x128xf32>
    %sub3A = arith.constant 1.000000e+00 : f32
    %sub3A_60 = vector.broadcast %sub3A : f32 to vector<128x128xf32>
    %sub3A_61 = arith.subf %sub3A_60, %exp3A_59 : vector<128x128xf32>
    %sub3A_62 = arith.constant 1.000000e+00 : f32
    %sub3A_63 = vector.broadcast %sub3A_62 : f32 to vector<128x128xf32>
    %sub3A_64 = arith.subf %sub3A_63, %sub3A_61 : vector<128x128xf32>
    %jit3A = arith.constant 1.000000e-10 : f32
    %jit3A_65 = arith.constant 1.000000e+00 : f32
    %max3A = vector.broadcast %jit3A : f32 to vector<128x128xf32>
    %max3A_66 = arith.maximumf %max3A, %sub3A_64 : vector<128x128xf32>
    %min3A = vector.broadcast %jit3A_65 : f32 to vector<128x128xf32>
    %min3A_67 = arith.minimumf %min3A, %max3A_66 : vector<128x128xf32>
    %log3A = math.log %min3A_67 : vector<128x128xf32>
    %transpose3A = tpu.transpose %log3A, [1, 0] : vector<128x128xf32> -> vector<128x128xf32>
    %swap3A = arith.constant 0 : index
    %swap3A_68 = arith.constant 0 : index
    %swap3A_69 = vector.load %arg6[%swap3A, %swap3A_68] : memref<128x128xf32, #tpu.memory_space<vmem>>, vector<128x128xf32>
    tpu.vector_store %arg6[%swap3A, %swap3A_68], %transpose3A {strides = array<i32>} : memref<128x128xf32, #tpu.memory_space<vmem>>, vector<128x128xf32>,
    %swap3A_70 = arith.constant 0 : index
    %swap3A_71 = arith.constant 0 : index
    %swap3A_72 = arith.constant 0 : index
    %swap3A_73 = arith.constant 0 : index
    %swap3A_74 = vector.load %arg7[%swap3A_70, %swap3A_71, %swap3A_72, %swap3A_73] : memref<5x1x128x128xf32, #tpu.memory_space<vmem>>, vector<1x1x128x128xf32>
    %swap3A_75 = vector.shape_cast %swap3A_74 : vector<1x1x128x128xf32> to vector<128x128xf32>
    %swap3A_76 = vector.shape_cast %sub3A_61 : vector<128x128xf32> to vector<1x1x128x128xf32>
    tpu.vector_store %arg7[%swap3A_70, %swap3A_71, %swap3A_72, %swap3A_73], %swap3A_76 {strides = array<i32>} : memref<5x1x128x128xf32, #tpu.memory_space<vmem>>, vector<1x1x128x128xf32>,
    %mul3A_77 = arith.mulf %sub3A_61, %get3A_40 : vector<128x128xf32>
    %swap3A_78 = arith.constant 1 : index
    %swap3A_79 = arith.constant 0 : index
    %swap3A_80 = arith.constant 0 : index
    %swap3A_81 = arith.constant 0 : index
    %swap3A_82 = vector.load %arg7[%swap3A_78, %swap3A_79, %swap3A_80, %swap3A_81] : memref<5x1x128x128xf32, #tpu.memory_space<vmem>>, vector<1x1x128x128xf32>
    %swap3A_83 = vector.shape_cast %swap3A_82 : vector<1x1x128x128xf32> to vector<128x128xf32>
    %swap3A_84 = vector.shape_cast %mul3A_77 : vector<128x128xf32> to vector<1x1x128x128xf32>
    tpu.vector_store %arg7[%swap3A_78, %swap3A_79, %swap3A_80, %swap3A_81], %swap3A_84 {strides = array<i32>} : memref<5x1x128x128xf32, #tpu.memory_space<vmem>>, vector<1x1x128x128xf32>,
    %get3A_85 = arith.constant 0 : index
    %get3A_86 = arith.constant 0 : index
    %get3A_87 = memref.load %arg4[%get3A_85, %get3A_86] : memref<3x3xf32, #tpu.memory_space<smem>>
    %mul3A_88 = vector.broadcast %get3A_87 : f32 to vector<128x128xf32>
    %mul3A_89 = arith.mulf %get3A_4, %mul3A_88 : vector<128x128xf32>
    %get3A_90 = arith.constant 1 : index
    %get3A_91 = arith.constant 0 : index
    %get3A_92 = memref.load %arg4[%get3A_90, %get3A_91] : memref<3x3xf32, #tpu.memory_space<smem>>
    %mul3A_93 = vector.broadcast %get3A_92 : f32 to vector<128x128xf32>
    %mul3A_94 = arith.mulf %get3A_10, %mul3A_93 : vector<128x128xf32>
    %add3A_95 = arith.addf %mul3A_89, %mul3A_94 : vector<128x128xf32>
    %get3A_96 = arith.constant 2 : index
    %get3A_97 = arith.constant 0 : index
    %get3A_98 = memref.load %arg4[%get3A_96, %get3A_97] : memref<3x3xf32, #tpu.memory_space<smem>>
    %mul3A_99 = vector.broadcast %get3A_98 : f32 to vector<128x128xf32>
    %mul3A_100 = arith.mulf %get3A_16, %mul3A_99 : vector<128x128xf32>
    %add3A_101 = arith.addf %add3A_95, %mul3A_100 : vector<128x128xf32>
    %get3A_102 = arith.constant 0 : index
    %get3A_103 = arith.constant 0 : index
    %get3A_104 = memref.load %arg5[%get3A_102, %get3A_103] : memref<3x3xf32, #tpu.memory_space<smem>>
    %mul3A_105 = vector.broadcast %get3A_104 : f32 to vector<128x128xf32>
    %mul3A_106 = arith.mulf %get3A_22, %mul3A_105 : vector<128x128xf32>
    %add3A_107 = arith.addf %add3A_101, %mul3A_106 : vector<128x128xf32>
    %get3A_108 = arith.constant 1 : index
    %get3A_109 = arith.constant 0 : index
    %get3A_110 = memref.load %arg5[%get3A_108, %get3A_109] : memref<3x3xf32, #tpu.memory_space<smem>>
    %mul3A_111 = vector.broadcast %get3A_110 : f32 to vector<128x128xf32>
    %mul3A_112 = arith.mulf %get3A_28, %mul3A_111 : vector<128x128xf32>
    %add3A_113 = arith.addf %add3A_107, %mul3A_112 : vector<128x128xf32>
    %get3A_114 = arith.constant 2 : index
    %get3A_115 = arith.constant 0 : index
    %get3A_116 = memref.load %arg5[%get3A_114, %get3A_115] : memref<3x3xf32, #tpu.memory_space<smem>>
    %mul3A_117 = vector.broadcast %get3A_116 : f32 to vector<128x128xf32>
    %mul3A_118 = arith.mulf %get3A_34, %mul3A_117 : vector<128x128xf32>
    %add3A_119 = arith.addf %add3A_113, %mul3A_118 : vector<128x128xf32>
    %neg3A_120 = arith.constant 0.000000e+00 : f32
    %neg3A_121 = vector.broadcast %neg3A_120 : f32 to vector<128x128xf32>
    %neg3A_122 = arith.subf %neg3A_121, %add3A_119 : vector<128x128xf32>
    %exp3A_123 = math.exp %neg3A_122 : vector<128x128xf32>
    %add3A_124 = arith.constant 1.000000e+00 : f32
    %add3A_125 = vector.broadcast %add3A_124 : f32 to vector<128x128xf32>
    %add3A_126 = arith.addf %add3A_125, %exp3A_123 : vector<128x128xf32>
    %div3A = arith.constant 1.000000e+00 : f32
    %div3A_127 = vector.broadcast %div3A : f32 to vector<128x128xf32>
    %div3A_128 = arith.divf %div3A_127, %add3A_126 : vector<128x128xf32>
    %sub3A_129 = arith.constant 1.000000e+00 : f32
    %sub3A_130 = vector.broadcast %sub3A_129 : f32 to vector<128x128xf32>
    %sub3A_131 = arith.subf %div3A_128, %sub3A_130 : vector<128x128xf32>
    %mul3A_132 = arith.mulf %sub3A_61, %sub3A_131 : vector<128x128xf32>
    %swap3A_133 = arith.constant 2 : index
    %swap3A_134 = arith.constant 0 : index
    %swap3A_135 = arith.constant 0 : index
    %swap3A_136 = arith.constant 0 : index
    %swap3A_137 = vector.load %arg7[%swap3A_133, %swap3A_134, %swap3A_135, %swap3A_136] : memref<5x1x128x128xf32, #tpu.memory_space<vmem>>, vector<1x1x128x128xf32>
    %swap3A_138 = vector.shape_cast %swap3A_137 : vector<1x1x128x128xf32> to vector<128x128xf32>
    %swap3A_139 = vector.shape_cast %mul3A_132 : vector<128x128xf32> to vector<1x1x128x128xf32>
    tpu.vector_store %arg7[%swap3A_133, %swap3A_134, %swap3A_135, %swap3A_136], %swap3A_139 {strides = array<i32>} : memref<5x1x128x128xf32, #tpu.memory_space<vmem>>, vector<1x1x128x128xf32>,
    %get3A_140 = arith.constant 0 : index
    %get3A_141 = arith.constant 1 : index
    %get3A_142 = memref.load %arg4[%get3A_140, %get3A_141] : memref<3x3xf32, #tpu.memory_space<smem>>
    %mul3A_143 = vector.broadcast %get3A_142 : f32 to vector<128x128xf32>
    %mul3A_144 = arith.mulf %get3A_4, %mul3A_143 : vector<128x128xf32>
    %get3A_145 = arith.constant 1 : index
    %get3A_146 = arith.constant 1 : index
    %get3A_147 = memref.load %arg4[%get3A_145, %get3A_146] : memref<3x3xf32, #tpu.memory_space<smem>>
    %mul3A_148 = vector.broadcast %get3A_147 : f32 to vector<128x128xf32>
    %mul3A_149 = arith.mulf %get3A_10, %mul3A_148 : vector<128x128xf32>
    %add3A_150 = arith.addf %mul3A_144, %mul3A_149 : vector<128x128xf32>
    %get3A_151 = arith.constant 2 : index
    %get3A_152 = arith.constant 1 : index
    %get3A_153 = memref.load %arg4[%get3A_151, %get3A_152] : memref<3x3xf32, #tpu.memory_space<smem>>
    %mul3A_154 = vector.broadcast %get3A_153 : f32 to vector<128x128xf32>
    %mul3A_155 = arith.mulf %get3A_16, %mul3A_154 : vector<128x128xf32>
    %add3A_156 = arith.addf %add3A_150, %mul3A_155 : vector<128x128xf32>
    %get3A_157 = arith.constant 0 : index
    %get3A_158 = arith.constant 1 : index
    %get3A_159 = memref.load %arg5[%get3A_157, %get3A_158] : memref<3x3xf32, #tpu.memory_space<smem>>
    %mul3A_160 = vector.broadcast %get3A_159 : f32 to vector<128x128xf32>
    %mul3A_161 = arith.mulf %get3A_22, %mul3A_160 : vector<128x128xf32>
    %add3A_162 = arith.addf %add3A_156, %mul3A_161 : vector<128x128xf32>
    %get3A_163 = arith.constant 1 : index
    %get3A_164 = arith.constant 1 : index
    %get3A_165 = memref.load %arg5[%get3A_163, %get3A_164] : memref<3x3xf32, #tpu.memory_space<smem>>
    %mul3A_166 = vector.broadcast %get3A_165 : f32 to vector<128x128xf32>
    %mul3A_167 = arith.mulf %get3A_28, %mul3A_166 : vector<128x128xf32>
    %add3A_168 = arith.addf %add3A_162, %mul3A_167 : vector<128x128xf32>
    %get3A_169 = arith.constant 2 : index
    %get3A_170 = arith.constant 1 : index
    %get3A_171 = memref.load %arg5[%get3A_169, %get3A_170] : memref<3x3xf32, #tpu.memory_space<smem>>
    %mul3A_172 = vector.broadcast %get3A_171 : f32 to vector<128x128xf32>
    %mul3A_173 = arith.mulf %get3A_34, %mul3A_172 : vector<128x128xf32>
    %add3A_174 = arith.addf %add3A_168, %mul3A_173 : vector<128x128xf32>
    %neg3A_175 = arith.constant 0.000000e+00 : f32
    %neg3A_176 = vector.broadcast %neg3A_175 : f32 to vector<128x128xf32>
    %neg3A_177 = arith.subf %neg3A_176, %add3A_174 : vector<128x128xf32>
    %exp3A_178 = math.exp %neg3A_177 : vector<128x128xf32>
    %add3A_179 = arith.constant 1.000000e+00 : f32
    %add3A_180 = vector.broadcast %add3A_179 : f32 to vector<128x128xf32>
    %add3A_181 = arith.addf %add3A_180, %exp3A_178 : vector<128x128xf32>
    %div3A_182 = arith.constant 1.000000e+00 : f32
    %div3A_183 = vector.broadcast %div3A_182 : f32 to vector<128x128xf32>
    %div3A_184 = arith.divf %div3A_183, %add3A_181 : vector<128x128xf32>
    %sub3A_185 = arith.constant 1.000000e+00 : f32
    %sub3A_186 = vector.broadcast %sub3A_185 : f32 to vector<128x128xf32>
    %sub3A_187 = arith.subf %div3A_184, %sub3A_186 : vector<128x128xf32>
    %mul3A_188 = arith.mulf %sub3A_61, %sub3A_187 : vector<128x128xf32>
    %swap3A_189 = arith.constant 3 : index
    %swap3A_190 = arith.constant 0 : index
    %swap3A_191 = arith.constant 0 : index
    %swap3A_192 = arith.constant 0 : index
    %swap3A_193 = vector.load %arg7[%swap3A_189, %swap3A_190, %swap3A_191, %swap3A_192] : memref<5x1x128x128xf32, #tpu.memory_space<vmem>>, vector<1x1x128x128xf32>
    %swap3A_194 = vector.shape_cast %swap3A_193 : vector<1x1x128x128xf32> to vector<128x128xf32>
    %swap3A_195 = vector.shape_cast %mul3A_188 : vector<128x128xf32> to vector<1x1x128x128xf32>
    tpu.vector_store %arg7[%swap3A_189, %swap3A_190, %swap3A_191, %swap3A_192], %swap3A_195 {strides = array<i32>} : memref<5x1x128x128xf32, #tpu.memory_space<vmem>>, vector<1x1x128x128xf32>,
    %get3A_196 = arith.constant 0 : index
    %get3A_197 = arith.constant 2 : index
    %get3A_198 = memref.load %arg4[%get3A_196, %get3A_197] : memref<3x3xf32, #tpu.memory_space<smem>>
    %mul3A_199 = vector.broadcast %get3A_198 : f32 to vector<128x128xf32>
    %mul3A_200 = arith.mulf %get3A_4, %mul3A_199 : vector<128x128xf32>
    %get3A_201 = arith.constant 1 : index
    %get3A_202 = arith.constant 2 : index
    %get3A_203 = memref.load %arg4[%get3A_201, %get3A_202] : memref<3x3xf32, #tpu.memory_space<smem>>
    %mul3A_204 = vector.broadcast %get3A_203 : f32 to vector<128x128xf32>
    %mul3A_205 = arith.mulf %get3A_10, %mul3A_204 : vector<128x128xf32>
    %add3A_206 = arith.addf %mul3A_200, %mul3A_205 : vector<128x128xf32>
    %get3A_207 = arith.constant 2 : index
    %get3A_208 = arith.constant 2 : index
    %get3A_209 = memref.load %arg4[%get3A_207, %get3A_208] : memref<3x3xf32, #tpu.memory_space<smem>>
    %mul3A_210 = vector.broadcast %get3A_209 : f32 to vector<128x128xf32>
    %mul3A_211 = arith.mulf %get3A_16, %mul3A_210 : vector<128x128xf32>
    %add3A_212 = arith.addf %add3A_206, %mul3A_211 : vector<128x128xf32>
    %get3A_213 = arith.constant 0 : index
    %get3A_214 = arith.constant 2 : index
    %get3A_215 = memref.load %arg5[%get3A_213, %get3A_214] : memref<3x3xf32, #tpu.memory_space<smem>>
    %mul3A_216 = vector.broadcast %get3A_215 : f32 to vector<128x128xf32>
    %mul3A_217 = arith.mulf %get3A_22, %mul3A_216 : vector<128x128xf32>
    %add3A_218 = arith.addf %add3A_212, %mul3A_217 : vector<128x128xf32>
    %get3A_219 = arith.constant 1 : index
    %get3A_220 = arith.constant 2 : index
    %get3A_221 = memref.load %arg5[%get3A_219, %get3A_220] : memref<3x3xf32, #tpu.memory_space<smem>>
    %mul3A_222 = vector.broadcast %get3A_221 : f32 to vector<128x128xf32>
    %mul3A_223 = arith.mulf %get3A_28, %mul3A_222 : vector<128x128xf32>
    %add3A_224 = arith.addf %add3A_218, %mul3A_223 : vector<128x128xf32>
    %get3A_225 = arith.constant 2 : index
    %get3A_226 = arith.constant 2 : index
    %get3A_227 = memref.load %arg5[%get3A_225, %get3A_226] : memref<3x3xf32, #tpu.memory_space<smem>>
    %mul3A_228 = vector.broadcast %get3A_227 : f32 to vector<128x128xf32>
    %mul3A_229 = arith.mulf %get3A_34, %mul3A_228 : vector<128x128xf32>
    %add3A_230 = arith.addf %add3A_224, %mul3A_229 : vector<128x128xf32>
    %neg3A_231 = arith.constant 0.000000e+00 : f32
    %neg3A_232 = vector.broadcast %neg3A_231 : f32 to vector<128x128xf32>
    %neg3A_233 = arith.subf %neg3A_232, %add3A_230 : vector<128x128xf32>
    %exp3A_234 = math.exp %neg3A_233 : vector<128x128xf32>
    %add3A_235 = arith.constant 1.000000e+00 : f32
    %add3A_236 = vector.broadcast %add3A_235 : f32 to vector<128x128xf32>
    %add3A_237 = arith.addf %add3A_236, %exp3A_234 : vector<128x128xf32>
    %div3A_238 = arith.constant 1.000000e+00 : f32
    %div3A_239 = vector.broadcast %div3A_238 : f32 to vector<128x128xf32>
    %div3A_240 = arith.divf %div3A_239, %add3A_237 : vector<128x128xf32>
    %sub3A_241 = arith.constant 1.000000e+00 : f32
    %sub3A_242 = vector.broadcast %sub3A_241 : f32 to vector<128x128xf32>
    %sub3A_243 = arith.subf %div3A_240, %sub3A_242 : vector<128x128xf32>
    %mul3A_244 = arith.mulf %sub3A_61, %sub3A_243 : vector<128x128xf32>
    %swap3A_245 = arith.constant 4 : index
    %swap3A_246 = arith.constant 0 : index
    %swap3A_247 = arith.constant 0 : index
    %swap3A_248 = arith.constant 0 : index
    %swap3A_249 = vector.load %arg7[%swap3A_245, %swap3A_246, %swap3A_247, %swap3A_248] : memref<5x1x128x128xf32, #tpu.memory_space<vmem>>, vector<1x1x128x128xf32>
    %swap3A_250 = vector.shape_cast %swap3A_249 : vector<1x1x128x128xf32> to vector<128x128xf32>
    %swap3A_251 = vector.shape_cast %mul3A_244 : vector<128x128xf32> to vector<1x1x128x128xf32>
    tpu.vector_store %arg7[%swap3A_245, %swap3A_246, %swap3A_247, %swap3A_248], %swap3A_251 {strides = array<i32>} : memref<5x1x128x128xf32, #tpu.memory_space<vmem>>, vector<1x1x128x128xf32>,
    return
  }
  func.func @transform_0(%arg0: i32) -> (i32, i32, i32, i32) {
    %c0_i32 = arith.constant 0 : i32
    %c0_i32_0 = arith.constant 0 : i32
    %c0_i32_1 = arith.constant 0 : i32
    %c0_i32_2 = arith.constant 0 : i32
    return %c0_i32, %arg0, %c0_i32_0, %c0_i32_1 : i32, i32, i32, i32
  }
  func.func @transform_1(%arg0: i32) -> (i32, i32, i32, i32) {
    %c0_i32 = arith.constant 0 : i32
    %c0_i32_0 = arith.constant 0 : i32
    %c0_i32_1 = arith.constant 0 : i32
    %c0_i32_2 = arith.constant 0 : i32
    return %c0_i32, %arg0, %c0_i32_0, %c0_i32_1 : i32, i32, i32, i32
  }
  func.func @transform_2(%arg0: i32) -> (i32, i32, i32, i32) {
    %c0_i32 = arith.constant 0 : i32
    %c0_i32_0 = arith.constant 0 : i32
    %c0_i32_1 = arith.constant 0 : i32
    %c0_i32_2 = arith.constant 0 : i32
    return %c0_i32, %arg0, %c0_i32_0, %c0_i32_1 : i32, i32, i32, i32
  }
  func.func @transform_3(%arg0: i32) -> (i32, i32) {
    %c0_i32 = arith.constant 0 : i32
    %c0_i32_0 = arith.constant 0 : i32
    %c0_i32_1 = arith.constant 0 : i32
    return %c0_i32, %c0_i32_0 : i32, i32
  }
  func.func @transform_4(%arg0: i32) -> (i32, i32) {
    %c0_i32 = arith.constant 0 : i32
    %c0_i32_0 = arith.constant 0 : i32
    %c0_i32_1 = arith.constant 0 : i32
    return %c0_i32, %c0_i32_0 : i32, i32
  }
  func.func @transform_5(%arg0: i32) -> (i32, i32) {
    %c0_i32 = arith.constant 0 : i32
    %c0_i32_0 = arith.constant 0 : i32
    return %c0_i32, %arg0 : i32, i32
  }
  func.func @transform_6(%arg0: i32) -> (i32, i32, i32, i32) {
    %c0_i32 = arith.constant 0 : i32
    %c0_i32_0 = arith.constant 0 : i32
    %c0_i32_1 = arith.constant 0 : i32
    %c0_i32_2 = arith.constant 0 : i32
    return %c0_i32, %arg0, %c0_i32_0, %c0_i32_1 : i32, i32, i32, i32
  }
}

module attributes {stable_mosaic.version = 14 : i64} {
  func.func @_scan123_kernel(%arg0: memref<128x64x128xf32, #tpu.memory_space<vmem>>, %arg1: memref<128x64x128xf32, #tpu.memory_space<vmem>>, %arg2: memref<64x128xf32, #tpu.memory_space<vmem>>) attributes {dimension_semantics = [], scalar_prefetch = 0 : i64, scratch_operands = 1 : i64, tpu.core_type = #tpu.core_type<tc>} {
    %broadcast_in_dim3A = arith.constant 0.000000e+00 : f32
    %broadcast_in_dim3A_0 = vector.broadcast %broadcast_in_dim3A : f32 to vector<64x128xf32>
    %swap3A = arith.constant 0 : index
    %swap3A_1 = arith.constant 0 : index
    %swap3A_2 = vector.load %arg2[%swap3A, %swap3A_1] : memref<64x128xf32, #tpu.memory_space<vmem>>, vector<64x128xf32>
    tpu.vector_store %arg2[%swap3A, %swap3A_1], %broadcast_in_dim3A_0 {strides = array<i32>} : memref<64x128xf32, #tpu.memory_space<vmem>>, vector<64x128xf32>,
    %scan3A = arith.constant 0 : i32
    %scan3A_3 = arith.constant 128 : i32
    %scan3A_4 = arith.addi %scan3A, %scan3A_3 : i32
    %scan3A_5 = arith.constant 1 : i32
    scf.for %scan3A_1734 = %scan3A to %scan3A_4 step %scan3A_5  : i32 {
      %get3A_1735 = arith.constant 0 : index
      %get3A_1736 = arith.constant 0 : index
      %get3A_1737 = vector.load %arg2[%get3A_1735, %get3A_1736] : memref<64x128xf32, #tpu.memory_space<vmem>>, vector<64x128xf32>
      %get3A_1738 = arith.index_cast %scan3A_1734 : i32 to index
      %get3A_1739 = arith.constant 0 : index
      %get3A_1740 = arith.constant 0 : index
      %get3A_1741 = vector.load %arg0[%get3A_1738, %get3A_1739, %get3A_1740] : memref<128x64x128xf32, #tpu.memory_space<vmem>>, vector<1x64x128xf32>
      %get3A_1742 = vector.shape_cast %get3A_1741 : vector<1x64x128xf32> to vector<64x128xf32>
      %add3A_1743 = arith.addf %get3A_1737, %get3A_1742 : vector<64x128xf32>
      %swap3A_1744 = arith.constant 0 : index
      %swap3A_1745 = arith.constant 0 : index
      %swap3A_1746 = vector.load %arg2[%swap3A_1744, %swap3A_1745] : memref<64x128xf32, #tpu.memory_space<vmem>>, vector<64x128xf32>
      tpu.vector_store %arg2[%swap3A_1744, %swap3A_1745], %add3A_1743 {strides = array<i32>} : memref<64x128xf32, #tpu.memory_space<vmem>>, vector<64x128xf32>,
      %get3A_1747 = arith.constant 0 : index
      %get3A_1748 = arith.constant 0 : index
      %get3A_1749 = vector.load %arg2[%get3A_1747, %get3A_1748] : memref<64x128xf32, #tpu.memory_space<vmem>>, vector<64x128xf32>
      %swap3A_1750 = arith.index_cast %scan3A_1734 : i32 to index
      %swap3A_1751 = arith.constant 0 : index
      %swap3A_1752 = arith.constant 0 : index
      %swap3A_1753 = vector.load %arg1[%swap3A_1750, %swap3A_1751, %swap3A_1752] : memref<128x64x128xf32, #tpu.memory_space<vmem>>, vector<1x64x128xf32>
      %swap3A_1754 = vector.shape_cast %swap3A_1753 : vector<1x64x128xf32> to vector<64x128xf32>
      %swap3A_1755 = vector.shape_cast %get3A_1749 : vector<64x128xf32> to vector<1x64x128xf32>
      tpu.vector_store %arg1[%swap3A_1750, %swap3A_1751, %swap3A_1752], %swap3A_1755 {strides = array<i32>} : memref<128x64x128xf32, #tpu.memory_space<vmem>>, vector<1x64x128xf32>,
    }
    %scan3A_6 = arith.constant 128 : i32
    %iota3A = tpu.iota {dimensions = array<i32: 1>} : vector<64x128xi32>
    %get3A = arith.constant 0 : index
    %get3A_7 = arith.constant 0 : index
    %get3A_8 = vector.load %arg2[%get3A, %get3A_7] : memref<64x128xf32, #tpu.memory_space<vmem>>, vector<64x128xf32>
    %eq3A = arith.constant 1 : i32
    %eq3A_9 = vector.broadcast %eq3A : i32 to vector<64x128xi32>
    %eq3A_10 = arith.cmpi eq, %iota3A, %eq3A_9 : vector<64x128xi32>
    %broadcast_in_dim3A_11 = arith.constant 0.000000e+00 : f32
    %broadcast_in_dim3A_12 = vector.broadcast %broadcast_in_dim3A_11 : f32 to vector<64x1xf32>
    %slice3A = vector.extract_strided_slice %get3A_8 {offsets = [0, 0], sizes = [64, 127], strides = [1, 1]} : vector<64x128xf32> to vector<64x127xf32>
    %concatenate3A = tpu.concatenate %broadcast_in_dim3A_12, %slice3A in 1 : vector<64x1xf32>, vector<64x127xf32> -> vector<64x128xf32>
    %add3A = arith.addf %get3A_8, %concatenate3A : vector<64x128xf32>
    %select_n3A = arith.select %eq3A_10, %add3A, %get3A_8 : vector<64x128xi1>, vector<64x128xf32>
    %eq3A_13 = arith.constant 2 : i32
    %eq3A_14 = vector.broadcast %eq3A_13 : i32 to vector<64x128xi32>
    %eq3A_15 = arith.cmpi eq, %iota3A, %eq3A_14 : vector<64x128xi32>
    %broadcast_in_dim3A_16 = arith.constant 0.000000e+00 : f32
    %broadcast_in_dim3A_17 = vector.broadcast %broadcast_in_dim3A_16 : f32 to vector<64x1xf32>
    %slice3A_18 = vector.extract_strided_slice %select_n3A {offsets = [0, 0], sizes = [64, 127], strides = [1, 1]} : vector<64x128xf32> to vector<64x127xf32>
    %concatenate3A_19 = tpu.concatenate %broadcast_in_dim3A_17, %slice3A_18 in 1 : vector<64x1xf32>, vector<64x127xf32> -> vector<64x128xf32>
    %add3A_20 = arith.addf %select_n3A, %concatenate3A_19 : vector<64x128xf32>
    %select_n3A_21 = arith.select %eq3A_15, %add3A_20, %select_n3A : vector<64x128xi1>, vector<64x128xf32>
    %eq3A_22 = arith.constant 3 : i32
    %eq3A_23 = vector.broadcast %eq3A_22 : i32 to vector<64x128xi32>
    %eq3A_24 = arith.cmpi eq, %iota3A, %eq3A_23 : vector<64x128xi32>
    %broadcast_in_dim3A_25 = arith.constant 0.000000e+00 : f32
    %broadcast_in_dim3A_26 = vector.broadcast %broadcast_in_dim3A_25 : f32 to vector<64x1xf32>
    %slice3A_27 = vector.extract_strided_slice %select_n3A_21 {offsets = [0, 0], sizes = [64, 127], strides = [1, 1]} : vector<64x128xf32> to vector<64x127xf32>
    %concatenate3A_28 = tpu.concatenate %broadcast_in_dim3A_26, %slice3A_27 in 1 : vector<64x1xf32>, vector<64x127xf32> -> vector<64x128xf32>
    %add3A_29 = arith.addf %select_n3A_21, %concatenate3A_28 : vector<64x128xf32>
    %select_n3A_30 = arith.select %eq3A_24, %add3A_29, %select_n3A_21 : vector<64x128xi1>, vector<64x128xf32>
    %eq3A_31 = arith.constant 4 : i32
    %eq3A_32 = vector.broadcast %eq3A_31 : i32 to vector<64x128xi32>
    %eq3A_33 = arith.cmpi eq, %iota3A, %eq3A_32 : vector<64x128xi32>
    %broadcast_in_dim3A_34 = arith.constant 0.000000e+00 : f32
    %broadcast_in_dim3A_35 = vector.broadcast %broadcast_in_dim3A_34 : f32 to vector<64x1xf32>
    %slice3A_36 = vector.extract_strided_slice %select_n3A_30 {offsets = [0, 0], sizes = [64, 127], strides = [1, 1]} : vector<64x128xf32> to vector<64x127xf32>
    %concatenate3A_37 = tpu.concatenate %broadcast_in_dim3A_35, %slice3A_36 in 1 : vector<64x1xf32>, vector<64x127xf32> -> vector<64x128xf32>
    %add3A_38 = arith.addf %select_n3A_30, %concatenate3A_37 : vector<64x128xf32>
    %select_n3A_39 = arith.select %eq3A_33, %add3A_38, %select_n3A_30 : vector<64x128xi1>, vector<64x128xf32>
    %eq3A_40 = arith.constant 5 : i32
    %eq3A_41 = vector.broadcast %eq3A_40 : i32 to vector<64x128xi32>
    %eq3A_42 = arith.cmpi eq, %iota3A, %eq3A_41 : vector<64x128xi32>
    %broadcast_in_dim3A_43 = arith.constant 0.000000e+00 : f32
    %broadcast_in_dim3A_44 = vector.broadcast %broadcast_in_dim3A_43 : f32 to vector<64x1xf32>
    %slice3A_45 = vector.extract_strided_slice %select_n3A_39 {offsets = [0, 0], sizes = [64, 127], strides = [1, 1]} : vector<64x128xf32> to vector<64x127xf32>
    %concatenate3A_46 = tpu.concatenate %broadcast_in_dim3A_44, %slice3A_45 in 1 : vector<64x1xf32>, vector<64x127xf32> -> vector<64x128xf32>
    %add3A_47 = arith.addf %select_n3A_39, %concatenate3A_46 : vector<64x128xf32>
    %select_n3A_48 = arith.select %eq3A_42, %add3A_47, %select_n3A_39 : vector<64x128xi1>, vector<64x128xf32>
    %eq3A_49 = arith.constant 6 : i32
    %eq3A_50 = vector.broadcast %eq3A_49 : i32 to vector<64x128xi32>
    %eq3A_51 = arith.cmpi eq, %iota3A, %eq3A_50 : vector<64x128xi32>
    %broadcast_in_dim3A_52 = arith.constant 0.000000e+00 : f32
    %broadcast_in_dim3A_53 = vector.broadcast %broadcast_in_dim3A_52 : f32 to vector<64x1xf32>
    %slice3A_54 = vector.extract_strided_slice %select_n3A_48 {offsets = [0, 0], sizes = [64, 127], strides = [1, 1]} : vector<64x128xf32> to vector<64x127xf32>
    %concatenate3A_55 = tpu.concatenate %broadcast_in_dim3A_53, %slice3A_54 in 1 : vector<64x1xf32>, vector<64x127xf32> -> vector<64x128xf32>
    %add3A_56 = arith.addf %select_n3A_48, %concatenate3A_55 : vector<64x128xf32>
    %select_n3A_57 = arith.select %eq3A_51, %add3A_56, %select_n3A_48 : vector<64x128xi1>, vector<64x128xf32>
    %eq3A_58 = arith.constant 7 : i32
    %eq3A_59 = vector.broadcast %eq3A_58 : i32 to vector<64x128xi32>
    %eq3A_60 = arith.cmpi eq, %iota3A, %eq3A_59 : vector<64x128xi32>
    %broadcast_in_dim3A_61 = arith.constant 0.000000e+00 : f32
    %broadcast_in_dim3A_62 = vector.broadcast %broadcast_in_dim3A_61 : f32 to vector<64x1xf32>
    %slice3A_63 = vector.extract_strided_slice %select_n3A_57 {offsets = [0, 0], sizes = [64, 127], strides = [1, 1]} : vector<64x128xf32> to vector<64x127xf32>
    %concatenate3A_64 = tpu.concatenate %broadcast_in_dim3A_62, %slice3A_63 in 1 : vector<64x1xf32>, vector<64x127xf32> -> vector<64x128xf32>
    %add3A_65 = arith.addf %select_n3A_57, %concatenate3A_64 : vector<64x128xf32>
    %select_n3A_66 = arith.select %eq3A_60, %add3A_65, %select_n3A_57 : vector<64x128xi1>, vector<64x128xf32>
    %eq3A_67 = arith.constant 8 : i32
    %eq3A_68 = vector.broadcast %eq3A_67 : i32 to vector<64x128xi32>
    %eq3A_69 = arith.cmpi eq, %iota3A, %eq3A_68 : vector<64x128xi32>
    %broadcast_in_dim3A_70 = arith.constant 0.000000e+00 : f32
    %broadcast_in_dim3A_71 = vector.broadcast %broadcast_in_dim3A_70 : f32 to vector<64x1xf32>
    %slice3A_72 = vector.extract_strided_slice %select_n3A_66 {offsets = [0, 0], sizes = [64, 127], strides = [1, 1]} : vector<64x128xf32> to vector<64x127xf32>
    %concatenate3A_73 = tpu.concatenate %broadcast_in_dim3A_71, %slice3A_72 in 1 : vector<64x1xf32>, vector<64x127xf32> -> vector<64x128xf32>
    %add3A_74 = arith.addf %select_n3A_66, %concatenate3A_73 : vector<64x128xf32>
    %select_n3A_75 = arith.select %eq3A_69, %add3A_74, %select_n3A_66 : vector<64x128xi1>, vector<64x128xf32>
    %eq3A_76 = arith.constant 9 : i32
    %eq3A_77 = vector.broadcast %eq3A_76 : i32 to vector<64x128xi32>
    %eq3A_78 = arith.cmpi eq, %iota3A, %eq3A_77 : vector<64x128xi32>
    %broadcast_in_dim3A_79 = arith.constant 0.000000e+00 : f32
    %broadcast_in_dim3A_80 = vector.broadcast %broadcast_in_dim3A_79 : f32 to vector<64x1xf32>
    %slice3A_81 = vector.extract_strided_slice %select_n3A_75 {offsets = [0, 0], sizes = [64, 127], strides = [1, 1]} : vector<64x128xf32> to vector<64x127xf32>
    %concatenate3A_82 = tpu.concatenate %broadcast_in_dim3A_80, %slice3A_81 in 1 : vector<64x1xf32>, vector<64x127xf32> -> vector<64x128xf32>
    %add3A_83 = arith.addf %select_n3A_75, %concatenate3A_82 : vector<64x128xf32>
    %select_n3A_84 = arith.select %eq3A_78, %add3A_83, %select_n3A_75 : vector<64x128xi1>, vector<64x128xf32>
    %eq3A_85 = arith.constant 10 : i32
    %eq3A_86 = vector.broadcast %eq3A_85 : i32 to vector<64x128xi32>
    %eq3A_87 = arith.cmpi eq, %iota3A, %eq3A_86 : vector<64x128xi32>
    %broadcast_in_dim3A_88 = arith.constant 0.000000e+00 : f32
    %broadcast_in_dim3A_89 = vector.broadcast %broadcast_in_dim3A_88 : f32 to vector<64x1xf32>
    %slice3A_90 = vector.extract_strided_slice %select_n3A_84 {offsets = [0, 0], sizes = [64, 127], strides = [1, 1]} : vector<64x128xf32> to vector<64x127xf32>
    %concatenate3A_91 = tpu.concatenate %broadcast_in_dim3A_89, %slice3A_90 in 1 : vector<64x1xf32>, vector<64x127xf32> -> vector<64x128xf32>
    %add3A_92 = arith.addf %select_n3A_84, %concatenate3A_91 : vector<64x128xf32>
    %select_n3A_93 = arith.select %eq3A_87, %add3A_92, %select_n3A_84 : vector<64x128xi1>, vector<64x128xf32>
    %eq3A_94 = arith.constant 11 : i32
    %eq3A_95 = vector.broadcast %eq3A_94 : i32 to vector<64x128xi32>
    %eq3A_96 = arith.cmpi eq, %iota3A, %eq3A_95 : vector<64x128xi32>
    %broadcast_in_dim3A_97 = arith.constant 0.000000e+00 : f32
    %broadcast_in_dim3A_98 = vector.broadcast %broadcast_in_dim3A_97 : f32 to vector<64x1xf32>
    %slice3A_99 = vector.extract_strided_slice %select_n3A_93 {offsets = [0, 0], sizes = [64, 127], strides = [1, 1]} : vector<64x128xf32> to vector<64x127xf32>
    %concatenate3A_100 = tpu.concatenate %broadcast_in_dim3A_98, %slice3A_99 in 1 : vector<64x1xf32>, vector<64x127xf32> -> vector<64x128xf32>
    %add3A_101 = arith.addf %select_n3A_93, %concatenate3A_100 : vector<64x128xf32>
    %select_n3A_102 = arith.select %eq3A_96, %add3A_101, %select_n3A_93 : vector<64x128xi1>, vector<64x128xf32>
    %eq3A_103 = arith.constant 12 : i32
    %eq3A_104 = vector.broadcast %eq3A_103 : i32 to vector<64x128xi32>
    %eq3A_105 = arith.cmpi eq, %iota3A, %eq3A_104 : vector<64x128xi32>
    %broadcast_in_dim3A_106 = arith.constant 0.000000e+00 : f32
    %broadcast_in_dim3A_107 = vector.broadcast %broadcast_in_dim3A_106 : f32 to vector<64x1xf32>
    %slice3A_108 = vector.extract_strided_slice %select_n3A_102 {offsets = [0, 0], sizes = [64, 127], strides = [1, 1]} : vector<64x128xf32> to vector<64x127xf32>
    %concatenate3A_109 = tpu.concatenate %broadcast_in_dim3A_107, %slice3A_108 in 1 : vector<64x1xf32>, vector<64x127xf32> -> vector<64x128xf32>
    %add3A_110 = arith.addf %select_n3A_102, %concatenate3A_109 : vector<64x128xf32>
    %select_n3A_111 = arith.select %eq3A_105, %add3A_110, %select_n3A_102 : vector<64x128xi1>, vector<64x128xf32>
    %eq3A_112 = arith.constant 13 : i32
    %eq3A_113 = vector.broadcast %eq3A_112 : i32 to vector<64x128xi32>
    %eq3A_114 = arith.cmpi eq, %iota3A, %eq3A_113 : vector<64x128xi32>
    %broadcast_in_dim3A_115 = arith.constant 0.000000e+00 : f32
    %broadcast_in_dim3A_116 = vector.broadcast %broadcast_in_dim3A_115 : f32 to vector<64x1xf32>
    %slice3A_117 = vector.extract_strided_slice %select_n3A_111 {offsets = [0, 0], sizes = [64, 127], strides = [1, 1]} : vector<64x128xf32> to vector<64x127xf32>
    %concatenate3A_118 = tpu.concatenate %broadcast_in_dim3A_116, %slice3A_117 in 1 : vector<64x1xf32>, vector<64x127xf32> -> vector<64x128xf32>
    %add3A_119 = arith.addf %select_n3A_111, %concatenate3A_118 : vector<64x128xf32>
    %select_n3A_120 = arith.select %eq3A_114, %add3A_119, %select_n3A_111 : vector<64x128xi1>, vector<64x128xf32>
    %eq3A_121 = arith.constant 14 : i32
    %eq3A_122 = vector.broadcast %eq3A_121 : i32 to vector<64x128xi32>
    %eq3A_123 = arith.cmpi eq, %iota3A, %eq3A_122 : vector<64x128xi32>
    %broadcast_in_dim3A_124 = arith.constant 0.000000e+00 : f32
    %broadcast_in_dim3A_125 = vector.broadcast %broadcast_in_dim3A_124 : f32 to vector<64x1xf32>
    %slice3A_126 = vector.extract_strided_slice %select_n3A_120 {offsets = [0, 0], sizes = [64, 127], strides = [1, 1]} : vector<64x128xf32> to vector<64x127xf32>
    %concatenate3A_127 = tpu.concatenate %broadcast_in_dim3A_125, %slice3A_126 in 1 : vector<64x1xf32>, vector<64x127xf32> -> vector<64x128xf32>
    %add3A_128 = arith.addf %select_n3A_120, %concatenate3A_127 : vector<64x128xf32>
    %select_n3A_129 = arith.select %eq3A_123, %add3A_128, %select_n3A_120 : vector<64x128xi1>, vector<64x128xf32>
    %eq3A_130 = arith.constant 15 : i32
    %eq3A_131 = vector.broadcast %eq3A_130 : i32 to vector<64x128xi32>
    %eq3A_132 = arith.cmpi eq, %iota3A, %eq3A_131 : vector<64x128xi32>
    %broadcast_in_dim3A_133 = arith.constant 0.000000e+00 : f32
    %broadcast_in_dim3A_134 = vector.broadcast %broadcast_in_dim3A_133 : f32 to vector<64x1xf32>
    %slice3A_135 = vector.extract_strided_slice %select_n3A_129 {offsets = [0, 0], sizes = [64, 127], strides = [1, 1]} : vector<64x128xf32> to vector<64x127xf32>
    %concatenate3A_136 = tpu.concatenate %broadcast_in_dim3A_134, %slice3A_135 in 1 : vector<64x1xf32>, vector<64x127xf32> -> vector<64x128xf32>
    %add3A_137 = arith.addf %select_n3A_129, %concatenate3A_136 : vector<64x128xf32>
    %select_n3A_138 = arith.select %eq3A_132, %add3A_137, %select_n3A_129 : vector<64x128xi1>, vector<64x128xf32>
    %eq3A_139 = arith.constant 16 : i32
    %eq3A_140 = vector.broadcast %eq3A_139 : i32 to vector<64x128xi32>
    %eq3A_141 = arith.cmpi eq, %iota3A, %eq3A_140 : vector<64x128xi32>
    %broadcast_in_dim3A_142 = arith.constant 0.000000e+00 : f32
    %broadcast_in_dim3A_143 = vector.broadcast %broadcast_in_dim3A_142 : f32 to vector<64x1xf32>
    %slice3A_144 = vector.extract_strided_slice %select_n3A_138 {offsets = [0, 0], sizes = [64, 127], strides = [1, 1]} : vector<64x128xf32> to vector<64x127xf32>
    %concatenate3A_145 = tpu.concatenate %broadcast_in_dim3A_143, %slice3A_144 in 1 : vector<64x1xf32>, vector<64x127xf32> -> vector<64x128xf32>
    %add3A_146 = arith.addf %select_n3A_138, %concatenate3A_145 : vector<64x128xf32>
    %select_n3A_147 = arith.select %eq3A_141, %add3A_146, %select_n3A_138 : vector<64x128xi1>, vector<64x128xf32>
    %eq3A_148 = arith.constant 17 : i32
    %eq3A_149 = vector.broadcast %eq3A_148 : i32 to vector<64x128xi32>
    %eq3A_150 = arith.cmpi eq, %iota3A, %eq3A_149 : vector<64x128xi32>
    %broadcast_in_dim3A_151 = arith.constant 0.000000e+00 : f32
    %broadcast_in_dim3A_152 = vector.broadcast %broadcast_in_dim3A_151 : f32 to vector<64x1xf32>
    %slice3A_153 = vector.extract_strided_slice %select_n3A_147 {offsets = [0, 0], sizes = [64, 127], strides = [1, 1]} : vector<64x128xf32> to vector<64x127xf32>
    %concatenate3A_154 = tpu.concatenate %broadcast_in_dim3A_152, %slice3A_153 in 1 : vector<64x1xf32>, vector<64x127xf32> -> vector<64x128xf32>
    %add3A_155 = arith.addf %select_n3A_147, %concatenate3A_154 : vector<64x128xf32>
    %select_n3A_156 = arith.select %eq3A_150, %add3A_155, %select_n3A_147 : vector<64x128xi1>, vector<64x128xf32>
    %eq3A_157 = arith.constant 18 : i32
    %eq3A_158 = vector.broadcast %eq3A_157 : i32 to vector<64x128xi32>
    %eq3A_159 = arith.cmpi eq, %iota3A, %eq3A_158 : vector<64x128xi32>
    %broadcast_in_dim3A_160 = arith.constant 0.000000e+00 : f32
    %broadcast_in_dim3A_161 = vector.broadcast %broadcast_in_dim3A_160 : f32 to vector<64x1xf32>
    %slice3A_162 = vector.extract_strided_slice %select_n3A_156 {offsets = [0, 0], sizes = [64, 127], strides = [1, 1]} : vector<64x128xf32> to vector<64x127xf32>
    %concatenate3A_163 = tpu.concatenate %broadcast_in_dim3A_161, %slice3A_162 in 1 : vector<64x1xf32>, vector<64x127xf32> -> vector<64x128xf32>
    %add3A_164 = arith.addf %select_n3A_156, %concatenate3A_163 : vector<64x128xf32>
    %select_n3A_165 = arith.select %eq3A_159, %add3A_164, %select_n3A_156 : vector<64x128xi1>, vector<64x128xf32>
    %eq3A_166 = arith.constant 19 : i32
    %eq3A_167 = vector.broadcast %eq3A_166 : i32 to vector<64x128xi32>
    %eq3A_168 = arith.cmpi eq, %iota3A, %eq3A_167 : vector<64x128xi32>
    %broadcast_in_dim3A_169 = arith.constant 0.000000e+00 : f32
    %broadcast_in_dim3A_170 = vector.broadcast %broadcast_in_dim3A_169 : f32 to vector<64x1xf32>
    %slice3A_171 = vector.extract_strided_slice %select_n3A_165 {offsets = [0, 0], sizes = [64, 127], strides = [1, 1]} : vector<64x128xf32> to vector<64x127xf32>
    %concatenate3A_172 = tpu.concatenate %broadcast_in_dim3A_170, %slice3A_171 in 1 : vector<64x1xf32>, vector<64x127xf32> -> vector<64x128xf32>
    %add3A_173 = arith.addf %select_n3A_165, %concatenate3A_172 : vector<64x128xf32>
    %select_n3A_174 = arith.select %eq3A_168, %add3A_173, %select_n3A_165 : vector<64x128xi1>, vector<64x128xf32>
    %eq3A_175 = arith.constant 20 : i32
    %eq3A_176 = vector.broadcast %eq3A_175 : i32 to vector<64x128xi32>
    %eq3A_177 = arith.cmpi eq, %iota3A, %eq3A_176 : vector<64x128xi32>
    %broadcast_in_dim3A_178 = arith.constant 0.000000e+00 : f32
    %broadcast_in_dim3A_179 = vector.broadcast %broadcast_in_dim3A_178 : f32 to vector<64x1xf32>
    %slice3A_180 = vector.extract_strided_slice %select_n3A_174 {offsets = [0, 0], sizes = [64, 127], strides = [1, 1]} : vector<64x128xf32> to vector<64x127xf32>
    %concatenate3A_181 = tpu.concatenate %broadcast_in_dim3A_179, %slice3A_180 in 1 : vector<64x1xf32>, vector<64x127xf32> -> vector<64x128xf32>
    %add3A_182 = arith.addf %select_n3A_174, %concatenate3A_181 : vector<64x128xf32>
    %select_n3A_183 = arith.select %eq3A_177, %add3A_182, %select_n3A_174 : vector<64x128xi1>, vector<64x128xf32>
    %eq3A_184 = arith.constant 21 : i32
    %eq3A_185 = vector.broadcast %eq3A_184 : i32 to vector<64x128xi32>
    %eq3A_186 = arith.cmpi eq, %iota3A, %eq3A_185 : vector<64x128xi32>
    %broadcast_in_dim3A_187 = arith.constant 0.000000e+00 : f32
    %broadcast_in_dim3A_188 = vector.broadcast %broadcast_in_dim3A_187 : f32 to vector<64x1xf32>
    %slice3A_189 = vector.extract_strided_slice %select_n3A_183 {offsets = [0, 0], sizes = [64, 127], strides = [1, 1]} : vector<64x128xf32> to vector<64x127xf32>
    %concatenate3A_190 = tpu.concatenate %broadcast_in_dim3A_188, %slice3A_189 in 1 : vector<64x1xf32>, vector<64x127xf32> -> vector<64x128xf32>
    %add3A_191 = arith.addf %select_n3A_183, %concatenate3A_190 : vector<64x128xf32>
    %select_n3A_192 = arith.select %eq3A_186, %add3A_191, %select_n3A_183 : vector<64x128xi1>, vector<64x128xf32>
    %eq3A_193 = arith.constant 22 : i32
    %eq3A_194 = vector.broadcast %eq3A_193 : i32 to vector<64x128xi32>
    %eq3A_195 = arith.cmpi eq, %iota3A, %eq3A_194 : vector<64x128xi32>
    %broadcast_in_dim3A_196 = arith.constant 0.000000e+00 : f32
    %broadcast_in_dim3A_197 = vector.broadcast %broadcast_in_dim3A_196 : f32 to vector<64x1xf32>
    %slice3A_198 = vector.extract_strided_slice %select_n3A_192 {offsets = [0, 0], sizes = [64, 127], strides = [1, 1]} : vector<64x128xf32> to vector<64x127xf32>
    %concatenate3A_199 = tpu.concatenate %broadcast_in_dim3A_197, %slice3A_198 in 1 : vector<64x1xf32>, vector<64x127xf32> -> vector<64x128xf32>
    %add3A_200 = arith.addf %select_n3A_192, %concatenate3A_199 : vector<64x128xf32>
    %select_n3A_201 = arith.select %eq3A_195, %add3A_200, %select_n3A_192 : vector<64x128xi1>, vector<64x128xf32>
    %eq3A_202 = arith.constant 23 : i32
    %eq3A_203 = vector.broadcast %eq3A_202 : i32 to vector<64x128xi32>
    %eq3A_204 = arith.cmpi eq, %iota3A, %eq3A_203 : vector<64x128xi32>
    %broadcast_in_dim3A_205 = arith.constant 0.000000e+00 : f32
    %broadcast_in_dim3A_206 = vector.broadcast %broadcast_in_dim3A_205 : f32 to vector<64x1xf32>
    %slice3A_207 = vector.extract_strided_slice %select_n3A_201 {offsets = [0, 0], sizes = [64, 127], strides = [1, 1]} : vector<64x128xf32> to vector<64x127xf32>
    %concatenate3A_208 = tpu.concatenate %broadcast_in_dim3A_206, %slice3A_207 in 1 : vector<64x1xf32>, vector<64x127xf32> -> vector<64x128xf32>
    %add3A_209 = arith.addf %select_n3A_201, %concatenate3A_208 : vector<64x128xf32>
    %select_n3A_210 = arith.select %eq3A_204, %add3A_209, %select_n3A_201 : vector<64x128xi1>, vector<64x128xf32>
    %eq3A_211 = arith.constant 24 : i32
    %eq3A_212 = vector.broadcast %eq3A_211 : i32 to vector<64x128xi32>
    %eq3A_213 = arith.cmpi eq, %iota3A, %eq3A_212 : vector<64x128xi32>
    %broadcast_in_dim3A_214 = arith.constant 0.000000e+00 : f32
    %broadcast_in_dim3A_215 = vector.broadcast %broadcast_in_dim3A_214 : f32 to vector<64x1xf32>
    %slice3A_216 = vector.extract_strided_slice %select_n3A_210 {offsets = [0, 0], sizes = [64, 127], strides = [1, 1]} : vector<64x128xf32> to vector<64x127xf32>
    %concatenate3A_217 = tpu.concatenate %broadcast_in_dim3A_215, %slice3A_216 in 1 : vector<64x1xf32>, vector<64x127xf32> -> vector<64x128xf32>
    %add3A_218 = arith.addf %select_n3A_210, %concatenate3A_217 : vector<64x128xf32>
    %select_n3A_219 = arith.select %eq3A_213, %add3A_218, %select_n3A_210 : vector<64x128xi1>, vector<64x128xf32>
    %eq3A_220 = arith.constant 25 : i32
    %eq3A_221 = vector.broadcast %eq3A_220 : i32 to vector<64x128xi32>
    %eq3A_222 = arith.cmpi eq, %iota3A, %eq3A_221 : vector<64x128xi32>
    %broadcast_in_dim3A_223 = arith.constant 0.000000e+00 : f32
    %broadcast_in_dim3A_224 = vector.broadcast %broadcast_in_dim3A_223 : f32 to vector<64x1xf32>
    %slice3A_225 = vector.extract_strided_slice %select_n3A_219 {offsets = [0, 0], sizes = [64, 127], strides = [1, 1]} : vector<64x128xf32> to vector<64x127xf32>
    %concatenate3A_226 = tpu.concatenate %broadcast_in_dim3A_224, %slice3A_225 in 1 : vector<64x1xf32>, vector<64x127xf32> -> vector<64x128xf32>
    %add3A_227 = arith.addf %select_n3A_219, %concatenate3A_226 : vector<64x128xf32>
    %select_n3A_228 = arith.select %eq3A_222, %add3A_227, %select_n3A_219 : vector<64x128xi1>, vector<64x128xf32>
    %eq3A_229 = arith.constant 26 : i32
    %eq3A_230 = vector.broadcast %eq3A_229 : i32 to vector<64x128xi32>
    %eq3A_231 = arith.cmpi eq, %iota3A, %eq3A_230 : vector<64x128xi32>
    %broadcast_in_dim3A_232 = arith.constant 0.000000e+00 : f32
    %broadcast_in_dim3A_233 = vector.broadcast %broadcast_in_dim3A_232 : f32 to vector<64x1xf32>
    %slice3A_234 = vector.extract_strided_slice %select_n3A_228 {offsets = [0, 0], sizes = [64, 127], strides = [1, 1]} : vector<64x128xf32> to vector<64x127xf32>
    %concatenate3A_235 = tpu.concatenate %broadcast_in_dim3A_233, %slice3A_234 in 1 : vector<64x1xf32>, vector<64x127xf32> -> vector<64x128xf32>
    %add3A_236 = arith.addf %select_n3A_228, %concatenate3A_235 : vector<64x128xf32>
    %select_n3A_237 = arith.select %eq3A_231, %add3A_236, %select_n3A_228 : vector<64x128xi1>, vector<64x128xf32>
    %eq3A_238 = arith.constant 27 : i32
    %eq3A_239 = vector.broadcast %eq3A_238 : i32 to vector<64x128xi32>
    %eq3A_240 = arith.cmpi eq, %iota3A, %eq3A_239 : vector<64x128xi32>
    %broadcast_in_dim3A_241 = arith.constant 0.000000e+00 : f32
    %broadcast_in_dim3A_242 = vector.broadcast %broadcast_in_dim3A_241 : f32 to vector<64x1xf32>
    %slice3A_243 = vector.extract_strided_slice %select_n3A_237 {offsets = [0, 0], sizes = [64, 127], strides = [1, 1]} : vector<64x128xf32> to vector<64x127xf32>
    %concatenate3A_244 = tpu.concatenate %broadcast_in_dim3A_242, %slice3A_243 in 1 : vector<64x1xf32>, vector<64x127xf32> -> vector<64x128xf32>
    %add3A_245 = arith.addf %select_n3A_237, %concatenate3A_244 : vector<64x128xf32>
    %select_n3A_246 = arith.select %eq3A_240, %add3A_245, %select_n3A_237 : vector<64x128xi1>, vector<64x128xf32>
    %eq3A_247 = arith.constant 28 : i32
    %eq3A_248 = vector.broadcast %eq3A_247 : i32 to vector<64x128xi32>
    %eq3A_249 = arith.cmpi eq, %iota3A, %eq3A_248 : vector<64x128xi32>
    %broadcast_in_dim3A_250 = arith.constant 0.000000e+00 : f32
    %broadcast_in_dim3A_251 = vector.broadcast %broadcast_in_dim3A_250 : f32 to vector<64x1xf32>
    %slice3A_252 = vector.extract_strided_slice %select_n3A_246 {offsets = [0, 0], sizes = [64, 127], strides = [1, 1]} : vector<64x128xf32> to vector<64x127xf32>
    %concatenate3A_253 = tpu.concatenate %broadcast_in_dim3A_251, %slice3A_252 in 1 : vector<64x1xf32>, vector<64x127xf32> -> vector<64x128xf32>
    %add3A_254 = arith.addf %select_n3A_246, %concatenate3A_253 : vector<64x128xf32>
    %select_n3A_255 = arith.select %eq3A_249, %add3A_254, %select_n3A_246 : vector<64x128xi1>, vector<64x128xf32>
    %eq3A_256 = arith.constant 29 : i32
    %eq3A_257 = vector.broadcast %eq3A_256 : i32 to vector<64x128xi32>
    %eq3A_258 = arith.cmpi eq, %iota3A, %eq3A_257 : vector<64x128xi32>
    %broadcast_in_dim3A_259 = arith.constant 0.000000e+00 : f32
    %broadcast_in_dim3A_260 = vector.broadcast %broadcast_in_dim3A_259 : f32 to vector<64x1xf32>
    %slice3A_261 = vector.extract_strided_slice %select_n3A_255 {offsets = [0, 0], sizes = [64, 127], strides = [1, 1]} : vector<64x128xf32> to vector<64x127xf32>
    %concatenate3A_262 = tpu.concatenate %broadcast_in_dim3A_260, %slice3A_261 in 1 : vector<64x1xf32>, vector<64x127xf32> -> vector<64x128xf32>
    %add3A_263 = arith.addf %select_n3A_255, %concatenate3A_262 : vector<64x128xf32>
    %select_n3A_264 = arith.select %eq3A_258, %add3A_263, %select_n3A_255 : vector<64x128xi1>, vector<64x128xf32>
    %eq3A_265 = arith.constant 30 : i32
    %eq3A_266 = vector.broadcast %eq3A_265 : i32 to vector<64x128xi32>
    %eq3A_267 = arith.cmpi eq, %iota3A, %eq3A_266 : vector<64x128xi32>
    %broadcast_in_dim3A_268 = arith.constant 0.000000e+00 : f32
    %broadcast_in_dim3A_269 = vector.broadcast %broadcast_in_dim3A_268 : f32 to vector<64x1xf32>
    %slice3A_270 = vector.extract_strided_slice %select_n3A_264 {offsets = [0, 0], sizes = [64, 127], strides = [1, 1]} : vector<64x128xf32> to vector<64x127xf32>
    %concatenate3A_271 = tpu.concatenate %broadcast_in_dim3A_269, %slice3A_270 in 1 : vector<64x1xf32>, vector<64x127xf32> -> vector<64x128xf32>
    %add3A_272 = arith.addf %select_n3A_264, %concatenate3A_271 : vector<64x128xf32>
    %select_n3A_273 = arith.select %eq3A_267, %add3A_272, %select_n3A_264 : vector<64x128xi1>, vector<64x128xf32>
    %eq3A_274 = arith.constant 31 : i32
    %eq3A_275 = vector.broadcast %eq3A_274 : i32 to vector<64x128xi32>
    %eq3A_276 = arith.cmpi eq, %iota3A, %eq3A_275 : vector<64x128xi32>
    %broadcast_in_dim3A_277 = arith.constant 0.000000e+00 : f32
    %broadcast_in_dim3A_278 = vector.broadcast %broadcast_in_dim3A_277 : f32 to vector<64x1xf32>
    %slice3A_279 = vector.extract_strided_slice %select_n3A_273 {offsets = [0, 0], sizes = [64, 127], strides = [1, 1]} : vector<64x128xf32> to vector<64x127xf32>
    %concatenate3A_280 = tpu.concatenate %broadcast_in_dim3A_278, %slice3A_279 in 1 : vector<64x1xf32>, vector<64x127xf32> -> vector<64x128xf32>
    %add3A_281 = arith.addf %select_n3A_273, %concatenate3A_280 : vector<64x128xf32>
    %select_n3A_282 = arith.select %eq3A_276, %add3A_281, %select_n3A_273 : vector<64x128xi1>, vector<64x128xf32>
    %eq3A_283 = arith.constant 32 : i32
    %eq3A_284 = vector.broadcast %eq3A_283 : i32 to vector<64x128xi32>
    %eq3A_285 = arith.cmpi eq, %iota3A, %eq3A_284 : vector<64x128xi32>
    %broadcast_in_dim3A_286 = arith.constant 0.000000e+00 : f32
    %broadcast_in_dim3A_287 = vector.broadcast %broadcast_in_dim3A_286 : f32 to vector<64x1xf32>
    %slice3A_288 = vector.extract_strided_slice %select_n3A_282 {offsets = [0, 0], sizes = [64, 127], strides = [1, 1]} : vector<64x128xf32> to vector<64x127xf32>
    %concatenate3A_289 = tpu.concatenate %broadcast_in_dim3A_287, %slice3A_288 in 1 : vector<64x1xf32>, vector<64x127xf32> -> vector<64x128xf32>
    %add3A_290 = arith.addf %select_n3A_282, %concatenate3A_289 : vector<64x128xf32>
    %select_n3A_291 = arith.select %eq3A_285, %add3A_290, %select_n3A_282 : vector<64x128xi1>, vector<64x128xf32>
    %eq3A_292 = arith.constant 33 : i32
    %eq3A_293 = vector.broadcast %eq3A_292 : i32 to vector<64x128xi32>
    %eq3A_294 = arith.cmpi eq, %iota3A, %eq3A_293 : vector<64x128xi32>
    %broadcast_in_dim3A_295 = arith.constant 0.000000e+00 : f32
    %broadcast_in_dim3A_296 = vector.broadcast %broadcast_in_dim3A_295 : f32 to vector<64x1xf32>
    %slice3A_297 = vector.extract_strided_slice %select_n3A_291 {offsets = [0, 0], sizes = [64, 127], strides = [1, 1]} : vector<64x128xf32> to vector<64x127xf32>
    %concatenate3A_298 = tpu.concatenate %broadcast_in_dim3A_296, %slice3A_297 in 1 : vector<64x1xf32>, vector<64x127xf32> -> vector<64x128xf32>
    %add3A_299 = arith.addf %select_n3A_291, %concatenate3A_298 : vector<64x128xf32>
    %select_n3A_300 = arith.select %eq3A_294, %add3A_299, %select_n3A_291 : vector<64x128xi1>, vector<64x128xf32>
    %eq3A_301 = arith.constant 34 : i32
    %eq3A_302 = vector.broadcast %eq3A_301 : i32 to vector<64x128xi32>
    %eq3A_303 = arith.cmpi eq, %iota3A, %eq3A_302 : vector<64x128xi32>
    %broadcast_in_dim3A_304 = arith.constant 0.000000e+00 : f32
    %broadcast_in_dim3A_305 = vector.broadcast %broadcast_in_dim3A_304 : f32 to vector<64x1xf32>
    %slice3A_306 = vector.extract_strided_slice %select_n3A_300 {offsets = [0, 0], sizes = [64, 127], strides = [1, 1]} : vector<64x128xf32> to vector<64x127xf32>
    %concatenate3A_307 = tpu.concatenate %broadcast_in_dim3A_305, %slice3A_306 in 1 : vector<64x1xf32>, vector<64x127xf32> -> vector<64x128xf32>
    %add3A_308 = arith.addf %select_n3A_300, %concatenate3A_307 : vector<64x128xf32>
    %select_n3A_309 = arith.select %eq3A_303, %add3A_308, %select_n3A_300 : vector<64x128xi1>, vector<64x128xf32>
    %eq3A_310 = arith.constant 35 : i32
    %eq3A_311 = vector.broadcast %eq3A_310 : i32 to vector<64x128xi32>
    %eq3A_312 = arith.cmpi eq, %iota3A, %eq3A_311 : vector<64x128xi32>
    %broadcast_in_dim3A_313 = arith.constant 0.000000e+00 : f32
    %broadcast_in_dim3A_314 = vector.broadcast %broadcast_in_dim3A_313 : f32 to vector<64x1xf32>
    %slice3A_315 = vector.extract_strided_slice %select_n3A_309 {offsets = [0, 0], sizes = [64, 127], strides = [1, 1]} : vector<64x128xf32> to vector<64x127xf32>
    %concatenate3A_316 = tpu.concatenate %broadcast_in_dim3A_314, %slice3A_315 in 1 : vector<64x1xf32>, vector<64x127xf32> -> vector<64x128xf32>
    %add3A_317 = arith.addf %select_n3A_309, %concatenate3A_316 : vector<64x128xf32>
    %select_n3A_318 = arith.select %eq3A_312, %add3A_317, %select_n3A_309 : vector<64x128xi1>, vector<64x128xf32>
    %eq3A_319 = arith.constant 36 : i32
    %eq3A_320 = vector.broadcast %eq3A_319 : i32 to vector<64x128xi32>
    %eq3A_321 = arith.cmpi eq, %iota3A, %eq3A_320 : vector<64x128xi32>
    %broadcast_in_dim3A_322 = arith.constant 0.000000e+00 : f32
    %broadcast_in_dim3A_323 = vector.broadcast %broadcast_in_dim3A_322 : f32 to vector<64x1xf32>
    %slice3A_324 = vector.extract_strided_slice %select_n3A_318 {offsets = [0, 0], sizes = [64, 127], strides = [1, 1]} : vector<64x128xf32> to vector<64x127xf32>
    %concatenate3A_325 = tpu.concatenate %broadcast_in_dim3A_323, %slice3A_324 in 1 : vector<64x1xf32>, vector<64x127xf32> -> vector<64x128xf32>
    %add3A_326 = arith.addf %select_n3A_318, %concatenate3A_325 : vector<64x128xf32>
    %select_n3A_327 = arith.select %eq3A_321, %add3A_326, %select_n3A_318 : vector<64x128xi1>, vector<64x128xf32>
    %eq3A_328 = arith.constant 37 : i32
    %eq3A_329 = vector.broadcast %eq3A_328 : i32 to vector<64x128xi32>
    %eq3A_330 = arith.cmpi eq, %iota3A, %eq3A_329 : vector<64x128xi32>
    %broadcast_in_dim3A_331 = arith.constant 0.000000e+00 : f32
    %broadcast_in_dim3A_332 = vector.broadcast %broadcast_in_dim3A_331 : f32 to vector<64x1xf32>
    %slice3A_333 = vector.extract_strided_slice %select_n3A_327 {offsets = [0, 0], sizes = [64, 127], strides = [1, 1]} : vector<64x128xf32> to vector<64x127xf32>
    %concatenate3A_334 = tpu.concatenate %broadcast_in_dim3A_332, %slice3A_333 in 1 : vector<64x1xf32>, vector<64x127xf32> -> vector<64x128xf32>
    %add3A_335 = arith.addf %select_n3A_327, %concatenate3A_334 : vector<64x128xf32>
    %select_n3A_336 = arith.select %eq3A_330, %add3A_335, %select_n3A_327 : vector<64x128xi1>, vector<64x128xf32>
    %eq3A_337 = arith.constant 38 : i32
    %eq3A_338 = vector.broadcast %eq3A_337 : i32 to vector<64x128xi32>
    %eq3A_339 = arith.cmpi eq, %iota3A, %eq3A_338 : vector<64x128xi32>
    %broadcast_in_dim3A_340 = arith.constant 0.000000e+00 : f32
    %broadcast_in_dim3A_341 = vector.broadcast %broadcast_in_dim3A_340 : f32 to vector<64x1xf32>
    %slice3A_342 = vector.extract_strided_slice %select_n3A_336 {offsets = [0, 0], sizes = [64, 127], strides = [1, 1]} : vector<64x128xf32> to vector<64x127xf32>
    %concatenate3A_343 = tpu.concatenate %broadcast_in_dim3A_341, %slice3A_342 in 1 : vector<64x1xf32>, vector<64x127xf32> -> vector<64x128xf32>
    %add3A_344 = arith.addf %select_n3A_336, %concatenate3A_343 : vector<64x128xf32>
    %select_n3A_345 = arith.select %eq3A_339, %add3A_344, %select_n3A_336 : vector<64x128xi1>, vector<64x128xf32>
    %eq3A_346 = arith.constant 39 : i32
    %eq3A_347 = vector.broadcast %eq3A_346 : i32 to vector<64x128xi32>
    %eq3A_348 = arith.cmpi eq, %iota3A, %eq3A_347 : vector<64x128xi32>
    %broadcast_in_dim3A_349 = arith.constant 0.000000e+00 : f32
    %broadcast_in_dim3A_350 = vector.broadcast %broadcast_in_dim3A_349 : f32 to vector<64x1xf32>
    %slice3A_351 = vector.extract_strided_slice %select_n3A_345 {offsets = [0, 0], sizes = [64, 127], strides = [1, 1]} : vector<64x128xf32> to vector<64x127xf32>
    %concatenate3A_352 = tpu.concatenate %broadcast_in_dim3A_350, %slice3A_351 in 1 : vector<64x1xf32>, vector<64x127xf32> -> vector<64x128xf32>
    %add3A_353 = arith.addf %select_n3A_345, %concatenate3A_352 : vector<64x128xf32>
    %select_n3A_354 = arith.select %eq3A_348, %add3A_353, %select_n3A_345 : vector<64x128xi1>, vector<64x128xf32>
    %eq3A_355 = arith.constant 40 : i32
    %eq3A_356 = vector.broadcast %eq3A_355 : i32 to vector<64x128xi32>
    %eq3A_357 = arith.cmpi eq, %iota3A, %eq3A_356 : vector<64x128xi32>
    %broadcast_in_dim3A_358 = arith.constant 0.000000e+00 : f32
    %broadcast_in_dim3A_359 = vector.broadcast %broadcast_in_dim3A_358 : f32 to vector<64x1xf32>
    %slice3A_360 = vector.extract_strided_slice %select_n3A_354 {offsets = [0, 0], sizes = [64, 127], strides = [1, 1]} : vector<64x128xf32> to vector<64x127xf32>
    %concatenate3A_361 = tpu.concatenate %broadcast_in_dim3A_359, %slice3A_360 in 1 : vector<64x1xf32>, vector<64x127xf32> -> vector<64x128xf32>
    %add3A_362 = arith.addf %select_n3A_354, %concatenate3A_361 : vector<64x128xf32>
    %select_n3A_363 = arith.select %eq3A_357, %add3A_362, %select_n3A_354 : vector<64x128xi1>, vector<64x128xf32>
    %eq3A_364 = arith.constant 41 : i32
    %eq3A_365 = vector.broadcast %eq3A_364 : i32 to vector<64x128xi32>
    %eq3A_366 = arith.cmpi eq, %iota3A, %eq3A_365 : vector<64x128xi32>
    %broadcast_in_dim3A_367 = arith.constant 0.000000e+00 : f32
    %broadcast_in_dim3A_368 = vector.broadcast %broadcast_in_dim3A_367 : f32 to vector<64x1xf32>
    %slice3A_369 = vector.extract_strided_slice %select_n3A_363 {offsets = [0, 0], sizes = [64, 127], strides = [1, 1]} : vector<64x128xf32> to vector<64x127xf32>
    %concatenate3A_370 = tpu.concatenate %broadcast_in_dim3A_368, %slice3A_369 in 1 : vector<64x1xf32>, vector<64x127xf32> -> vector<64x128xf32>
    %add3A_371 = arith.addf %select_n3A_363, %concatenate3A_370 : vector<64x128xf32>
    %select_n3A_372 = arith.select %eq3A_366, %add3A_371, %select_n3A_363 : vector<64x128xi1>, vector<64x128xf32>
    %eq3A_373 = arith.constant 42 : i32
    %eq3A_374 = vector.broadcast %eq3A_373 : i32 to vector<64x128xi32>
    %eq3A_375 = arith.cmpi eq, %iota3A, %eq3A_374 : vector<64x128xi32>
    %broadcast_in_dim3A_376 = arith.constant 0.000000e+00 : f32
    %broadcast_in_dim3A_377 = vector.broadcast %broadcast_in_dim3A_376 : f32 to vector<64x1xf32>
    %slice3A_378 = vector.extract_strided_slice %select_n3A_372 {offsets = [0, 0], sizes = [64, 127], strides = [1, 1]} : vector<64x128xf32> to vector<64x127xf32>
    %concatenate3A_379 = tpu.concatenate %broadcast_in_dim3A_377, %slice3A_378 in 1 : vector<64x1xf32>, vector<64x127xf32> -> vector<64x128xf32>
    %add3A_380 = arith.addf %select_n3A_372, %concatenate3A_379 : vector<64x128xf32>
    %select_n3A_381 = arith.select %eq3A_375, %add3A_380, %select_n3A_372 : vector<64x128xi1>, vector<64x128xf32>
    %eq3A_382 = arith.constant 43 : i32
    %eq3A_383 = vector.broadcast %eq3A_382 : i32 to vector<64x128xi32>
    %eq3A_384 = arith.cmpi eq, %iota3A, %eq3A_383 : vector<64x128xi32>
    %broadcast_in_dim3A_385 = arith.constant 0.000000e+00 : f32
    %broadcast_in_dim3A_386 = vector.broadcast %broadcast_in_dim3A_385 : f32 to vector<64x1xf32>
    %slice3A_387 = vector.extract_strided_slice %select_n3A_381 {offsets = [0, 0], sizes = [64, 127], strides = [1, 1]} : vector<64x128xf32> to vector<64x127xf32>
    %concatenate3A_388 = tpu.concatenate %broadcast_in_dim3A_386, %slice3A_387 in 1 : vector<64x1xf32>, vector<64x127xf32> -> vector<64x128xf32>
    %add3A_389 = arith.addf %select_n3A_381, %concatenate3A_388 : vector<64x128xf32>
    %select_n3A_390 = arith.select %eq3A_384, %add3A_389, %select_n3A_381 : vector<64x128xi1>, vector<64x128xf32>
    %eq3A_391 = arith.constant 44 : i32
    %eq3A_392 = vector.broadcast %eq3A_391 : i32 to vector<64x128xi32>
    %eq3A_393 = arith.cmpi eq, %iota3A, %eq3A_392 : vector<64x128xi32>
    %broadcast_in_dim3A_394 = arith.constant 0.000000e+00 : f32
    %broadcast_in_dim3A_395 = vector.broadcast %broadcast_in_dim3A_394 : f32 to vector<64x1xf32>
    %slice3A_396 = vector.extract_strided_slice %select_n3A_390 {offsets = [0, 0], sizes = [64, 127], strides = [1, 1]} : vector<64x128xf32> to vector<64x127xf32>
    %concatenate3A_397 = tpu.concatenate %broadcast_in_dim3A_395, %slice3A_396 in 1 : vector<64x1xf32>, vector<64x127xf32> -> vector<64x128xf32>
    %add3A_398 = arith.addf %select_n3A_390, %concatenate3A_397 : vector<64x128xf32>
    %select_n3A_399 = arith.select %eq3A_393, %add3A_398, %select_n3A_390 : vector<64x128xi1>, vector<64x128xf32>
    %eq3A_400 = arith.constant 45 : i32
    %eq3A_401 = vector.broadcast %eq3A_400 : i32 to vector<64x128xi32>
    %eq3A_402 = arith.cmpi eq, %iota3A, %eq3A_401 : vector<64x128xi32>
    %broadcast_in_dim3A_403 = arith.constant 0.000000e+00 : f32
    %broadcast_in_dim3A_404 = vector.broadcast %broadcast_in_dim3A_403 : f32 to vector<64x1xf32>
    %slice3A_405 = vector.extract_strided_slice %select_n3A_399 {offsets = [0, 0], sizes = [64, 127], strides = [1, 1]} : vector<64x128xf32> to vector<64x127xf32>
    %concatenate3A_406 = tpu.concatenate %broadcast_in_dim3A_404, %slice3A_405 in 1 : vector<64x1xf32>, vector<64x127xf32> -> vector<64x128xf32>
    %add3A_407 = arith.addf %select_n3A_399, %concatenate3A_406 : vector<64x128xf32>
    %select_n3A_408 = arith.select %eq3A_402, %add3A_407, %select_n3A_399 : vector<64x128xi1>, vector<64x128xf32>
    %eq3A_409 = arith.constant 46 : i32
    %eq3A_410 = vector.broadcast %eq3A_409 : i32 to vector<64x128xi32>
    %eq3A_411 = arith.cmpi eq, %iota3A, %eq3A_410 : vector<64x128xi32>
    %broadcast_in_dim3A_412 = arith.constant 0.000000e+00 : f32
    %broadcast_in_dim3A_413 = vector.broadcast %broadcast_in_dim3A_412 : f32 to vector<64x1xf32>
    %slice3A_414 = vector.extract_strided_slice %select_n3A_408 {offsets = [0, 0], sizes = [64, 127], strides = [1, 1]} : vector<64x128xf32> to vector<64x127xf32>
    %concatenate3A_415 = tpu.concatenate %broadcast_in_dim3A_413, %slice3A_414 in 1 : vector<64x1xf32>, vector<64x127xf32> -> vector<64x128xf32>
    %add3A_416 = arith.addf %select_n3A_408, %concatenate3A_415 : vector<64x128xf32>
    %select_n3A_417 = arith.select %eq3A_411, %add3A_416, %select_n3A_408 : vector<64x128xi1>, vector<64x128xf32>
    %eq3A_418 = arith.constant 47 : i32
    %eq3A_419 = vector.broadcast %eq3A_418 : i32 to vector<64x128xi32>
    %eq3A_420 = arith.cmpi eq, %iota3A, %eq3A_419 : vector<64x128xi32>
    %broadcast_in_dim3A_421 = arith.constant 0.000000e+00 : f32
    %broadcast_in_dim3A_422 = vector.broadcast %broadcast_in_dim3A_421 : f32 to vector<64x1xf32>
    %slice3A_423 = vector.extract_strided_slice %select_n3A_417 {offsets = [0, 0], sizes = [64, 127], strides = [1, 1]} : vector<64x128xf32> to vector<64x127xf32>
    %concatenate3A_424 = tpu.concatenate %broadcast_in_dim3A_422, %slice3A_423 in 1 : vector<64x1xf32>, vector<64x127xf32> -> vector<64x128xf32>
    %add3A_425 = arith.addf %select_n3A_417, %concatenate3A_424 : vector<64x128xf32>
    %select_n3A_426 = arith.select %eq3A_420, %add3A_425, %select_n3A_417 : vector<64x128xi1>, vector<64x128xf32>
    %eq3A_427 = arith.constant 48 : i32
    %eq3A_428 = vector.broadcast %eq3A_427 : i32 to vector<64x128xi32>
    %eq3A_429 = arith.cmpi eq, %iota3A, %eq3A_428 : vector<64x128xi32>
    %broadcast_in_dim3A_430 = arith.constant 0.000000e+00 : f32
    %broadcast_in_dim3A_431 = vector.broadcast %broadcast_in_dim3A_430 : f32 to vector<64x1xf32>
    %slice3A_432 = vector.extract_strided_slice %select_n3A_426 {offsets = [0, 0], sizes = [64, 127], strides = [1, 1]} : vector<64x128xf32> to vector<64x127xf32>
    %concatenate3A_433 = tpu.concatenate %broadcast_in_dim3A_431, %slice3A_432 in 1 : vector<64x1xf32>, vector<64x127xf32> -> vector<64x128xf32>
    %add3A_434 = arith.addf %select_n3A_426, %concatenate3A_433 : vector<64x128xf32>
    %select_n3A_435 = arith.select %eq3A_429, %add3A_434, %select_n3A_426 : vector<64x128xi1>, vector<64x128xf32>
    %eq3A_436 = arith.constant 49 : i32
    %eq3A_437 = vector.broadcast %eq3A_436 : i32 to vector<64x128xi32>
    %eq3A_438 = arith.cmpi eq, %iota3A, %eq3A_437 : vector<64x128xi32>
    %broadcast_in_dim3A_439 = arith.constant 0.000000e+00 : f32
    %broadcast_in_dim3A_440 = vector.broadcast %broadcast_in_dim3A_439 : f32 to vector<64x1xf32>
    %slice3A_441 = vector.extract_strided_slice %select_n3A_435 {offsets = [0, 0], sizes = [64, 127], strides = [1, 1]} : vector<64x128xf32> to vector<64x127xf32>
    %concatenate3A_442 = tpu.concatenate %broadcast_in_dim3A_440, %slice3A_441 in 1 : vector<64x1xf32>, vector<64x127xf32> -> vector<64x128xf32>
    %add3A_443 = arith.addf %select_n3A_435, %concatenate3A_442 : vector<64x128xf32>
    %select_n3A_444 = arith.select %eq3A_438, %add3A_443, %select_n3A_435 : vector<64x128xi1>, vector<64x128xf32>
    %eq3A_445 = arith.constant 50 : i32
    %eq3A_446 = vector.broadcast %eq3A_445 : i32 to vector<64x128xi32>
    %eq3A_447 = arith.cmpi eq, %iota3A, %eq3A_446 : vector<64x128xi32>
    %broadcast_in_dim3A_448 = arith.constant 0.000000e+00 : f32
    %broadcast_in_dim3A_449 = vector.broadcast %broadcast_in_dim3A_448 : f32 to vector<64x1xf32>
    %slice3A_450 = vector.extract_strided_slice %select_n3A_444 {offsets = [0, 0], sizes = [64, 127], strides = [1, 1]} : vector<64x128xf32> to vector<64x127xf32>
    %concatenate3A_451 = tpu.concatenate %broadcast_in_dim3A_449, %slice3A_450 in 1 : vector<64x1xf32>, vector<64x127xf32> -> vector<64x128xf32>
    %add3A_452 = arith.addf %select_n3A_444, %concatenate3A_451 : vector<64x128xf32>
    %select_n3A_453 = arith.select %eq3A_447, %add3A_452, %select_n3A_444 : vector<64x128xi1>, vector<64x128xf32>
    %eq3A_454 = arith.constant 51 : i32
    %eq3A_455 = vector.broadcast %eq3A_454 : i32 to vector<64x128xi32>
    %eq3A_456 = arith.cmpi eq, %iota3A, %eq3A_455 : vector<64x128xi32>
    %broadcast_in_dim3A_457 = arith.constant 0.000000e+00 : f32
    %broadcast_in_dim3A_458 = vector.broadcast %broadcast_in_dim3A_457 : f32 to vector<64x1xf32>
    %slice3A_459 = vector.extract_strided_slice %select_n3A_453 {offsets = [0, 0], sizes = [64, 127], strides = [1, 1]} : vector<64x128xf32> to vector<64x127xf32>
    %concatenate3A_460 = tpu.concatenate %broadcast_in_dim3A_458, %slice3A_459 in 1 : vector<64x1xf32>, vector<64x127xf32> -> vector<64x128xf32>
    %add3A_461 = arith.addf %select_n3A_453, %concatenate3A_460 : vector<64x128xf32>
    %select_n3A_462 = arith.select %eq3A_456, %add3A_461, %select_n3A_453 : vector<64x128xi1>, vector<64x128xf32>
    %eq3A_463 = arith.constant 52 : i32
    %eq3A_464 = vector.broadcast %eq3A_463 : i32 to vector<64x128xi32>
    %eq3A_465 = arith.cmpi eq, %iota3A, %eq3A_464 : vector<64x128xi32>
    %broadcast_in_dim3A_466 = arith.constant 0.000000e+00 : f32
    %broadcast_in_dim3A_467 = vector.broadcast %broadcast_in_dim3A_466 : f32 to vector<64x1xf32>
    %slice3A_468 = vector.extract_strided_slice %select_n3A_462 {offsets = [0, 0], sizes = [64, 127], strides = [1, 1]} : vector<64x128xf32> to vector<64x127xf32>
    %concatenate3A_469 = tpu.concatenate %broadcast_in_dim3A_467, %slice3A_468 in 1 : vector<64x1xf32>, vector<64x127xf32> -> vector<64x128xf32>
    %add3A_470 = arith.addf %select_n3A_462, %concatenate3A_469 : vector<64x128xf32>
    %select_n3A_471 = arith.select %eq3A_465, %add3A_470, %select_n3A_462 : vector<64x128xi1>, vector<64x128xf32>
    %eq3A_472 = arith.constant 53 : i32
    %eq3A_473 = vector.broadcast %eq3A_472 : i32 to vector<64x128xi32>
    %eq3A_474 = arith.cmpi eq, %iota3A, %eq3A_473 : vector<64x128xi32>
    %broadcast_in_dim3A_475 = arith.constant 0.000000e+00 : f32
    %broadcast_in_dim3A_476 = vector.broadcast %broadcast_in_dim3A_475 : f32 to vector<64x1xf32>
    %slice3A_477 = vector.extract_strided_slice %select_n3A_471 {offsets = [0, 0], sizes = [64, 127], strides = [1, 1]} : vector<64x128xf32> to vector<64x127xf32>
    %concatenate3A_478 = tpu.concatenate %broadcast_in_dim3A_476, %slice3A_477 in 1 : vector<64x1xf32>, vector<64x127xf32> -> vector<64x128xf32>
    %add3A_479 = arith.addf %select_n3A_471, %concatenate3A_478 : vector<64x128xf32>
    %select_n3A_480 = arith.select %eq3A_474, %add3A_479, %select_n3A_471 : vector<64x128xi1>, vector<64x128xf32>
    %eq3A_481 = arith.constant 54 : i32
    %eq3A_482 = vector.broadcast %eq3A_481 : i32 to vector<64x128xi32>
    %eq3A_483 = arith.cmpi eq, %iota3A, %eq3A_482 : vector<64x128xi32>
    %broadcast_in_dim3A_484 = arith.constant 0.000000e+00 : f32
    %broadcast_in_dim3A_485 = vector.broadcast %broadcast_in_dim3A_484 : f32 to vector<64x1xf32>
    %slice3A_486 = vector.extract_strided_slice %select_n3A_480 {offsets = [0, 0], sizes = [64, 127], strides = [1, 1]} : vector<64x128xf32> to vector<64x127xf32>
    %concatenate3A_487 = tpu.concatenate %broadcast_in_dim3A_485, %slice3A_486 in 1 : vector<64x1xf32>, vector<64x127xf32> -> vector<64x128xf32>
    %add3A_488 = arith.addf %select_n3A_480, %concatenate3A_487 : vector<64x128xf32>
    %select_n3A_489 = arith.select %eq3A_483, %add3A_488, %select_n3A_480 : vector<64x128xi1>, vector<64x128xf32>
    %eq3A_490 = arith.constant 55 : i32
    %eq3A_491 = vector.broadcast %eq3A_490 : i32 to vector<64x128xi32>
    %eq3A_492 = arith.cmpi eq, %iota3A, %eq3A_491 : vector<64x128xi32>
    %broadcast_in_dim3A_493 = arith.constant 0.000000e+00 : f32
    %broadcast_in_dim3A_494 = vector.broadcast %broadcast_in_dim3A_493 : f32 to vector<64x1xf32>
    %slice3A_495 = vector.extract_strided_slice %select_n3A_489 {offsets = [0, 0], sizes = [64, 127], strides = [1, 1]} : vector<64x128xf32> to vector<64x127xf32>
    %concatenate3A_496 = tpu.concatenate %broadcast_in_dim3A_494, %slice3A_495 in 1 : vector<64x1xf32>, vector<64x127xf32> -> vector<64x128xf32>
    %add3A_497 = arith.addf %select_n3A_489, %concatenate3A_496 : vector<64x128xf32>
    %select_n3A_498 = arith.select %eq3A_492, %add3A_497, %select_n3A_489 : vector<64x128xi1>, vector<64x128xf32>
    %eq3A_499 = arith.constant 56 : i32
    %eq3A_500 = vector.broadcast %eq3A_499 : i32 to vector<64x128xi32>
    %eq3A_501 = arith.cmpi eq, %iota3A, %eq3A_500 : vector<64x128xi32>
    %broadcast_in_dim3A_502 = arith.constant 0.000000e+00 : f32
    %broadcast_in_dim3A_503 = vector.broadcast %broadcast_in_dim3A_502 : f32 to vector<64x1xf32>
    %slice3A_504 = vector.extract_strided_slice %select_n3A_498 {offsets = [0, 0], sizes = [64, 127], strides = [1, 1]} : vector<64x128xf32> to vector<64x127xf32>
    %concatenate3A_505 = tpu.concatenate %broadcast_in_dim3A_503, %slice3A_504 in 1 : vector<64x1xf32>, vector<64x127xf32> -> vector<64x128xf32>
    %add3A_506 = arith.addf %select_n3A_498, %concatenate3A_505 : vector<64x128xf32>
    %select_n3A_507 = arith.select %eq3A_501, %add3A_506, %select_n3A_498 : vector<64x128xi1>, vector<64x128xf32>
    %eq3A_508 = arith.constant 57 : i32
    %eq3A_509 = vector.broadcast %eq3A_508 : i32 to vector<64x128xi32>
    %eq3A_510 = arith.cmpi eq, %iota3A, %eq3A_509 : vector<64x128xi32>
    %broadcast_in_dim3A_511 = arith.constant 0.000000e+00 : f32
    %broadcast_in_dim3A_512 = vector.broadcast %broadcast_in_dim3A_511 : f32 to vector<64x1xf32>
    %slice3A_513 = vector.extract_strided_slice %select_n3A_507 {offsets = [0, 0], sizes = [64, 127], strides = [1, 1]} : vector<64x128xf32> to vector<64x127xf32>
    %concatenate3A_514 = tpu.concatenate %broadcast_in_dim3A_512, %slice3A_513 in 1 : vector<64x1xf32>, vector<64x127xf32> -> vector<64x128xf32>
    %add3A_515 = arith.addf %select_n3A_507, %concatenate3A_514 : vector<64x128xf32>
    %select_n3A_516 = arith.select %eq3A_510, %add3A_515, %select_n3A_507 : vector<64x128xi1>, vector<64x128xf32>
    %eq3A_517 = arith.constant 58 : i32
    %eq3A_518 = vector.broadcast %eq3A_517 : i32 to vector<64x128xi32>
    %eq3A_519 = arith.cmpi eq, %iota3A, %eq3A_518 : vector<64x128xi32>
    %broadcast_in_dim3A_520 = arith.constant 0.000000e+00 : f32
    %broadcast_in_dim3A_521 = vector.broadcast %broadcast_in_dim3A_520 : f32 to vector<64x1xf32>
    %slice3A_522 = vector.extract_strided_slice %select_n3A_516 {offsets = [0, 0], sizes = [64, 127], strides = [1, 1]} : vector<64x128xf32> to vector<64x127xf32>
    %concatenate3A_523 = tpu.concatenate %broadcast_in_dim3A_521, %slice3A_522 in 1 : vector<64x1xf32>, vector<64x127xf32> -> vector<64x128xf32>
    %add3A_524 = arith.addf %select_n3A_516, %concatenate3A_523 : vector<64x128xf32>
    %select_n3A_525 = arith.select %eq3A_519, %add3A_524, %select_n3A_516 : vector<64x128xi1>, vector<64x128xf32>
    %eq3A_526 = arith.constant 59 : i32
    %eq3A_527 = vector.broadcast %eq3A_526 : i32 to vector<64x128xi32>
    %eq3A_528 = arith.cmpi eq, %iota3A, %eq3A_527 : vector<64x128xi32>
    %broadcast_in_dim3A_529 = arith.constant 0.000000e+00 : f32
    %broadcast_in_dim3A_530 = vector.broadcast %broadcast_in_dim3A_529 : f32 to vector<64x1xf32>
    %slice3A_531 = vector.extract_strided_slice %select_n3A_525 {offsets = [0, 0], sizes = [64, 127], strides = [1, 1]} : vector<64x128xf32> to vector<64x127xf32>
    %concatenate3A_532 = tpu.concatenate %broadcast_in_dim3A_530, %slice3A_531 in 1 : vector<64x1xf32>, vector<64x127xf32> -> vector<64x128xf32>
    %add3A_533 = arith.addf %select_n3A_525, %concatenate3A_532 : vector<64x128xf32>
    %select_n3A_534 = arith.select %eq3A_528, %add3A_533, %select_n3A_525 : vector<64x128xi1>, vector<64x128xf32>
    %eq3A_535 = arith.constant 60 : i32
    %eq3A_536 = vector.broadcast %eq3A_535 : i32 to vector<64x128xi32>
    %eq3A_537 = arith.cmpi eq, %iota3A, %eq3A_536 : vector<64x128xi32>
    %broadcast_in_dim3A_538 = arith.constant 0.000000e+00 : f32
    %broadcast_in_dim3A_539 = vector.broadcast %broadcast_in_dim3A_538 : f32 to vector<64x1xf32>
    %slice3A_540 = vector.extract_strided_slice %select_n3A_534 {offsets = [0, 0], sizes = [64, 127], strides = [1, 1]} : vector<64x128xf32> to vector<64x127xf32>
    %concatenate3A_541 = tpu.concatenate %broadcast_in_dim3A_539, %slice3A_540 in 1 : vector<64x1xf32>, vector<64x127xf32> -> vector<64x128xf32>
    %add3A_542 = arith.addf %select_n3A_534, %concatenate3A_541 : vector<64x128xf32>
    %select_n3A_543 = arith.select %eq3A_537, %add3A_542, %select_n3A_534 : vector<64x128xi1>, vector<64x128xf32>
    %eq3A_544 = arith.constant 61 : i32
    %eq3A_545 = vector.broadcast %eq3A_544 : i32 to vector<64x128xi32>
    %eq3A_546 = arith.cmpi eq, %iota3A, %eq3A_545 : vector<64x128xi32>
    %broadcast_in_dim3A_547 = arith.constant 0.000000e+00 : f32
    %broadcast_in_dim3A_548 = vector.broadcast %broadcast_in_dim3A_547 : f32 to vector<64x1xf32>
    %slice3A_549 = vector.extract_strided_slice %select_n3A_543 {offsets = [0, 0], sizes = [64, 127], strides = [1, 1]} : vector<64x128xf32> to vector<64x127xf32>
    %concatenate3A_550 = tpu.concatenate %broadcast_in_dim3A_548, %slice3A_549 in 1 : vector<64x1xf32>, vector<64x127xf32> -> vector<64x128xf32>
    %add3A_551 = arith.addf %select_n3A_543, %concatenate3A_550 : vector<64x128xf32>
    %select_n3A_552 = arith.select %eq3A_546, %add3A_551, %select_n3A_543 : vector<64x128xi1>, vector<64x128xf32>
    %eq3A_553 = arith.constant 62 : i32
    %eq3A_554 = vector.broadcast %eq3A_553 : i32 to vector<64x128xi32>
    %eq3A_555 = arith.cmpi eq, %iota3A, %eq3A_554 : vector<64x128xi32>
    %broadcast_in_dim3A_556 = arith.constant 0.000000e+00 : f32
    %broadcast_in_dim3A_557 = vector.broadcast %broadcast_in_dim3A_556 : f32 to vector<64x1xf32>
    %slice3A_558 = vector.extract_strided_slice %select_n3A_552 {offsets = [0, 0], sizes = [64, 127], strides = [1, 1]} : vector<64x128xf32> to vector<64x127xf32>
    %concatenate3A_559 = tpu.concatenate %broadcast_in_dim3A_557, %slice3A_558 in 1 : vector<64x1xf32>, vector<64x127xf32> -> vector<64x128xf32>
    %add3A_560 = arith.addf %select_n3A_552, %concatenate3A_559 : vector<64x128xf32>
    %select_n3A_561 = arith.select %eq3A_555, %add3A_560, %select_n3A_552 : vector<64x128xi1>, vector<64x128xf32>
    %eq3A_562 = arith.constant 63 : i32
    %eq3A_563 = vector.broadcast %eq3A_562 : i32 to vector<64x128xi32>
    %eq3A_564 = arith.cmpi eq, %iota3A, %eq3A_563 : vector<64x128xi32>
    %broadcast_in_dim3A_565 = arith.constant 0.000000e+00 : f32
    %broadcast_in_dim3A_566 = vector.broadcast %broadcast_in_dim3A_565 : f32 to vector<64x1xf32>
    %slice3A_567 = vector.extract_strided_slice %select_n3A_561 {offsets = [0, 0], sizes = [64, 127], strides = [1, 1]} : vector<64x128xf32> to vector<64x127xf32>
    %concatenate3A_568 = tpu.concatenate %broadcast_in_dim3A_566, %slice3A_567 in 1 : vector<64x1xf32>, vector<64x127xf32> -> vector<64x128xf32>
    %add3A_569 = arith.addf %select_n3A_561, %concatenate3A_568 : vector<64x128xf32>
    %select_n3A_570 = arith.select %eq3A_564, %add3A_569, %select_n3A_561 : vector<64x128xi1>, vector<64x128xf32>
    %eq3A_571 = arith.constant 64 : i32
    %eq3A_572 = vector.broadcast %eq3A_571 : i32 to vector<64x128xi32>
    %eq3A_573 = arith.cmpi eq, %iota3A, %eq3A_572 : vector<64x128xi32>
    %broadcast_in_dim3A_574 = arith.constant 0.000000e+00 : f32
    %broadcast_in_dim3A_575 = vector.broadcast %broadcast_in_dim3A_574 : f32 to vector<64x1xf32>
    %slice3A_576 = vector.extract_strided_slice %select_n3A_570 {offsets = [0, 0], sizes = [64, 127], strides = [1, 1]} : vector<64x128xf32> to vector<64x127xf32>
    %concatenate3A_577 = tpu.concatenate %broadcast_in_dim3A_575, %slice3A_576 in 1 : vector<64x1xf32>, vector<64x127xf32> -> vector<64x128xf32>
    %add3A_578 = arith.addf %select_n3A_570, %concatenate3A_577 : vector<64x128xf32>
    %select_n3A_579 = arith.select %eq3A_573, %add3A_578, %select_n3A_570 : vector<64x128xi1>, vector<64x128xf32>
    %eq3A_580 = arith.constant 65 : i32
    %eq3A_581 = vector.broadcast %eq3A_580 : i32 to vector<64x128xi32>
    %eq3A_582 = arith.cmpi eq, %iota3A, %eq3A_581 : vector<64x128xi32>
    %broadcast_in_dim3A_583 = arith.constant 0.000000e+00 : f32
    %broadcast_in_dim3A_584 = vector.broadcast %broadcast_in_dim3A_583 : f32 to vector<64x1xf32>
    %slice3A_585 = vector.extract_strided_slice %select_n3A_579 {offsets = [0, 0], sizes = [64, 127], strides = [1, 1]} : vector<64x128xf32> to vector<64x127xf32>
    %concatenate3A_586 = tpu.concatenate %broadcast_in_dim3A_584, %slice3A_585 in 1 : vector<64x1xf32>, vector<64x127xf32> -> vector<64x128xf32>
    %add3A_587 = arith.addf %select_n3A_579, %concatenate3A_586 : vector<64x128xf32>
    %select_n3A_588 = arith.select %eq3A_582, %add3A_587, %select_n3A_579 : vector<64x128xi1>, vector<64x128xf32>
    %eq3A_589 = arith.constant 66 : i32
    %eq3A_590 = vector.broadcast %eq3A_589 : i32 to vector<64x128xi32>
    %eq3A_591 = arith.cmpi eq, %iota3A, %eq3A_590 : vector<64x128xi32>
    %broadcast_in_dim3A_592 = arith.constant 0.000000e+00 : f32
    %broadcast_in_dim3A_593 = vector.broadcast %broadcast_in_dim3A_592 : f32 to vector<64x1xf32>
    %slice3A_594 = vector.extract_strided_slice %select_n3A_588 {offsets = [0, 0], sizes = [64, 127], strides = [1, 1]} : vector<64x128xf32> to vector<64x127xf32>
    %concatenate3A_595 = tpu.concatenate %broadcast_in_dim3A_593, %slice3A_594 in 1 : vector<64x1xf32>, vector<64x127xf32> -> vector<64x128xf32>
    %add3A_596 = arith.addf %select_n3A_588, %concatenate3A_595 : vector<64x128xf32>
    %select_n3A_597 = arith.select %eq3A_591, %add3A_596, %select_n3A_588 : vector<64x128xi1>, vector<64x128xf32>
    %eq3A_598 = arith.constant 67 : i32
    %eq3A_599 = vector.broadcast %eq3A_598 : i32 to vector<64x128xi32>
    %eq3A_600 = arith.cmpi eq, %iota3A, %eq3A_599 : vector<64x128xi32>
    %broadcast_in_dim3A_601 = arith.constant 0.000000e+00 : f32
    %broadcast_in_dim3A_602 = vector.broadcast %broadcast_in_dim3A_601 : f32 to vector<64x1xf32>
    %slice3A_603 = vector.extract_strided_slice %select_n3A_597 {offsets = [0, 0], sizes = [64, 127], strides = [1, 1]} : vector<64x128xf32> to vector<64x127xf32>
    %concatenate3A_604 = tpu.concatenate %broadcast_in_dim3A_602, %slice3A_603 in 1 : vector<64x1xf32>, vector<64x127xf32> -> vector<64x128xf32>
    %add3A_605 = arith.addf %select_n3A_597, %concatenate3A_604 : vector<64x128xf32>
    %select_n3A_606 = arith.select %eq3A_600, %add3A_605, %select_n3A_597 : vector<64x128xi1>, vector<64x128xf32>
    %eq3A_607 = arith.constant 68 : i32
    %eq3A_608 = vector.broadcast %eq3A_607 : i32 to vector<64x128xi32>
    %eq3A_609 = arith.cmpi eq, %iota3A, %eq3A_608 : vector<64x128xi32>
    %broadcast_in_dim3A_610 = arith.constant 0.000000e+00 : f32
    %broadcast_in_dim3A_611 = vector.broadcast %broadcast_in_dim3A_610 : f32 to vector<64x1xf32>
    %slice3A_612 = vector.extract_strided_slice %select_n3A_606 {offsets = [0, 0], sizes = [64, 127], strides = [1, 1]} : vector<64x128xf32> to vector<64x127xf32>
    %concatenate3A_613 = tpu.concatenate %broadcast_in_dim3A_611, %slice3A_612 in 1 : vector<64x1xf32>, vector<64x127xf32> -> vector<64x128xf32>
    %add3A_614 = arith.addf %select_n3A_606, %concatenate3A_613 : vector<64x128xf32>
    %select_n3A_615 = arith.select %eq3A_609, %add3A_614, %select_n3A_606 : vector<64x128xi1>, vector<64x128xf32>
    %eq3A_616 = arith.constant 69 : i32
    %eq3A_617 = vector.broadcast %eq3A_616 : i32 to vector<64x128xi32>
    %eq3A_618 = arith.cmpi eq, %iota3A, %eq3A_617 : vector<64x128xi32>
    %broadcast_in_dim3A_619 = arith.constant 0.000000e+00 : f32
    %broadcast_in_dim3A_620 = vector.broadcast %broadcast_in_dim3A_619 : f32 to vector<64x1xf32>
    %slice3A_621 = vector.extract_strided_slice %select_n3A_615 {offsets = [0, 0], sizes = [64, 127], strides = [1, 1]} : vector<64x128xf32> to vector<64x127xf32>
    %concatenate3A_622 = tpu.concatenate %broadcast_in_dim3A_620, %slice3A_621 in 1 : vector<64x1xf32>, vector<64x127xf32> -> vector<64x128xf32>
    %add3A_623 = arith.addf %select_n3A_615, %concatenate3A_622 : vector<64x128xf32>
    %select_n3A_624 = arith.select %eq3A_618, %add3A_623, %select_n3A_615 : vector<64x128xi1>, vector<64x128xf32>
    %eq3A_625 = arith.constant 70 : i32
    %eq3A_626 = vector.broadcast %eq3A_625 : i32 to vector<64x128xi32>
    %eq3A_627 = arith.cmpi eq, %iota3A, %eq3A_626 : vector<64x128xi32>
    %broadcast_in_dim3A_628 = arith.constant 0.000000e+00 : f32
    %broadcast_in_dim3A_629 = vector.broadcast %broadcast_in_dim3A_628 : f32 to vector<64x1xf32>
    %slice3A_630 = vector.extract_strided_slice %select_n3A_624 {offsets = [0, 0], sizes = [64, 127], strides = [1, 1]} : vector<64x128xf32> to vector<64x127xf32>
    %concatenate3A_631 = tpu.concatenate %broadcast_in_dim3A_629, %slice3A_630 in 1 : vector<64x1xf32>, vector<64x127xf32> -> vector<64x128xf32>
    %add3A_632 = arith.addf %select_n3A_624, %concatenate3A_631 : vector<64x128xf32>
    %select_n3A_633 = arith.select %eq3A_627, %add3A_632, %select_n3A_624 : vector<64x128xi1>, vector<64x128xf32>
    %eq3A_634 = arith.constant 71 : i32
    %eq3A_635 = vector.broadcast %eq3A_634 : i32 to vector<64x128xi32>
    %eq3A_636 = arith.cmpi eq, %iota3A, %eq3A_635 : vector<64x128xi32>
    %broadcast_in_dim3A_637 = arith.constant 0.000000e+00 : f32
    %broadcast_in_dim3A_638 = vector.broadcast %broadcast_in_dim3A_637 : f32 to vector<64x1xf32>
    %slice3A_639 = vector.extract_strided_slice %select_n3A_633 {offsets = [0, 0], sizes = [64, 127], strides = [1, 1]} : vector<64x128xf32> to vector<64x127xf32>
    %concatenate3A_640 = tpu.concatenate %broadcast_in_dim3A_638, %slice3A_639 in 1 : vector<64x1xf32>, vector<64x127xf32> -> vector<64x128xf32>
    %add3A_641 = arith.addf %select_n3A_633, %concatenate3A_640 : vector<64x128xf32>
    %select_n3A_642 = arith.select %eq3A_636, %add3A_641, %select_n3A_633 : vector<64x128xi1>, vector<64x128xf32>
    %eq3A_643 = arith.constant 72 : i32
    %eq3A_644 = vector.broadcast %eq3A_643 : i32 to vector<64x128xi32>
    %eq3A_645 = arith.cmpi eq, %iota3A, %eq3A_644 : vector<64x128xi32>
    %broadcast_in_dim3A_646 = arith.constant 0.000000e+00 : f32
    %broadcast_in_dim3A_647 = vector.broadcast %broadcast_in_dim3A_646 : f32 to vector<64x1xf32>
    %slice3A_648 = vector.extract_strided_slice %select_n3A_642 {offsets = [0, 0], sizes = [64, 127], strides = [1, 1]} : vector<64x128xf32> to vector<64x127xf32>
    %concatenate3A_649 = tpu.concatenate %broadcast_in_dim3A_647, %slice3A_648 in 1 : vector<64x1xf32>, vector<64x127xf32> -> vector<64x128xf32>
    %add3A_650 = arith.addf %select_n3A_642, %concatenate3A_649 : vector<64x128xf32>
    %select_n3A_651 = arith.select %eq3A_645, %add3A_650, %select_n3A_642 : vector<64x128xi1>, vector<64x128xf32>
    %eq3A_652 = arith.constant 73 : i32
    %eq3A_653 = vector.broadcast %eq3A_652 : i32 to vector<64x128xi32>
    %eq3A_654 = arith.cmpi eq, %iota3A, %eq3A_653 : vector<64x128xi32>
    %broadcast_in_dim3A_655 = arith.constant 0.000000e+00 : f32
    %broadcast_in_dim3A_656 = vector.broadcast %broadcast_in_dim3A_655 : f32 to vector<64x1xf32>
    %slice3A_657 = vector.extract_strided_slice %select_n3A_651 {offsets = [0, 0], sizes = [64, 127], strides = [1, 1]} : vector<64x128xf32> to vector<64x127xf32>
    %concatenate3A_658 = tpu.concatenate %broadcast_in_dim3A_656, %slice3A_657 in 1 : vector<64x1xf32>, vector<64x127xf32> -> vector<64x128xf32>
    %add3A_659 = arith.addf %select_n3A_651, %concatenate3A_658 : vector<64x128xf32>
    %select_n3A_660 = arith.select %eq3A_654, %add3A_659, %select_n3A_651 : vector<64x128xi1>, vector<64x128xf32>
    %eq3A_661 = arith.constant 74 : i32
    %eq3A_662 = vector.broadcast %eq3A_661 : i32 to vector<64x128xi32>
    %eq3A_663 = arith.cmpi eq, %iota3A, %eq3A_662 : vector<64x128xi32>
    %broadcast_in_dim3A_664 = arith.constant 0.000000e+00 : f32
    %broadcast_in_dim3A_665 = vector.broadcast %broadcast_in_dim3A_664 : f32 to vector<64x1xf32>
    %slice3A_666 = vector.extract_strided_slice %select_n3A_660 {offsets = [0, 0], sizes = [64, 127], strides = [1, 1]} : vector<64x128xf32> to vector<64x127xf32>
    %concatenate3A_667 = tpu.concatenate %broadcast_in_dim3A_665, %slice3A_666 in 1 : vector<64x1xf32>, vector<64x127xf32> -> vector<64x128xf32>
    %add3A_668 = arith.addf %select_n3A_660, %concatenate3A_667 : vector<64x128xf32>
    %select_n3A_669 = arith.select %eq3A_663, %add3A_668, %select_n3A_660 : vector<64x128xi1>, vector<64x128xf32>
    %eq3A_670 = arith.constant 75 : i32
    %eq3A_671 = vector.broadcast %eq3A_670 : i32 to vector<64x128xi32>
    %eq3A_672 = arith.cmpi eq, %iota3A, %eq3A_671 : vector<64x128xi32>
    %broadcast_in_dim3A_673 = arith.constant 0.000000e+00 : f32
    %broadcast_in_dim3A_674 = vector.broadcast %broadcast_in_dim3A_673 : f32 to vector<64x1xf32>
    %slice3A_675 = vector.extract_strided_slice %select_n3A_669 {offsets = [0, 0], sizes = [64, 127], strides = [1, 1]} : vector<64x128xf32> to vector<64x127xf32>
    %concatenate3A_676 = tpu.concatenate %broadcast_in_dim3A_674, %slice3A_675 in 1 : vector<64x1xf32>, vector<64x127xf32> -> vector<64x128xf32>
    %add3A_677 = arith.addf %select_n3A_669, %concatenate3A_676 : vector<64x128xf32>
    %select_n3A_678 = arith.select %eq3A_672, %add3A_677, %select_n3A_669 : vector<64x128xi1>, vector<64x128xf32>
    %eq3A_679 = arith.constant 76 : i32
    %eq3A_680 = vector.broadcast %eq3A_679 : i32 to vector<64x128xi32>
    %eq3A_681 = arith.cmpi eq, %iota3A, %eq3A_680 : vector<64x128xi32>
    %broadcast_in_dim3A_682 = arith.constant 0.000000e+00 : f32
    %broadcast_in_dim3A_683 = vector.broadcast %broadcast_in_dim3A_682 : f32 to vector<64x1xf32>
    %slice3A_684 = vector.extract_strided_slice %select_n3A_678 {offsets = [0, 0], sizes = [64, 127], strides = [1, 1]} : vector<64x128xf32> to vector<64x127xf32>
    %concatenate3A_685 = tpu.concatenate %broadcast_in_dim3A_683, %slice3A_684 in 1 : vector<64x1xf32>, vector<64x127xf32> -> vector<64x128xf32>
    %add3A_686 = arith.addf %select_n3A_678, %concatenate3A_685 : vector<64x128xf32>
    %select_n3A_687 = arith.select %eq3A_681, %add3A_686, %select_n3A_678 : vector<64x128xi1>, vector<64x128xf32>
    %eq3A_688 = arith.constant 77 : i32
    %eq3A_689 = vector.broadcast %eq3A_688 : i32 to vector<64x128xi32>
    %eq3A_690 = arith.cmpi eq, %iota3A, %eq3A_689 : vector<64x128xi32>
    %broadcast_in_dim3A_691 = arith.constant 0.000000e+00 : f32
    %broadcast_in_dim3A_692 = vector.broadcast %broadcast_in_dim3A_691 : f32 to vector<64x1xf32>
    %slice3A_693 = vector.extract_strided_slice %select_n3A_687 {offsets = [0, 0], sizes = [64, 127], strides = [1, 1]} : vector<64x128xf32> to vector<64x127xf32>
    %concatenate3A_694 = tpu.concatenate %broadcast_in_dim3A_692, %slice3A_693 in 1 : vector<64x1xf32>, vector<64x127xf32> -> vector<64x128xf32>
    %add3A_695 = arith.addf %select_n3A_687, %concatenate3A_694 : vector<64x128xf32>
    %select_n3A_696 = arith.select %eq3A_690, %add3A_695, %select_n3A_687 : vector<64x128xi1>, vector<64x128xf32>
    %eq3A_697 = arith.constant 78 : i32
    %eq3A_698 = vector.broadcast %eq3A_697 : i32 to vector<64x128xi32>
    %eq3A_699 = arith.cmpi eq, %iota3A, %eq3A_698 : vector<64x128xi32>
    %broadcast_in_dim3A_700 = arith.constant 0.000000e+00 : f32
    %broadcast_in_dim3A_701 = vector.broadcast %broadcast_in_dim3A_700 : f32 to vector<64x1xf32>
    %slice3A_702 = vector.extract_strided_slice %select_n3A_696 {offsets = [0, 0], sizes = [64, 127], strides = [1, 1]} : vector<64x128xf32> to vector<64x127xf32>
    %concatenate3A_703 = tpu.concatenate %broadcast_in_dim3A_701, %slice3A_702 in 1 : vector<64x1xf32>, vector<64x127xf32> -> vector<64x128xf32>
    %add3A_704 = arith.addf %select_n3A_696, %concatenate3A_703 : vector<64x128xf32>
    %select_n3A_705 = arith.select %eq3A_699, %add3A_704, %select_n3A_696 : vector<64x128xi1>, vector<64x128xf32>
    %eq3A_706 = arith.constant 79 : i32
    %eq3A_707 = vector.broadcast %eq3A_706 : i32 to vector<64x128xi32>
    %eq3A_708 = arith.cmpi eq, %iota3A, %eq3A_707 : vector<64x128xi32>
    %broadcast_in_dim3A_709 = arith.constant 0.000000e+00 : f32
    %broadcast_in_dim3A_710 = vector.broadcast %broadcast_in_dim3A_709 : f32 to vector<64x1xf32>
    %slice3A_711 = vector.extract_strided_slice %select_n3A_705 {offsets = [0, 0], sizes = [64, 127], strides = [1, 1]} : vector<64x128xf32> to vector<64x127xf32>
    %concatenate3A_712 = tpu.concatenate %broadcast_in_dim3A_710, %slice3A_711 in 1 : vector<64x1xf32>, vector<64x127xf32> -> vector<64x128xf32>
    %add3A_713 = arith.addf %select_n3A_705, %concatenate3A_712 : vector<64x128xf32>
    %select_n3A_714 = arith.select %eq3A_708, %add3A_713, %select_n3A_705 : vector<64x128xi1>, vector<64x128xf32>
    %eq3A_715 = arith.constant 80 : i32
    %eq3A_716 = vector.broadcast %eq3A_715 : i32 to vector<64x128xi32>
    %eq3A_717 = arith.cmpi eq, %iota3A, %eq3A_716 : vector<64x128xi32>
    %broadcast_in_dim3A_718 = arith.constant 0.000000e+00 : f32
    %broadcast_in_dim3A_719 = vector.broadcast %broadcast_in_dim3A_718 : f32 to vector<64x1xf32>
    %slice3A_720 = vector.extract_strided_slice %select_n3A_714 {offsets = [0, 0], sizes = [64, 127], strides = [1, 1]} : vector<64x128xf32> to vector<64x127xf32>
    %concatenate3A_721 = tpu.concatenate %broadcast_in_dim3A_719, %slice3A_720 in 1 : vector<64x1xf32>, vector<64x127xf32> -> vector<64x128xf32>
    %add3A_722 = arith.addf %select_n3A_714, %concatenate3A_721 : vector<64x128xf32>
    %select_n3A_723 = arith.select %eq3A_717, %add3A_722, %select_n3A_714 : vector<64x128xi1>, vector<64x128xf32>
    %eq3A_724 = arith.constant 81 : i32
    %eq3A_725 = vector.broadcast %eq3A_724 : i32 to vector<64x128xi32>
    %eq3A_726 = arith.cmpi eq, %iota3A, %eq3A_725 : vector<64x128xi32>
    %broadcast_in_dim3A_727 = arith.constant 0.000000e+00 : f32
    %broadcast_in_dim3A_728 = vector.broadcast %broadcast_in_dim3A_727 : f32 to vector<64x1xf32>
    %slice3A_729 = vector.extract_strided_slice %select_n3A_723 {offsets = [0, 0], sizes = [64, 127], strides = [1, 1]} : vector<64x128xf32> to vector<64x127xf32>
    %concatenate3A_730 = tpu.concatenate %broadcast_in_dim3A_728, %slice3A_729 in 1 : vector<64x1xf32>, vector<64x127xf32> -> vector<64x128xf32>
    %add3A_731 = arith.addf %select_n3A_723, %concatenate3A_730 : vector<64x128xf32>
    %select_n3A_732 = arith.select %eq3A_726, %add3A_731, %select_n3A_723 : vector<64x128xi1>, vector<64x128xf32>
    %eq3A_733 = arith.constant 82 : i32
    %eq3A_734 = vector.broadcast %eq3A_733 : i32 to vector<64x128xi32>
    %eq3A_735 = arith.cmpi eq, %iota3A, %eq3A_734 : vector<64x128xi32>
    %broadcast_in_dim3A_736 = arith.constant 0.000000e+00 : f32
    %broadcast_in_dim3A_737 = vector.broadcast %broadcast_in_dim3A_736 : f32 to vector<64x1xf32>
    %slice3A_738 = vector.extract_strided_slice %select_n3A_732 {offsets = [0, 0], sizes = [64, 127], strides = [1, 1]} : vector<64x128xf32> to vector<64x127xf32>
    %concatenate3A_739 = tpu.concatenate %broadcast_in_dim3A_737, %slice3A_738 in 1 : vector<64x1xf32>, vector<64x127xf32> -> vector<64x128xf32>
    %add3A_740 = arith.addf %select_n3A_732, %concatenate3A_739 : vector<64x128xf32>
    %select_n3A_741 = arith.select %eq3A_735, %add3A_740, %select_n3A_732 : vector<64x128xi1>, vector<64x128xf32>
    %eq3A_742 = arith.constant 83 : i32
    %eq3A_743 = vector.broadcast %eq3A_742 : i32 to vector<64x128xi32>
    %eq3A_744 = arith.cmpi eq, %iota3A, %eq3A_743 : vector<64x128xi32>
    %broadcast_in_dim3A_745 = arith.constant 0.000000e+00 : f32
    %broadcast_in_dim3A_746 = vector.broadcast %broadcast_in_dim3A_745 : f32 to vector<64x1xf32>
    %slice3A_747 = vector.extract_strided_slice %select_n3A_741 {offsets = [0, 0], sizes = [64, 127], strides = [1, 1]} : vector<64x128xf32> to vector<64x127xf32>
    %concatenate3A_748 = tpu.concatenate %broadcast_in_dim3A_746, %slice3A_747 in 1 : vector<64x1xf32>, vector<64x127xf32> -> vector<64x128xf32>
    %add3A_749 = arith.addf %select_n3A_741, %concatenate3A_748 : vector<64x128xf32>
    %select_n3A_750 = arith.select %eq3A_744, %add3A_749, %select_n3A_741 : vector<64x128xi1>, vector<64x128xf32>
    %eq3A_751 = arith.constant 84 : i32
    %eq3A_752 = vector.broadcast %eq3A_751 : i32 to vector<64x128xi32>
    %eq3A_753 = arith.cmpi eq, %iota3A, %eq3A_752 : vector<64x128xi32>
    %broadcast_in_dim3A_754 = arith.constant 0.000000e+00 : f32
    %broadcast_in_dim3A_755 = vector.broadcast %broadcast_in_dim3A_754 : f32 to vector<64x1xf32>
    %slice3A_756 = vector.extract_strided_slice %select_n3A_750 {offsets = [0, 0], sizes = [64, 127], strides = [1, 1]} : vector<64x128xf32> to vector<64x127xf32>
    %concatenate3A_757 = tpu.concatenate %broadcast_in_dim3A_755, %slice3A_756 in 1 : vector<64x1xf32>, vector<64x127xf32> -> vector<64x128xf32>
    %add3A_758 = arith.addf %select_n3A_750, %concatenate3A_757 : vector<64x128xf32>
    %select_n3A_759 = arith.select %eq3A_753, %add3A_758, %select_n3A_750 : vector<64x128xi1>, vector<64x128xf32>
    %eq3A_760 = arith.constant 85 : i32
    %eq3A_761 = vector.broadcast %eq3A_760 : i32 to vector<64x128xi32>
    %eq3A_762 = arith.cmpi eq, %iota3A, %eq3A_761 : vector<64x128xi32>
    %broadcast_in_dim3A_763 = arith.constant 0.000000e+00 : f32
    %broadcast_in_dim3A_764 = vector.broadcast %broadcast_in_dim3A_763 : f32 to vector<64x1xf32>
    %slice3A_765 = vector.extract_strided_slice %select_n3A_759 {offsets = [0, 0], sizes = [64, 127], strides = [1, 1]} : vector<64x128xf32> to vector<64x127xf32>
    %concatenate3A_766 = tpu.concatenate %broadcast_in_dim3A_764, %slice3A_765 in 1 : vector<64x1xf32>, vector<64x127xf32> -> vector<64x128xf32>
    %add3A_767 = arith.addf %select_n3A_759, %concatenate3A_766 : vector<64x128xf32>
    %select_n3A_768 = arith.select %eq3A_762, %add3A_767, %select_n3A_759 : vector<64x128xi1>, vector<64x128xf32>
    %eq3A_769 = arith.constant 86 : i32
    %eq3A_770 = vector.broadcast %eq3A_769 : i32 to vector<64x128xi32>
    %eq3A_771 = arith.cmpi eq, %iota3A, %eq3A_770 : vector<64x128xi32>
    %broadcast_in_dim3A_772 = arith.constant 0.000000e+00 : f32
    %broadcast_in_dim3A_773 = vector.broadcast %broadcast_in_dim3A_772 : f32 to vector<64x1xf32>
    %slice3A_774 = vector.extract_strided_slice %select_n3A_768 {offsets = [0, 0], sizes = [64, 127], strides = [1, 1]} : vector<64x128xf32> to vector<64x127xf32>
    %concatenate3A_775 = tpu.concatenate %broadcast_in_dim3A_773, %slice3A_774 in 1 : vector<64x1xf32>, vector<64x127xf32> -> vector<64x128xf32>
    %add3A_776 = arith.addf %select_n3A_768, %concatenate3A_775 : vector<64x128xf32>
    %select_n3A_777 = arith.select %eq3A_771, %add3A_776, %select_n3A_768 : vector<64x128xi1>, vector<64x128xf32>
    %eq3A_778 = arith.constant 87 : i32
    %eq3A_779 = vector.broadcast %eq3A_778 : i32 to vector<64x128xi32>
    %eq3A_780 = arith.cmpi eq, %iota3A, %eq3A_779 : vector<64x128xi32>
    %broadcast_in_dim3A_781 = arith.constant 0.000000e+00 : f32
    %broadcast_in_dim3A_782 = vector.broadcast %broadcast_in_dim3A_781 : f32 to vector<64x1xf32>
    %slice3A_783 = vector.extract_strided_slice %select_n3A_777 {offsets = [0, 0], sizes = [64, 127], strides = [1, 1]} : vector<64x128xf32> to vector<64x127xf32>
    %concatenate3A_784 = tpu.concatenate %broadcast_in_dim3A_782, %slice3A_783 in 1 : vector<64x1xf32>, vector<64x127xf32> -> vector<64x128xf32>
    %add3A_785 = arith.addf %select_n3A_777, %concatenate3A_784 : vector<64x128xf32>
    %select_n3A_786 = arith.select %eq3A_780, %add3A_785, %select_n3A_777 : vector<64x128xi1>, vector<64x128xf32>
    %eq3A_787 = arith.constant 88 : i32
    %eq3A_788 = vector.broadcast %eq3A_787 : i32 to vector<64x128xi32>
    %eq3A_789 = arith.cmpi eq, %iota3A, %eq3A_788 : vector<64x128xi32>
    %broadcast_in_dim3A_790 = arith.constant 0.000000e+00 : f32
    %broadcast_in_dim3A_791 = vector.broadcast %broadcast_in_dim3A_790 : f32 to vector<64x1xf32>
    %slice3A_792 = vector.extract_strided_slice %select_n3A_786 {offsets = [0, 0], sizes = [64, 127], strides = [1, 1]} : vector<64x128xf32> to vector<64x127xf32>
    %concatenate3A_793 = tpu.concatenate %broadcast_in_dim3A_791, %slice3A_792 in 1 : vector<64x1xf32>, vector<64x127xf32> -> vector<64x128xf32>
    %add3A_794 = arith.addf %select_n3A_786, %concatenate3A_793 : vector<64x128xf32>
    %select_n3A_795 = arith.select %eq3A_789, %add3A_794, %select_n3A_786 : vector<64x128xi1>, vector<64x128xf32>
    %eq3A_796 = arith.constant 89 : i32
    %eq3A_797 = vector.broadcast %eq3A_796 : i32 to vector<64x128xi32>
    %eq3A_798 = arith.cmpi eq, %iota3A, %eq3A_797 : vector<64x128xi32>
    %broadcast_in_dim3A_799 = arith.constant 0.000000e+00 : f32
    %broadcast_in_dim3A_800 = vector.broadcast %broadcast_in_dim3A_799 : f32 to vector<64x1xf32>
    %slice3A_801 = vector.extract_strided_slice %select_n3A_795 {offsets = [0, 0], sizes = [64, 127], strides = [1, 1]} : vector<64x128xf32> to vector<64x127xf32>
    %concatenate3A_802 = tpu.concatenate %broadcast_in_dim3A_800, %slice3A_801 in 1 : vector<64x1xf32>, vector<64x127xf32> -> vector<64x128xf32>
    %add3A_803 = arith.addf %select_n3A_795, %concatenate3A_802 : vector<64x128xf32>
    %select_n3A_804 = arith.select %eq3A_798, %add3A_803, %select_n3A_795 : vector<64x128xi1>, vector<64x128xf32>
    %eq3A_805 = arith.constant 90 : i32
    %eq3A_806 = vector.broadcast %eq3A_805 : i32 to vector<64x128xi32>
    %eq3A_807 = arith.cmpi eq, %iota3A, %eq3A_806 : vector<64x128xi32>
    %broadcast_in_dim3A_808 = arith.constant 0.000000e+00 : f32
    %broadcast_in_dim3A_809 = vector.broadcast %broadcast_in_dim3A_808 : f32 to vector<64x1xf32>
    %slice3A_810 = vector.extract_strided_slice %select_n3A_804 {offsets = [0, 0], sizes = [64, 127], strides = [1, 1]} : vector<64x128xf32> to vector<64x127xf32>
    %concatenate3A_811 = tpu.concatenate %broadcast_in_dim3A_809, %slice3A_810 in 1 : vector<64x1xf32>, vector<64x127xf32> -> vector<64x128xf32>
    %add3A_812 = arith.addf %select_n3A_804, %concatenate3A_811 : vector<64x128xf32>
    %select_n3A_813 = arith.select %eq3A_807, %add3A_812, %select_n3A_804 : vector<64x128xi1>, vector<64x128xf32>
    %eq3A_814 = arith.constant 91 : i32
    %eq3A_815 = vector.broadcast %eq3A_814 : i32 to vector<64x128xi32>
    %eq3A_816 = arith.cmpi eq, %iota3A, %eq3A_815 : vector<64x128xi32>
    %broadcast_in_dim3A_817 = arith.constant 0.000000e+00 : f32
    %broadcast_in_dim3A_818 = vector.broadcast %broadcast_in_dim3A_817 : f32 to vector<64x1xf32>
    %slice3A_819 = vector.extract_strided_slice %select_n3A_813 {offsets = [0, 0], sizes = [64, 127], strides = [1, 1]} : vector<64x128xf32> to vector<64x127xf32>
    %concatenate3A_820 = tpu.concatenate %broadcast_in_dim3A_818, %slice3A_819 in 1 : vector<64x1xf32>, vector<64x127xf32> -> vector<64x128xf32>
    %add3A_821 = arith.addf %select_n3A_813, %concatenate3A_820 : vector<64x128xf32>
    %select_n3A_822 = arith.select %eq3A_816, %add3A_821, %select_n3A_813 : vector<64x128xi1>, vector<64x128xf32>
    %eq3A_823 = arith.constant 92 : i32
    %eq3A_824 = vector.broadcast %eq3A_823 : i32 to vector<64x128xi32>
    %eq3A_825 = arith.cmpi eq, %iota3A, %eq3A_824 : vector<64x128xi32>
    %broadcast_in_dim3A_826 = arith.constant 0.000000e+00 : f32
    %broadcast_in_dim3A_827 = vector.broadcast %broadcast_in_dim3A_826 : f32 to vector<64x1xf32>
    %slice3A_828 = vector.extract_strided_slice %select_n3A_822 {offsets = [0, 0], sizes = [64, 127], strides = [1, 1]} : vector<64x128xf32> to vector<64x127xf32>
    %concatenate3A_829 = tpu.concatenate %broadcast_in_dim3A_827, %slice3A_828 in 1 : vector<64x1xf32>, vector<64x127xf32> -> vector<64x128xf32>
    %add3A_830 = arith.addf %select_n3A_822, %concatenate3A_829 : vector<64x128xf32>
    %select_n3A_831 = arith.select %eq3A_825, %add3A_830, %select_n3A_822 : vector<64x128xi1>, vector<64x128xf32>
    %eq3A_832 = arith.constant 93 : i32
    %eq3A_833 = vector.broadcast %eq3A_832 : i32 to vector<64x128xi32>
    %eq3A_834 = arith.cmpi eq, %iota3A, %eq3A_833 : vector<64x128xi32>
    %broadcast_in_dim3A_835 = arith.constant 0.000000e+00 : f32
    %broadcast_in_dim3A_836 = vector.broadcast %broadcast_in_dim3A_835 : f32 to vector<64x1xf32>
    %slice3A_837 = vector.extract_strided_slice %select_n3A_831 {offsets = [0, 0], sizes = [64, 127], strides = [1, 1]} : vector<64x128xf32> to vector<64x127xf32>
    %concatenate3A_838 = tpu.concatenate %broadcast_in_dim3A_836, %slice3A_837 in 1 : vector<64x1xf32>, vector<64x127xf32> -> vector<64x128xf32>
    %add3A_839 = arith.addf %select_n3A_831, %concatenate3A_838 : vector<64x128xf32>
    %select_n3A_840 = arith.select %eq3A_834, %add3A_839, %select_n3A_831 : vector<64x128xi1>, vector<64x128xf32>
    %eq3A_841 = arith.constant 94 : i32
    %eq3A_842 = vector.broadcast %eq3A_841 : i32 to vector<64x128xi32>
    %eq3A_843 = arith.cmpi eq, %iota3A, %eq3A_842 : vector<64x128xi32>
    %broadcast_in_dim3A_844 = arith.constant 0.000000e+00 : f32
    %broadcast_in_dim3A_845 = vector.broadcast %broadcast_in_dim3A_844 : f32 to vector<64x1xf32>
    %slice3A_846 = vector.extract_strided_slice %select_n3A_840 {offsets = [0, 0], sizes = [64, 127], strides = [1, 1]} : vector<64x128xf32> to vector<64x127xf32>
    %concatenate3A_847 = tpu.concatenate %broadcast_in_dim3A_845, %slice3A_846 in 1 : vector<64x1xf32>, vector<64x127xf32> -> vector<64x128xf32>
    %add3A_848 = arith.addf %select_n3A_840, %concatenate3A_847 : vector<64x128xf32>
    %select_n3A_849 = arith.select %eq3A_843, %add3A_848, %select_n3A_840 : vector<64x128xi1>, vector<64x128xf32>
    %eq3A_850 = arith.constant 95 : i32
    %eq3A_851 = vector.broadcast %eq3A_850 : i32 to vector<64x128xi32>
    %eq3A_852 = arith.cmpi eq, %iota3A, %eq3A_851 : vector<64x128xi32>
    %broadcast_in_dim3A_853 = arith.constant 0.000000e+00 : f32
    %broadcast_in_dim3A_854 = vector.broadcast %broadcast_in_dim3A_853 : f32 to vector<64x1xf32>
    %slice3A_855 = vector.extract_strided_slice %select_n3A_849 {offsets = [0, 0], sizes = [64, 127], strides = [1, 1]} : vector<64x128xf32> to vector<64x127xf32>
    %concatenate3A_856 = tpu.concatenate %broadcast_in_dim3A_854, %slice3A_855 in 1 : vector<64x1xf32>, vector<64x127xf32> -> vector<64x128xf32>
    %add3A_857 = arith.addf %select_n3A_849, %concatenate3A_856 : vector<64x128xf32>
    %select_n3A_858 = arith.select %eq3A_852, %add3A_857, %select_n3A_849 : vector<64x128xi1>, vector<64x128xf32>
    %eq3A_859 = arith.constant 96 : i32
    %eq3A_860 = vector.broadcast %eq3A_859 : i32 to vector<64x128xi32>
    %eq3A_861 = arith.cmpi eq, %iota3A, %eq3A_860 : vector<64x128xi32>
    %broadcast_in_dim3A_862 = arith.constant 0.000000e+00 : f32
    %broadcast_in_dim3A_863 = vector.broadcast %broadcast_in_dim3A_862 : f32 to vector<64x1xf32>
    %slice3A_864 = vector.extract_strided_slice %select_n3A_858 {offsets = [0, 0], sizes = [64, 127], strides = [1, 1]} : vector<64x128xf32> to vector<64x127xf32>
    %concatenate3A_865 = tpu.concatenate %broadcast_in_dim3A_863, %slice3A_864 in 1 : vector<64x1xf32>, vector<64x127xf32> -> vector<64x128xf32>
    %add3A_866 = arith.addf %select_n3A_858, %concatenate3A_865 : vector<64x128xf32>
    %select_n3A_867 = arith.select %eq3A_861, %add3A_866, %select_n3A_858 : vector<64x128xi1>, vector<64x128xf32>
    %eq3A_868 = arith.constant 97 : i32
    %eq3A_869 = vector.broadcast %eq3A_868 : i32 to vector<64x128xi32>
    %eq3A_870 = arith.cmpi eq, %iota3A, %eq3A_869 : vector<64x128xi32>
    %broadcast_in_dim3A_871 = arith.constant 0.000000e+00 : f32
    %broadcast_in_dim3A_872 = vector.broadcast %broadcast_in_dim3A_871 : f32 to vector<64x1xf32>
    %slice3A_873 = vector.extract_strided_slice %select_n3A_867 {offsets = [0, 0], sizes = [64, 127], strides = [1, 1]} : vector<64x128xf32> to vector<64x127xf32>
    %concatenate3A_874 = tpu.concatenate %broadcast_in_dim3A_872, %slice3A_873 in 1 : vector<64x1xf32>, vector<64x127xf32> -> vector<64x128xf32>
    %add3A_875 = arith.addf %select_n3A_867, %concatenate3A_874 : vector<64x128xf32>
    %select_n3A_876 = arith.select %eq3A_870, %add3A_875, %select_n3A_867 : vector<64x128xi1>, vector<64x128xf32>
    %eq3A_877 = arith.constant 98 : i32
    %eq3A_878 = vector.broadcast %eq3A_877 : i32 to vector<64x128xi32>
    %eq3A_879 = arith.cmpi eq, %iota3A, %eq3A_878 : vector<64x128xi32>
    %broadcast_in_dim3A_880 = arith.constant 0.000000e+00 : f32
    %broadcast_in_dim3A_881 = vector.broadcast %broadcast_in_dim3A_880 : f32 to vector<64x1xf32>
    %slice3A_882 = vector.extract_strided_slice %select_n3A_876 {offsets = [0, 0], sizes = [64, 127], strides = [1, 1]} : vector<64x128xf32> to vector<64x127xf32>
    %concatenate3A_883 = tpu.concatenate %broadcast_in_dim3A_881, %slice3A_882 in 1 : vector<64x1xf32>, vector<64x127xf32> -> vector<64x128xf32>
    %add3A_884 = arith.addf %select_n3A_876, %concatenate3A_883 : vector<64x128xf32>
    %select_n3A_885 = arith.select %eq3A_879, %add3A_884, %select_n3A_876 : vector<64x128xi1>, vector<64x128xf32>
    %eq3A_886 = arith.constant 99 : i32
    %eq3A_887 = vector.broadcast %eq3A_886 : i32 to vector<64x128xi32>
    %eq3A_888 = arith.cmpi eq, %iota3A, %eq3A_887 : vector<64x128xi32>
    %broadcast_in_dim3A_889 = arith.constant 0.000000e+00 : f32
    %broadcast_in_dim3A_890 = vector.broadcast %broadcast_in_dim3A_889 : f32 to vector<64x1xf32>
    %slice3A_891 = vector.extract_strided_slice %select_n3A_885 {offsets = [0, 0], sizes = [64, 127], strides = [1, 1]} : vector<64x128xf32> to vector<64x127xf32>
    %concatenate3A_892 = tpu.concatenate %broadcast_in_dim3A_890, %slice3A_891 in 1 : vector<64x1xf32>, vector<64x127xf32> -> vector<64x128xf32>
    %add3A_893 = arith.addf %select_n3A_885, %concatenate3A_892 : vector<64x128xf32>
    %select_n3A_894 = arith.select %eq3A_888, %add3A_893, %select_n3A_885 : vector<64x128xi1>, vector<64x128xf32>
    %eq3A_895 = arith.constant 100 : i32
    %eq3A_896 = vector.broadcast %eq3A_895 : i32 to vector<64x128xi32>
    %eq3A_897 = arith.cmpi eq, %iota3A, %eq3A_896 : vector<64x128xi32>
    %broadcast_in_dim3A_898 = arith.constant 0.000000e+00 : f32
    %broadcast_in_dim3A_899 = vector.broadcast %broadcast_in_dim3A_898 : f32 to vector<64x1xf32>
    %slice3A_900 = vector.extract_strided_slice %select_n3A_894 {offsets = [0, 0], sizes = [64, 127], strides = [1, 1]} : vector<64x128xf32> to vector<64x127xf32>
    %concatenate3A_901 = tpu.concatenate %broadcast_in_dim3A_899, %slice3A_900 in 1 : vector<64x1xf32>, vector<64x127xf32> -> vector<64x128xf32>
    %add3A_902 = arith.addf %select_n3A_894, %concatenate3A_901 : vector<64x128xf32>
    %select_n3A_903 = arith.select %eq3A_897, %add3A_902, %select_n3A_894 : vector<64x128xi1>, vector<64x128xf32>
    %eq3A_904 = arith.constant 101 : i32
    %eq3A_905 = vector.broadcast %eq3A_904 : i32 to vector<64x128xi32>
    %eq3A_906 = arith.cmpi eq, %iota3A, %eq3A_905 : vector<64x128xi32>
    %broadcast_in_dim3A_907 = arith.constant 0.000000e+00 : f32
    %broadcast_in_dim3A_908 = vector.broadcast %broadcast_in_dim3A_907 : f32 to vector<64x1xf32>
    %slice3A_909 = vector.extract_strided_slice %select_n3A_903 {offsets = [0, 0], sizes = [64, 127], strides = [1, 1]} : vector<64x128xf32> to vector<64x127xf32>
    %concatenate3A_910 = tpu.concatenate %broadcast_in_dim3A_908, %slice3A_909 in 1 : vector<64x1xf32>, vector<64x127xf32> -> vector<64x128xf32>
    %add3A_911 = arith.addf %select_n3A_903, %concatenate3A_910 : vector<64x128xf32>
    %select_n3A_912 = arith.select %eq3A_906, %add3A_911, %select_n3A_903 : vector<64x128xi1>, vector<64x128xf32>
    %eq3A_913 = arith.constant 102 : i32
    %eq3A_914 = vector.broadcast %eq3A_913 : i32 to vector<64x128xi32>
    %eq3A_915 = arith.cmpi eq, %iota3A, %eq3A_914 : vector<64x128xi32>
    %broadcast_in_dim3A_916 = arith.constant 0.000000e+00 : f32
    %broadcast_in_dim3A_917 = vector.broadcast %broadcast_in_dim3A_916 : f32 to vector<64x1xf32>
    %slice3A_918 = vector.extract_strided_slice %select_n3A_912 {offsets = [0, 0], sizes = [64, 127], strides = [1, 1]} : vector<64x128xf32> to vector<64x127xf32>
    %concatenate3A_919 = tpu.concatenate %broadcast_in_dim3A_917, %slice3A_918 in 1 : vector<64x1xf32>, vector<64x127xf32> -> vector<64x128xf32>
    %add3A_920 = arith.addf %select_n3A_912, %concatenate3A_919 : vector<64x128xf32>
    %select_n3A_921 = arith.select %eq3A_915, %add3A_920, %select_n3A_912 : vector<64x128xi1>, vector<64x128xf32>
    %eq3A_922 = arith.constant 103 : i32
    %eq3A_923 = vector.broadcast %eq3A_922 : i32 to vector<64x128xi32>
    %eq3A_924 = arith.cmpi eq, %iota3A, %eq3A_923 : vector<64x128xi32>
    %broadcast_in_dim3A_925 = arith.constant 0.000000e+00 : f32
    %broadcast_in_dim3A_926 = vector.broadcast %broadcast_in_dim3A_925 : f32 to vector<64x1xf32>
    %slice3A_927 = vector.extract_strided_slice %select_n3A_921 {offsets = [0, 0], sizes = [64, 127], strides = [1, 1]} : vector<64x128xf32> to vector<64x127xf32>
    %concatenate3A_928 = tpu.concatenate %broadcast_in_dim3A_926, %slice3A_927 in 1 : vector<64x1xf32>, vector<64x127xf32> -> vector<64x128xf32>
    %add3A_929 = arith.addf %select_n3A_921, %concatenate3A_928 : vector<64x128xf32>
    %select_n3A_930 = arith.select %eq3A_924, %add3A_929, %select_n3A_921 : vector<64x128xi1>, vector<64x128xf32>
    %eq3A_931 = arith.constant 104 : i32
    %eq3A_932 = vector.broadcast %eq3A_931 : i32 to vector<64x128xi32>
    %eq3A_933 = arith.cmpi eq, %iota3A, %eq3A_932 : vector<64x128xi32>
    %broadcast_in_dim3A_934 = arith.constant 0.000000e+00 : f32
    %broadcast_in_dim3A_935 = vector.broadcast %broadcast_in_dim3A_934 : f32 to vector<64x1xf32>
    %slice3A_936 = vector.extract_strided_slice %select_n3A_930 {offsets = [0, 0], sizes = [64, 127], strides = [1, 1]} : vector<64x128xf32> to vector<64x127xf32>
    %concatenate3A_937 = tpu.concatenate %broadcast_in_dim3A_935, %slice3A_936 in 1 : vector<64x1xf32>, vector<64x127xf32> -> vector<64x128xf32>
    %add3A_938 = arith.addf %select_n3A_930, %concatenate3A_937 : vector<64x128xf32>
    %select_n3A_939 = arith.select %eq3A_933, %add3A_938, %select_n3A_930 : vector<64x128xi1>, vector<64x128xf32>
    %eq3A_940 = arith.constant 105 : i32
    %eq3A_941 = vector.broadcast %eq3A_940 : i32 to vector<64x128xi32>
    %eq3A_942 = arith.cmpi eq, %iota3A, %eq3A_941 : vector<64x128xi32>
    %broadcast_in_dim3A_943 = arith.constant 0.000000e+00 : f32
    %broadcast_in_dim3A_944 = vector.broadcast %broadcast_in_dim3A_943 : f32 to vector<64x1xf32>
    %slice3A_945 = vector.extract_strided_slice %select_n3A_939 {offsets = [0, 0], sizes = [64, 127], strides = [1, 1]} : vector<64x128xf32> to vector<64x127xf32>
    %concatenate3A_946 = tpu.concatenate %broadcast_in_dim3A_944, %slice3A_945 in 1 : vector<64x1xf32>, vector<64x127xf32> -> vector<64x128xf32>
    %add3A_947 = arith.addf %select_n3A_939, %concatenate3A_946 : vector<64x128xf32>
    %select_n3A_948 = arith.select %eq3A_942, %add3A_947, %select_n3A_939 : vector<64x128xi1>, vector<64x128xf32>
    %eq3A_949 = arith.constant 106 : i32
    %eq3A_950 = vector.broadcast %eq3A_949 : i32 to vector<64x128xi32>
    %eq3A_951 = arith.cmpi eq, %iota3A, %eq3A_950 : vector<64x128xi32>
    %broadcast_in_dim3A_952 = arith.constant 0.000000e+00 : f32
    %broadcast_in_dim3A_953 = vector.broadcast %broadcast_in_dim3A_952 : f32 to vector<64x1xf32>
    %slice3A_954 = vector.extract_strided_slice %select_n3A_948 {offsets = [0, 0], sizes = [64, 127], strides = [1, 1]} : vector<64x128xf32> to vector<64x127xf32>
    %concatenate3A_955 = tpu.concatenate %broadcast_in_dim3A_953, %slice3A_954 in 1 : vector<64x1xf32>, vector<64x127xf32> -> vector<64x128xf32>
    %add3A_956 = arith.addf %select_n3A_948, %concatenate3A_955 : vector<64x128xf32>
    %select_n3A_957 = arith.select %eq3A_951, %add3A_956, %select_n3A_948 : vector<64x128xi1>, vector<64x128xf32>
    %eq3A_958 = arith.constant 107 : i32
    %eq3A_959 = vector.broadcast %eq3A_958 : i32 to vector<64x128xi32>
    %eq3A_960 = arith.cmpi eq, %iota3A, %eq3A_959 : vector<64x128xi32>
    %broadcast_in_dim3A_961 = arith.constant 0.000000e+00 : f32
    %broadcast_in_dim3A_962 = vector.broadcast %broadcast_in_dim3A_961 : f32 to vector<64x1xf32>
    %slice3A_963 = vector.extract_strided_slice %select_n3A_957 {offsets = [0, 0], sizes = [64, 127], strides = [1, 1]} : vector<64x128xf32> to vector<64x127xf32>
    %concatenate3A_964 = tpu.concatenate %broadcast_in_dim3A_962, %slice3A_963 in 1 : vector<64x1xf32>, vector<64x127xf32> -> vector<64x128xf32>
    %add3A_965 = arith.addf %select_n3A_957, %concatenate3A_964 : vector<64x128xf32>
    %select_n3A_966 = arith.select %eq3A_960, %add3A_965, %select_n3A_957 : vector<64x128xi1>, vector<64x128xf32>
    %eq3A_967 = arith.constant 108 : i32
    %eq3A_968 = vector.broadcast %eq3A_967 : i32 to vector<64x128xi32>
    %eq3A_969 = arith.cmpi eq, %iota3A, %eq3A_968 : vector<64x128xi32>
    %broadcast_in_dim3A_970 = arith.constant 0.000000e+00 : f32
    %broadcast_in_dim3A_971 = vector.broadcast %broadcast_in_dim3A_970 : f32 to vector<64x1xf32>
    %slice3A_972 = vector.extract_strided_slice %select_n3A_966 {offsets = [0, 0], sizes = [64, 127], strides = [1, 1]} : vector<64x128xf32> to vector<64x127xf32>
    %concatenate3A_973 = tpu.concatenate %broadcast_in_dim3A_971, %slice3A_972 in 1 : vector<64x1xf32>, vector<64x127xf32> -> vector<64x128xf32>
    %add3A_974 = arith.addf %select_n3A_966, %concatenate3A_973 : vector<64x128xf32>
    %select_n3A_975 = arith.select %eq3A_969, %add3A_974, %select_n3A_966 : vector<64x128xi1>, vector<64x128xf32>
    %eq3A_976 = arith.constant 109 : i32
    %eq3A_977 = vector.broadcast %eq3A_976 : i32 to vector<64x128xi32>
    %eq3A_978 = arith.cmpi eq, %iota3A, %eq3A_977 : vector<64x128xi32>
    %broadcast_in_dim3A_979 = arith.constant 0.000000e+00 : f32
    %broadcast_in_dim3A_980 = vector.broadcast %broadcast_in_dim3A_979 : f32 to vector<64x1xf32>
    %slice3A_981 = vector.extract_strided_slice %select_n3A_975 {offsets = [0, 0], sizes = [64, 127], strides = [1, 1]} : vector<64x128xf32> to vector<64x127xf32>
    %concatenate3A_982 = tpu.concatenate %broadcast_in_dim3A_980, %slice3A_981 in 1 : vector<64x1xf32>, vector<64x127xf32> -> vector<64x128xf32>
    %add3A_983 = arith.addf %select_n3A_975, %concatenate3A_982 : vector<64x128xf32>
    %select_n3A_984 = arith.select %eq3A_978, %add3A_983, %select_n3A_975 : vector<64x128xi1>, vector<64x128xf32>
    %eq3A_985 = arith.constant 110 : i32
    %eq3A_986 = vector.broadcast %eq3A_985 : i32 to vector<64x128xi32>
    %eq3A_987 = arith.cmpi eq, %iota3A, %eq3A_986 : vector<64x128xi32>
    %broadcast_in_dim3A_988 = arith.constant 0.000000e+00 : f32
    %broadcast_in_dim3A_989 = vector.broadcast %broadcast_in_dim3A_988 : f32 to vector<64x1xf32>
    %slice3A_990 = vector.extract_strided_slice %select_n3A_984 {offsets = [0, 0], sizes = [64, 127], strides = [1, 1]} : vector<64x128xf32> to vector<64x127xf32>
    %concatenate3A_991 = tpu.concatenate %broadcast_in_dim3A_989, %slice3A_990 in 1 : vector<64x1xf32>, vector<64x127xf32> -> vector<64x128xf32>
    %add3A_992 = arith.addf %select_n3A_984, %concatenate3A_991 : vector<64x128xf32>
    %select_n3A_993 = arith.select %eq3A_987, %add3A_992, %select_n3A_984 : vector<64x128xi1>, vector<64x128xf32>
    %eq3A_994 = arith.constant 111 : i32
    %eq3A_995 = vector.broadcast %eq3A_994 : i32 to vector<64x128xi32>
    %eq3A_996 = arith.cmpi eq, %iota3A, %eq3A_995 : vector<64x128xi32>
    %broadcast_in_dim3A_997 = arith.constant 0.000000e+00 : f32
    %broadcast_in_dim3A_998 = vector.broadcast %broadcast_in_dim3A_997 : f32 to vector<64x1xf32>
    %slice3A_999 = vector.extract_strided_slice %select_n3A_993 {offsets = [0, 0], sizes = [64, 127], strides = [1, 1]} : vector<64x128xf32> to vector<64x127xf32>
    %concatenate3A_1000 = tpu.concatenate %broadcast_in_dim3A_998, %slice3A_999 in 1 : vector<64x1xf32>, vector<64x127xf32> -> vector<64x128xf32>
    %add3A_1001 = arith.addf %select_n3A_993, %concatenate3A_1000 : vector<64x128xf32>
    %select_n3A_1002 = arith.select %eq3A_996, %add3A_1001, %select_n3A_993 : vector<64x128xi1>, vector<64x128xf32>
    %eq3A_1003 = arith.constant 112 : i32
    %eq3A_1004 = vector.broadcast %eq3A_1003 : i32 to vector<64x128xi32>
    %eq3A_1005 = arith.cmpi eq, %iota3A, %eq3A_1004 : vector<64x128xi32>
    %broadcast_in_dim3A_1006 = arith.constant 0.000000e+00 : f32
    %broadcast_in_dim3A_1007 = vector.broadcast %broadcast_in_dim3A_1006 : f32 to vector<64x1xf32>
    %slice3A_1008 = vector.extract_strided_slice %select_n3A_1002 {offsets = [0, 0], sizes = [64, 127], strides = [1, 1]} : vector<64x128xf32> to vector<64x127xf32>
    %concatenate3A_1009 = tpu.concatenate %broadcast_in_dim3A_1007, %slice3A_1008 in 1 : vector<64x1xf32>, vector<64x127xf32> -> vector<64x128xf32>
    %add3A_1010 = arith.addf %select_n3A_1002, %concatenate3A_1009 : vector<64x128xf32>
    %select_n3A_1011 = arith.select %eq3A_1005, %add3A_1010, %select_n3A_1002 : vector<64x128xi1>, vector<64x128xf32>
    %eq3A_1012 = arith.constant 113 : i32
    %eq3A_1013 = vector.broadcast %eq3A_1012 : i32 to vector<64x128xi32>
    %eq3A_1014 = arith.cmpi eq, %iota3A, %eq3A_1013 : vector<64x128xi32>
    %broadcast_in_dim3A_1015 = arith.constant 0.000000e+00 : f32
    %broadcast_in_dim3A_1016 = vector.broadcast %broadcast_in_dim3A_1015 : f32 to vector<64x1xf32>
    %slice3A_1017 = vector.extract_strided_slice %select_n3A_1011 {offsets = [0, 0], sizes = [64, 127], strides = [1, 1]} : vector<64x128xf32> to vector<64x127xf32>
    %concatenate3A_1018 = tpu.concatenate %broadcast_in_dim3A_1016, %slice3A_1017 in 1 : vector<64x1xf32>, vector<64x127xf32> -> vector<64x128xf32>
    %add3A_1019 = arith.addf %select_n3A_1011, %concatenate3A_1018 : vector<64x128xf32>
    %select_n3A_1020 = arith.select %eq3A_1014, %add3A_1019, %select_n3A_1011 : vector<64x128xi1>, vector<64x128xf32>
    %eq3A_1021 = arith.constant 114 : i32
    %eq3A_1022 = vector.broadcast %eq3A_1021 : i32 to vector<64x128xi32>
    %eq3A_1023 = arith.cmpi eq, %iota3A, %eq3A_1022 : vector<64x128xi32>
    %broadcast_in_dim3A_1024 = arith.constant 0.000000e+00 : f32
    %broadcast_in_dim3A_1025 = vector.broadcast %broadcast_in_dim3A_1024 : f32 to vector<64x1xf32>
    %slice3A_1026 = vector.extract_strided_slice %select_n3A_1020 {offsets = [0, 0], sizes = [64, 127], strides = [1, 1]} : vector<64x128xf32> to vector<64x127xf32>
    %concatenate3A_1027 = tpu.concatenate %broadcast_in_dim3A_1025, %slice3A_1026 in 1 : vector<64x1xf32>, vector<64x127xf32> -> vector<64x128xf32>
    %add3A_1028 = arith.addf %select_n3A_1020, %concatenate3A_1027 : vector<64x128xf32>
    %select_n3A_1029 = arith.select %eq3A_1023, %add3A_1028, %select_n3A_1020 : vector<64x128xi1>, vector<64x128xf32>
    %eq3A_1030 = arith.constant 115 : i32
    %eq3A_1031 = vector.broadcast %eq3A_1030 : i32 to vector<64x128xi32>
    %eq3A_1032 = arith.cmpi eq, %iota3A, %eq3A_1031 : vector<64x128xi32>
    %broadcast_in_dim3A_1033 = arith.constant 0.000000e+00 : f32
    %broadcast_in_dim3A_1034 = vector.broadcast %broadcast_in_dim3A_1033 : f32 to vector<64x1xf32>
    %slice3A_1035 = vector.extract_strided_slice %select_n3A_1029 {offsets = [0, 0], sizes = [64, 127], strides = [1, 1]} : vector<64x128xf32> to vector<64x127xf32>
    %concatenate3A_1036 = tpu.concatenate %broadcast_in_dim3A_1034, %slice3A_1035 in 1 : vector<64x1xf32>, vector<64x127xf32> -> vector<64x128xf32>
    %add3A_1037 = arith.addf %select_n3A_1029, %concatenate3A_1036 : vector<64x128xf32>
    %select_n3A_1038 = arith.select %eq3A_1032, %add3A_1037, %select_n3A_1029 : vector<64x128xi1>, vector<64x128xf32>
    %eq3A_1039 = arith.constant 116 : i32
    %eq3A_1040 = vector.broadcast %eq3A_1039 : i32 to vector<64x128xi32>
    %eq3A_1041 = arith.cmpi eq, %iota3A, %eq3A_1040 : vector<64x128xi32>
    %broadcast_in_dim3A_1042 = arith.constant 0.000000e+00 : f32
    %broadcast_in_dim3A_1043 = vector.broadcast %broadcast_in_dim3A_1042 : f32 to vector<64x1xf32>
    %slice3A_1044 = vector.extract_strided_slice %select_n3A_1038 {offsets = [0, 0], sizes = [64, 127], strides = [1, 1]} : vector<64x128xf32> to vector<64x127xf32>
    %concatenate3A_1045 = tpu.concatenate %broadcast_in_dim3A_1043, %slice3A_1044 in 1 : vector<64x1xf32>, vector<64x127xf32> -> vector<64x128xf32>
    %add3A_1046 = arith.addf %select_n3A_1038, %concatenate3A_1045 : vector<64x128xf32>
    %select_n3A_1047 = arith.select %eq3A_1041, %add3A_1046, %select_n3A_1038 : vector<64x128xi1>, vector<64x128xf32>
    %eq3A_1048 = arith.constant 117 : i32
    %eq3A_1049 = vector.broadcast %eq3A_1048 : i32 to vector<64x128xi32>
    %eq3A_1050 = arith.cmpi eq, %iota3A, %eq3A_1049 : vector<64x128xi32>
    %broadcast_in_dim3A_1051 = arith.constant 0.000000e+00 : f32
    %broadcast_in_dim3A_1052 = vector.broadcast %broadcast_in_dim3A_1051 : f32 to vector<64x1xf32>
    %slice3A_1053 = vector.extract_strided_slice %select_n3A_1047 {offsets = [0, 0], sizes = [64, 127], strides = [1, 1]} : vector<64x128xf32> to vector<64x127xf32>
    %concatenate3A_1054 = tpu.concatenate %broadcast_in_dim3A_1052, %slice3A_1053 in 1 : vector<64x1xf32>, vector<64x127xf32> -> vector<64x128xf32>
    %add3A_1055 = arith.addf %select_n3A_1047, %concatenate3A_1054 : vector<64x128xf32>
    %select_n3A_1056 = arith.select %eq3A_1050, %add3A_1055, %select_n3A_1047 : vector<64x128xi1>, vector<64x128xf32>
    %eq3A_1057 = arith.constant 118 : i32
    %eq3A_1058 = vector.broadcast %eq3A_1057 : i32 to vector<64x128xi32>
    %eq3A_1059 = arith.cmpi eq, %iota3A, %eq3A_1058 : vector<64x128xi32>
    %broadcast_in_dim3A_1060 = arith.constant 0.000000e+00 : f32
    %broadcast_in_dim3A_1061 = vector.broadcast %broadcast_in_dim3A_1060 : f32 to vector<64x1xf32>
    %slice3A_1062 = vector.extract_strided_slice %select_n3A_1056 {offsets = [0, 0], sizes = [64, 127], strides = [1, 1]} : vector<64x128xf32> to vector<64x127xf32>
    %concatenate3A_1063 = tpu.concatenate %broadcast_in_dim3A_1061, %slice3A_1062 in 1 : vector<64x1xf32>, vector<64x127xf32> -> vector<64x128xf32>
    %add3A_1064 = arith.addf %select_n3A_1056, %concatenate3A_1063 : vector<64x128xf32>
    %select_n3A_1065 = arith.select %eq3A_1059, %add3A_1064, %select_n3A_1056 : vector<64x128xi1>, vector<64x128xf32>
    %eq3A_1066 = arith.constant 119 : i32
    %eq3A_1067 = vector.broadcast %eq3A_1066 : i32 to vector<64x128xi32>
    %eq3A_1068 = arith.cmpi eq, %iota3A, %eq3A_1067 : vector<64x128xi32>
    %broadcast_in_dim3A_1069 = arith.constant 0.000000e+00 : f32
    %broadcast_in_dim3A_1070 = vector.broadcast %broadcast_in_dim3A_1069 : f32 to vector<64x1xf32>
    %slice3A_1071 = vector.extract_strided_slice %select_n3A_1065 {offsets = [0, 0], sizes = [64, 127], strides = [1, 1]} : vector<64x128xf32> to vector<64x127xf32>
    %concatenate3A_1072 = tpu.concatenate %broadcast_in_dim3A_1070, %slice3A_1071 in 1 : vector<64x1xf32>, vector<64x127xf32> -> vector<64x128xf32>
    %add3A_1073 = arith.addf %select_n3A_1065, %concatenate3A_1072 : vector<64x128xf32>
    %select_n3A_1074 = arith.select %eq3A_1068, %add3A_1073, %select_n3A_1065 : vector<64x128xi1>, vector<64x128xf32>
    %eq3A_1075 = arith.constant 120 : i32
    %eq3A_1076 = vector.broadcast %eq3A_1075 : i32 to vector<64x128xi32>
    %eq3A_1077 = arith.cmpi eq, %iota3A, %eq3A_1076 : vector<64x128xi32>
    %broadcast_in_dim3A_1078 = arith.constant 0.000000e+00 : f32
    %broadcast_in_dim3A_1079 = vector.broadcast %broadcast_in_dim3A_1078 : f32 to vector<64x1xf32>
    %slice3A_1080 = vector.extract_strided_slice %select_n3A_1074 {offsets = [0, 0], sizes = [64, 127], strides = [1, 1]} : vector<64x128xf32> to vector<64x127xf32>
    %concatenate3A_1081 = tpu.concatenate %broadcast_in_dim3A_1079, %slice3A_1080 in 1 : vector<64x1xf32>, vector<64x127xf32> -> vector<64x128xf32>
    %add3A_1082 = arith.addf %select_n3A_1074, %concatenate3A_1081 : vector<64x128xf32>
    %select_n3A_1083 = arith.select %eq3A_1077, %add3A_1082, %select_n3A_1074 : vector<64x128xi1>, vector<64x128xf32>
    %eq3A_1084 = arith.constant 121 : i32
    %eq3A_1085 = vector.broadcast %eq3A_1084 : i32 to vector<64x128xi32>
    %eq3A_1086 = arith.cmpi eq, %iota3A, %eq3A_1085 : vector<64x128xi32>
    %broadcast_in_dim3A_1087 = arith.constant 0.000000e+00 : f32
    %broadcast_in_dim3A_1088 = vector.broadcast %broadcast_in_dim3A_1087 : f32 to vector<64x1xf32>
    %slice3A_1089 = vector.extract_strided_slice %select_n3A_1083 {offsets = [0, 0], sizes = [64, 127], strides = [1, 1]} : vector<64x128xf32> to vector<64x127xf32>
    %concatenate3A_1090 = tpu.concatenate %broadcast_in_dim3A_1088, %slice3A_1089 in 1 : vector<64x1xf32>, vector<64x127xf32> -> vector<64x128xf32>
    %add3A_1091 = arith.addf %select_n3A_1083, %concatenate3A_1090 : vector<64x128xf32>
    %select_n3A_1092 = arith.select %eq3A_1086, %add3A_1091, %select_n3A_1083 : vector<64x128xi1>, vector<64x128xf32>
    %eq3A_1093 = arith.constant 122 : i32
    %eq3A_1094 = vector.broadcast %eq3A_1093 : i32 to vector<64x128xi32>
    %eq3A_1095 = arith.cmpi eq, %iota3A, %eq3A_1094 : vector<64x128xi32>
    %broadcast_in_dim3A_1096 = arith.constant 0.000000e+00 : f32
    %broadcast_in_dim3A_1097 = vector.broadcast %broadcast_in_dim3A_1096 : f32 to vector<64x1xf32>
    %slice3A_1098 = vector.extract_strided_slice %select_n3A_1092 {offsets = [0, 0], sizes = [64, 127], strides = [1, 1]} : vector<64x128xf32> to vector<64x127xf32>
    %concatenate3A_1099 = tpu.concatenate %broadcast_in_dim3A_1097, %slice3A_1098 in 1 : vector<64x1xf32>, vector<64x127xf32> -> vector<64x128xf32>
    %add3A_1100 = arith.addf %select_n3A_1092, %concatenate3A_1099 : vector<64x128xf32>
    %select_n3A_1101 = arith.select %eq3A_1095, %add3A_1100, %select_n3A_1092 : vector<64x128xi1>, vector<64x128xf32>
    %eq3A_1102 = arith.constant 123 : i32
    %eq3A_1103 = vector.broadcast %eq3A_1102 : i32 to vector<64x128xi32>
    %eq3A_1104 = arith.cmpi eq, %iota3A, %eq3A_1103 : vector<64x128xi32>
    %broadcast_in_dim3A_1105 = arith.constant 0.000000e+00 : f32
    %broadcast_in_dim3A_1106 = vector.broadcast %broadcast_in_dim3A_1105 : f32 to vector<64x1xf32>
    %slice3A_1107 = vector.extract_strided_slice %select_n3A_1101 {offsets = [0, 0], sizes = [64, 127], strides = [1, 1]} : vector<64x128xf32> to vector<64x127xf32>
    %concatenate3A_1108 = tpu.concatenate %broadcast_in_dim3A_1106, %slice3A_1107 in 1 : vector<64x1xf32>, vector<64x127xf32> -> vector<64x128xf32>
    %add3A_1109 = arith.addf %select_n3A_1101, %concatenate3A_1108 : vector<64x128xf32>
    %select_n3A_1110 = arith.select %eq3A_1104, %add3A_1109, %select_n3A_1101 : vector<64x128xi1>, vector<64x128xf32>
    %eq3A_1111 = arith.constant 124 : i32
    %eq3A_1112 = vector.broadcast %eq3A_1111 : i32 to vector<64x128xi32>
    %eq3A_1113 = arith.cmpi eq, %iota3A, %eq3A_1112 : vector<64x128xi32>
    %broadcast_in_dim3A_1114 = arith.constant 0.000000e+00 : f32
    %broadcast_in_dim3A_1115 = vector.broadcast %broadcast_in_dim3A_1114 : f32 to vector<64x1xf32>
    %slice3A_1116 = vector.extract_strided_slice %select_n3A_1110 {offsets = [0, 0], sizes = [64, 127], strides = [1, 1]} : vector<64x128xf32> to vector<64x127xf32>
    %concatenate3A_1117 = tpu.concatenate %broadcast_in_dim3A_1115, %slice3A_1116 in 1 : vector<64x1xf32>, vector<64x127xf32> -> vector<64x128xf32>
    %add3A_1118 = arith.addf %select_n3A_1110, %concatenate3A_1117 : vector<64x128xf32>
    %select_n3A_1119 = arith.select %eq3A_1113, %add3A_1118, %select_n3A_1110 : vector<64x128xi1>, vector<64x128xf32>
    %eq3A_1120 = arith.constant 125 : i32
    %eq3A_1121 = vector.broadcast %eq3A_1120 : i32 to vector<64x128xi32>
    %eq3A_1122 = arith.cmpi eq, %iota3A, %eq3A_1121 : vector<64x128xi32>
    %broadcast_in_dim3A_1123 = arith.constant 0.000000e+00 : f32
    %broadcast_in_dim3A_1124 = vector.broadcast %broadcast_in_dim3A_1123 : f32 to vector<64x1xf32>
    %slice3A_1125 = vector.extract_strided_slice %select_n3A_1119 {offsets = [0, 0], sizes = [64, 127], strides = [1, 1]} : vector<64x128xf32> to vector<64x127xf32>
    %concatenate3A_1126 = tpu.concatenate %broadcast_in_dim3A_1124, %slice3A_1125 in 1 : vector<64x1xf32>, vector<64x127xf32> -> vector<64x128xf32>
    %add3A_1127 = arith.addf %select_n3A_1119, %concatenate3A_1126 : vector<64x128xf32>
    %select_n3A_1128 = arith.select %eq3A_1122, %add3A_1127, %select_n3A_1119 : vector<64x128xi1>, vector<64x128xf32>
    %eq3A_1129 = arith.constant 126 : i32
    %eq3A_1130 = vector.broadcast %eq3A_1129 : i32 to vector<64x128xi32>
    %eq3A_1131 = arith.cmpi eq, %iota3A, %eq3A_1130 : vector<64x128xi32>
    %broadcast_in_dim3A_1132 = arith.constant 0.000000e+00 : f32
    %broadcast_in_dim3A_1133 = vector.broadcast %broadcast_in_dim3A_1132 : f32 to vector<64x1xf32>
    %slice3A_1134 = vector.extract_strided_slice %select_n3A_1128 {offsets = [0, 0], sizes = [64, 127], strides = [1, 1]} : vector<64x128xf32> to vector<64x127xf32>
    %concatenate3A_1135 = tpu.concatenate %broadcast_in_dim3A_1133, %slice3A_1134 in 1 : vector<64x1xf32>, vector<64x127xf32> -> vector<64x128xf32>
    %add3A_1136 = arith.addf %select_n3A_1128, %concatenate3A_1135 : vector<64x128xf32>
    %select_n3A_1137 = arith.select %eq3A_1131, %add3A_1136, %select_n3A_1128 : vector<64x128xi1>, vector<64x128xf32>
    %eq3A_1138 = arith.constant 127 : i32
    %eq3A_1139 = vector.broadcast %eq3A_1138 : i32 to vector<64x128xi32>
    %eq3A_1140 = arith.cmpi eq, %iota3A, %eq3A_1139 : vector<64x128xi32>
    %broadcast_in_dim3A_1141 = arith.constant 0.000000e+00 : f32
    %broadcast_in_dim3A_1142 = vector.broadcast %broadcast_in_dim3A_1141 : f32 to vector<64x1xf32>
    %slice3A_1143 = vector.extract_strided_slice %select_n3A_1137 {offsets = [0, 0], sizes = [64, 127], strides = [1, 1]} : vector<64x128xf32> to vector<64x127xf32>
    %concatenate3A_1144 = tpu.concatenate %broadcast_in_dim3A_1142, %slice3A_1143 in 1 : vector<64x1xf32>, vector<64x127xf32> -> vector<64x128xf32>
    %add3A_1145 = arith.addf %select_n3A_1137, %concatenate3A_1144 : vector<64x128xf32>
    %select_n3A_1146 = arith.select %eq3A_1140, %add3A_1145, %select_n3A_1137 : vector<64x128xi1>, vector<64x128xf32>
    %iota3A_1147 = tpu.iota {dimensions = array<i32: 0>} : vector<64x1xi32>
    %slice3A_1148 = vector.extract_strided_slice %select_n3A_1146 {offsets = [0, 127], sizes = [64, 1], strides = [1, 1]} : vector<64x128xf32> to vector<64x1xf32>
    %eq3A_1149 = arith.constant 1 : i32
    %eq3A_1150 = vector.broadcast %eq3A_1149 : i32 to vector<64x1xi32>
    %eq3A_1151 = arith.cmpi eq, %iota3A_1147, %eq3A_1150 : vector<64x1xi32>
    %broadcast_in_dim3A_1152 = arith.constant 0.000000e+00 : f32
    %broadcast_in_dim3A_1153 = vector.broadcast %broadcast_in_dim3A_1152 : f32 to vector<1x1xf32>
    %slice3A_1154 = vector.extract_strided_slice %slice3A_1148 {offsets = [0, 0], sizes = [63, 1], strides = [1, 1]} : vector<64x1xf32> to vector<63x1xf32>
    %concatenate3A_1155 = tpu.concatenate %broadcast_in_dim3A_1153, %slice3A_1154 in 0 : vector<1x1xf32>, vector<63x1xf32> -> vector<64x1xf32>
    %add3A_1156 = arith.addf %slice3A_1148, %concatenate3A_1155 : vector<64x1xf32>
    %select_n3A_1157 = arith.select %eq3A_1151, %add3A_1156, %slice3A_1148 : vector<64x1xi1>, vector<64x1xf32>
    %eq3A_1158 = arith.constant 2 : i32
    %eq3A_1159 = vector.broadcast %eq3A_1158 : i32 to vector<64x1xi32>
    %eq3A_1160 = arith.cmpi eq, %iota3A_1147, %eq3A_1159 : vector<64x1xi32>
    %broadcast_in_dim3A_1161 = arith.constant 0.000000e+00 : f32
    %broadcast_in_dim3A_1162 = vector.broadcast %broadcast_in_dim3A_1161 : f32 to vector<1x1xf32>
    %slice3A_1163 = vector.extract_strided_slice %select_n3A_1157 {offsets = [0, 0], sizes = [63, 1], strides = [1, 1]} : vector<64x1xf32> to vector<63x1xf32>
    %concatenate3A_1164 = tpu.concatenate %broadcast_in_dim3A_1162, %slice3A_1163 in 0 : vector<1x1xf32>, vector<63x1xf32> -> vector<64x1xf32>
    %add3A_1165 = arith.addf %select_n3A_1157, %concatenate3A_1164 : vector<64x1xf32>
    %select_n3A_1166 = arith.select %eq3A_1160, %add3A_1165, %select_n3A_1157 : vector<64x1xi1>, vector<64x1xf32>
    %eq3A_1167 = arith.constant 3 : i32
    %eq3A_1168 = vector.broadcast %eq3A_1167 : i32 to vector<64x1xi32>
    %eq3A_1169 = arith.cmpi eq, %iota3A_1147, %eq3A_1168 : vector<64x1xi32>
    %broadcast_in_dim3A_1170 = arith.constant 0.000000e+00 : f32
    %broadcast_in_dim3A_1171 = vector.broadcast %broadcast_in_dim3A_1170 : f32 to vector<1x1xf32>
    %slice3A_1172 = vector.extract_strided_slice %select_n3A_1166 {offsets = [0, 0], sizes = [63, 1], strides = [1, 1]} : vector<64x1xf32> to vector<63x1xf32>
    %concatenate3A_1173 = tpu.concatenate %broadcast_in_dim3A_1171, %slice3A_1172 in 0 : vector<1x1xf32>, vector<63x1xf32> -> vector<64x1xf32>
    %add3A_1174 = arith.addf %select_n3A_1166, %concatenate3A_1173 : vector<64x1xf32>
    %select_n3A_1175 = arith.select %eq3A_1169, %add3A_1174, %select_n3A_1166 : vector<64x1xi1>, vector<64x1xf32>
    %eq3A_1176 = arith.constant 4 : i32
    %eq3A_1177 = vector.broadcast %eq3A_1176 : i32 to vector<64x1xi32>
    %eq3A_1178 = arith.cmpi eq, %iota3A_1147, %eq3A_1177 : vector<64x1xi32>
    %broadcast_in_dim3A_1179 = arith.constant 0.000000e+00 : f32
    %broadcast_in_dim3A_1180 = vector.broadcast %broadcast_in_dim3A_1179 : f32 to vector<1x1xf32>
    %slice3A_1181 = vector.extract_strided_slice %select_n3A_1175 {offsets = [0, 0], sizes = [63, 1], strides = [1, 1]} : vector<64x1xf32> to vector<63x1xf32>
    %concatenate3A_1182 = tpu.concatenate %broadcast_in_dim3A_1180, %slice3A_1181 in 0 : vector<1x1xf32>, vector<63x1xf32> -> vector<64x1xf32>
    %add3A_1183 = arith.addf %select_n3A_1175, %concatenate3A_1182 : vector<64x1xf32>
    %select_n3A_1184 = arith.select %eq3A_1178, %add3A_1183, %select_n3A_1175 : vector<64x1xi1>, vector<64x1xf32>
    %eq3A_1185 = arith.constant 5 : i32
    %eq3A_1186 = vector.broadcast %eq3A_1185 : i32 to vector<64x1xi32>
    %eq3A_1187 = arith.cmpi eq, %iota3A_1147, %eq3A_1186 : vector<64x1xi32>
    %broadcast_in_dim3A_1188 = arith.constant 0.000000e+00 : f32
    %broadcast_in_dim3A_1189 = vector.broadcast %broadcast_in_dim3A_1188 : f32 to vector<1x1xf32>
    %slice3A_1190 = vector.extract_strided_slice %select_n3A_1184 {offsets = [0, 0], sizes = [63, 1], strides = [1, 1]} : vector<64x1xf32> to vector<63x1xf32>
    %concatenate3A_1191 = tpu.concatenate %broadcast_in_dim3A_1189, %slice3A_1190 in 0 : vector<1x1xf32>, vector<63x1xf32> -> vector<64x1xf32>
    %add3A_1192 = arith.addf %select_n3A_1184, %concatenate3A_1191 : vector<64x1xf32>
    %select_n3A_1193 = arith.select %eq3A_1187, %add3A_1192, %select_n3A_1184 : vector<64x1xi1>, vector<64x1xf32>
    %eq3A_1194 = arith.constant 6 : i32
    %eq3A_1195 = vector.broadcast %eq3A_1194 : i32 to vector<64x1xi32>
    %eq3A_1196 = arith.cmpi eq, %iota3A_1147, %eq3A_1195 : vector<64x1xi32>
    %broadcast_in_dim3A_1197 = arith.constant 0.000000e+00 : f32
    %broadcast_in_dim3A_1198 = vector.broadcast %broadcast_in_dim3A_1197 : f32 to vector<1x1xf32>
    %slice3A_1199 = vector.extract_strided_slice %select_n3A_1193 {offsets = [0, 0], sizes = [63, 1], strides = [1, 1]} : vector<64x1xf32> to vector<63x1xf32>
    %concatenate3A_1200 = tpu.concatenate %broadcast_in_dim3A_1198, %slice3A_1199 in 0 : vector<1x1xf32>, vector<63x1xf32> -> vector<64x1xf32>
    %add3A_1201 = arith.addf %select_n3A_1193, %concatenate3A_1200 : vector<64x1xf32>
    %select_n3A_1202 = arith.select %eq3A_1196, %add3A_1201, %select_n3A_1193 : vector<64x1xi1>, vector<64x1xf32>
    %eq3A_1203 = arith.constant 7 : i32
    %eq3A_1204 = vector.broadcast %eq3A_1203 : i32 to vector<64x1xi32>
    %eq3A_1205 = arith.cmpi eq, %iota3A_1147, %eq3A_1204 : vector<64x1xi32>
    %broadcast_in_dim3A_1206 = arith.constant 0.000000e+00 : f32
    %broadcast_in_dim3A_1207 = vector.broadcast %broadcast_in_dim3A_1206 : f32 to vector<1x1xf32>
    %slice3A_1208 = vector.extract_strided_slice %select_n3A_1202 {offsets = [0, 0], sizes = [63, 1], strides = [1, 1]} : vector<64x1xf32> to vector<63x1xf32>
    %concatenate3A_1209 = tpu.concatenate %broadcast_in_dim3A_1207, %slice3A_1208 in 0 : vector<1x1xf32>, vector<63x1xf32> -> vector<64x1xf32>
    %add3A_1210 = arith.addf %select_n3A_1202, %concatenate3A_1209 : vector<64x1xf32>
    %select_n3A_1211 = arith.select %eq3A_1205, %add3A_1210, %select_n3A_1202 : vector<64x1xi1>, vector<64x1xf32>
    %eq3A_1212 = arith.constant 8 : i32
    %eq3A_1213 = vector.broadcast %eq3A_1212 : i32 to vector<64x1xi32>
    %eq3A_1214 = arith.cmpi eq, %iota3A_1147, %eq3A_1213 : vector<64x1xi32>
    %broadcast_in_dim3A_1215 = arith.constant 0.000000e+00 : f32
    %broadcast_in_dim3A_1216 = vector.broadcast %broadcast_in_dim3A_1215 : f32 to vector<1x1xf32>
    %slice3A_1217 = vector.extract_strided_slice %select_n3A_1211 {offsets = [0, 0], sizes = [63, 1], strides = [1, 1]} : vector<64x1xf32> to vector<63x1xf32>
    %concatenate3A_1218 = tpu.concatenate %broadcast_in_dim3A_1216, %slice3A_1217 in 0 : vector<1x1xf32>, vector<63x1xf32> -> vector<64x1xf32>
    %add3A_1219 = arith.addf %select_n3A_1211, %concatenate3A_1218 : vector<64x1xf32>
    %select_n3A_1220 = arith.select %eq3A_1214, %add3A_1219, %select_n3A_1211 : vector<64x1xi1>, vector<64x1xf32>
    %eq3A_1221 = arith.constant 9 : i32
    %eq3A_1222 = vector.broadcast %eq3A_1221 : i32 to vector<64x1xi32>
    %eq3A_1223 = arith.cmpi eq, %iota3A_1147, %eq3A_1222 : vector<64x1xi32>
    %broadcast_in_dim3A_1224 = arith.constant 0.000000e+00 : f32
    %broadcast_in_dim3A_1225 = vector.broadcast %broadcast_in_dim3A_1224 : f32 to vector<1x1xf32>
    %slice3A_1226 = vector.extract_strided_slice %select_n3A_1220 {offsets = [0, 0], sizes = [63, 1], strides = [1, 1]} : vector<64x1xf32> to vector<63x1xf32>
    %concatenate3A_1227 = tpu.concatenate %broadcast_in_dim3A_1225, %slice3A_1226 in 0 : vector<1x1xf32>, vector<63x1xf32> -> vector<64x1xf32>
    %add3A_1228 = arith.addf %select_n3A_1220, %concatenate3A_1227 : vector<64x1xf32>
    %select_n3A_1229 = arith.select %eq3A_1223, %add3A_1228, %select_n3A_1220 : vector<64x1xi1>, vector<64x1xf32>
    %eq3A_1230 = arith.constant 10 : i32
    %eq3A_1231 = vector.broadcast %eq3A_1230 : i32 to vector<64x1xi32>
    %eq3A_1232 = arith.cmpi eq, %iota3A_1147, %eq3A_1231 : vector<64x1xi32>
    %broadcast_in_dim3A_1233 = arith.constant 0.000000e+00 : f32
    %broadcast_in_dim3A_1234 = vector.broadcast %broadcast_in_dim3A_1233 : f32 to vector<1x1xf32>
    %slice3A_1235 = vector.extract_strided_slice %select_n3A_1229 {offsets = [0, 0], sizes = [63, 1], strides = [1, 1]} : vector<64x1xf32> to vector<63x1xf32>
    %concatenate3A_1236 = tpu.concatenate %broadcast_in_dim3A_1234, %slice3A_1235 in 0 : vector<1x1xf32>, vector<63x1xf32> -> vector<64x1xf32>
    %add3A_1237 = arith.addf %select_n3A_1229, %concatenate3A_1236 : vector<64x1xf32>
    %select_n3A_1238 = arith.select %eq3A_1232, %add3A_1237, %select_n3A_1229 : vector<64x1xi1>, vector<64x1xf32>
    %eq3A_1239 = arith.constant 11 : i32
    %eq3A_1240 = vector.broadcast %eq3A_1239 : i32 to vector<64x1xi32>
    %eq3A_1241 = arith.cmpi eq, %iota3A_1147, %eq3A_1240 : vector<64x1xi32>
    %broadcast_in_dim3A_1242 = arith.constant 0.000000e+00 : f32
    %broadcast_in_dim3A_1243 = vector.broadcast %broadcast_in_dim3A_1242 : f32 to vector<1x1xf32>
    %slice3A_1244 = vector.extract_strided_slice %select_n3A_1238 {offsets = [0, 0], sizes = [63, 1], strides = [1, 1]} : vector<64x1xf32> to vector<63x1xf32>
    %concatenate3A_1245 = tpu.concatenate %broadcast_in_dim3A_1243, %slice3A_1244 in 0 : vector<1x1xf32>, vector<63x1xf32> -> vector<64x1xf32>
    %add3A_1246 = arith.addf %select_n3A_1238, %concatenate3A_1245 : vector<64x1xf32>
    %select_n3A_1247 = arith.select %eq3A_1241, %add3A_1246, %select_n3A_1238 : vector<64x1xi1>, vector<64x1xf32>
    %eq3A_1248 = arith.constant 12 : i32
    %eq3A_1249 = vector.broadcast %eq3A_1248 : i32 to vector<64x1xi32>
    %eq3A_1250 = arith.cmpi eq, %iota3A_1147, %eq3A_1249 : vector<64x1xi32>
    %broadcast_in_dim3A_1251 = arith.constant 0.000000e+00 : f32
    %broadcast_in_dim3A_1252 = vector.broadcast %broadcast_in_dim3A_1251 : f32 to vector<1x1xf32>
    %slice3A_1253 = vector.extract_strided_slice %select_n3A_1247 {offsets = [0, 0], sizes = [63, 1], strides = [1, 1]} : vector<64x1xf32> to vector<63x1xf32>
    %concatenate3A_1254 = tpu.concatenate %broadcast_in_dim3A_1252, %slice3A_1253 in 0 : vector<1x1xf32>, vector<63x1xf32> -> vector<64x1xf32>
    %add3A_1255 = arith.addf %select_n3A_1247, %concatenate3A_1254 : vector<64x1xf32>
    %select_n3A_1256 = arith.select %eq3A_1250, %add3A_1255, %select_n3A_1247 : vector<64x1xi1>, vector<64x1xf32>
    %eq3A_1257 = arith.constant 13 : i32
    %eq3A_1258 = vector.broadcast %eq3A_1257 : i32 to vector<64x1xi32>
    %eq3A_1259 = arith.cmpi eq, %iota3A_1147, %eq3A_1258 : vector<64x1xi32>
    %broadcast_in_dim3A_1260 = arith.constant 0.000000e+00 : f32
    %broadcast_in_dim3A_1261 = vector.broadcast %broadcast_in_dim3A_1260 : f32 to vector<1x1xf32>
    %slice3A_1262 = vector.extract_strided_slice %select_n3A_1256 {offsets = [0, 0], sizes = [63, 1], strides = [1, 1]} : vector<64x1xf32> to vector<63x1xf32>
    %concatenate3A_1263 = tpu.concatenate %broadcast_in_dim3A_1261, %slice3A_1262 in 0 : vector<1x1xf32>, vector<63x1xf32> -> vector<64x1xf32>
    %add3A_1264 = arith.addf %select_n3A_1256, %concatenate3A_1263 : vector<64x1xf32>
    %select_n3A_1265 = arith.select %eq3A_1259, %add3A_1264, %select_n3A_1256 : vector<64x1xi1>, vector<64x1xf32>
    %eq3A_1266 = arith.constant 14 : i32
    %eq3A_1267 = vector.broadcast %eq3A_1266 : i32 to vector<64x1xi32>
    %eq3A_1268 = arith.cmpi eq, %iota3A_1147, %eq3A_1267 : vector<64x1xi32>
    %broadcast_in_dim3A_1269 = arith.constant 0.000000e+00 : f32
    %broadcast_in_dim3A_1270 = vector.broadcast %broadcast_in_dim3A_1269 : f32 to vector<1x1xf32>
    %slice3A_1271 = vector.extract_strided_slice %select_n3A_1265 {offsets = [0, 0], sizes = [63, 1], strides = [1, 1]} : vector<64x1xf32> to vector<63x1xf32>
    %concatenate3A_1272 = tpu.concatenate %broadcast_in_dim3A_1270, %slice3A_1271 in 0 : vector<1x1xf32>, vector<63x1xf32> -> vector<64x1xf32>
    %add3A_1273 = arith.addf %select_n3A_1265, %concatenate3A_1272 : vector<64x1xf32>
    %select_n3A_1274 = arith.select %eq3A_1268, %add3A_1273, %select_n3A_1265 : vector<64x1xi1>, vector<64x1xf32>
    %eq3A_1275 = arith.constant 15 : i32
    %eq3A_1276 = vector.broadcast %eq3A_1275 : i32 to vector<64x1xi32>
    %eq3A_1277 = arith.cmpi eq, %iota3A_1147, %eq3A_1276 : vector<64x1xi32>
    %broadcast_in_dim3A_1278 = arith.constant 0.000000e+00 : f32
    %broadcast_in_dim3A_1279 = vector.broadcast %broadcast_in_dim3A_1278 : f32 to vector<1x1xf32>
    %slice3A_1280 = vector.extract_strided_slice %select_n3A_1274 {offsets = [0, 0], sizes = [63, 1], strides = [1, 1]} : vector<64x1xf32> to vector<63x1xf32>
    %concatenate3A_1281 = tpu.concatenate %broadcast_in_dim3A_1279, %slice3A_1280 in 0 : vector<1x1xf32>, vector<63x1xf32> -> vector<64x1xf32>
    %add3A_1282 = arith.addf %select_n3A_1274, %concatenate3A_1281 : vector<64x1xf32>
    %select_n3A_1283 = arith.select %eq3A_1277, %add3A_1282, %select_n3A_1274 : vector<64x1xi1>, vector<64x1xf32>
    %eq3A_1284 = arith.constant 16 : i32
    %eq3A_1285 = vector.broadcast %eq3A_1284 : i32 to vector<64x1xi32>
    %eq3A_1286 = arith.cmpi eq, %iota3A_1147, %eq3A_1285 : vector<64x1xi32>
    %broadcast_in_dim3A_1287 = arith.constant 0.000000e+00 : f32
    %broadcast_in_dim3A_1288 = vector.broadcast %broadcast_in_dim3A_1287 : f32 to vector<1x1xf32>
    %slice3A_1289 = vector.extract_strided_slice %select_n3A_1283 {offsets = [0, 0], sizes = [63, 1], strides = [1, 1]} : vector<64x1xf32> to vector<63x1xf32>
    %concatenate3A_1290 = tpu.concatenate %broadcast_in_dim3A_1288, %slice3A_1289 in 0 : vector<1x1xf32>, vector<63x1xf32> -> vector<64x1xf32>
    %add3A_1291 = arith.addf %select_n3A_1283, %concatenate3A_1290 : vector<64x1xf32>
    %select_n3A_1292 = arith.select %eq3A_1286, %add3A_1291, %select_n3A_1283 : vector<64x1xi1>, vector<64x1xf32>
    %eq3A_1293 = arith.constant 17 : i32
    %eq3A_1294 = vector.broadcast %eq3A_1293 : i32 to vector<64x1xi32>
    %eq3A_1295 = arith.cmpi eq, %iota3A_1147, %eq3A_1294 : vector<64x1xi32>
    %broadcast_in_dim3A_1296 = arith.constant 0.000000e+00 : f32
    %broadcast_in_dim3A_1297 = vector.broadcast %broadcast_in_dim3A_1296 : f32 to vector<1x1xf32>
    %slice3A_1298 = vector.extract_strided_slice %select_n3A_1292 {offsets = [0, 0], sizes = [63, 1], strides = [1, 1]} : vector<64x1xf32> to vector<63x1xf32>
    %concatenate3A_1299 = tpu.concatenate %broadcast_in_dim3A_1297, %slice3A_1298 in 0 : vector<1x1xf32>, vector<63x1xf32> -> vector<64x1xf32>
    %add3A_1300 = arith.addf %select_n3A_1292, %concatenate3A_1299 : vector<64x1xf32>
    %select_n3A_1301 = arith.select %eq3A_1295, %add3A_1300, %select_n3A_1292 : vector<64x1xi1>, vector<64x1xf32>
    %eq3A_1302 = arith.constant 18 : i32
    %eq3A_1303 = vector.broadcast %eq3A_1302 : i32 to vector<64x1xi32>
    %eq3A_1304 = arith.cmpi eq, %iota3A_1147, %eq3A_1303 : vector<64x1xi32>
    %broadcast_in_dim3A_1305 = arith.constant 0.000000e+00 : f32
    %broadcast_in_dim3A_1306 = vector.broadcast %broadcast_in_dim3A_1305 : f32 to vector<1x1xf32>
    %slice3A_1307 = vector.extract_strided_slice %select_n3A_1301 {offsets = [0, 0], sizes = [63, 1], strides = [1, 1]} : vector<64x1xf32> to vector<63x1xf32>
    %concatenate3A_1308 = tpu.concatenate %broadcast_in_dim3A_1306, %slice3A_1307 in 0 : vector<1x1xf32>, vector<63x1xf32> -> vector<64x1xf32>
    %add3A_1309 = arith.addf %select_n3A_1301, %concatenate3A_1308 : vector<64x1xf32>
    %select_n3A_1310 = arith.select %eq3A_1304, %add3A_1309, %select_n3A_1301 : vector<64x1xi1>, vector<64x1xf32>
    %eq3A_1311 = arith.constant 19 : i32
    %eq3A_1312 = vector.broadcast %eq3A_1311 : i32 to vector<64x1xi32>
    %eq3A_1313 = arith.cmpi eq, %iota3A_1147, %eq3A_1312 : vector<64x1xi32>
    %broadcast_in_dim3A_1314 = arith.constant 0.000000e+00 : f32
    %broadcast_in_dim3A_1315 = vector.broadcast %broadcast_in_dim3A_1314 : f32 to vector<1x1xf32>
    %slice3A_1316 = vector.extract_strided_slice %select_n3A_1310 {offsets = [0, 0], sizes = [63, 1], strides = [1, 1]} : vector<64x1xf32> to vector<63x1xf32>
    %concatenate3A_1317 = tpu.concatenate %broadcast_in_dim3A_1315, %slice3A_1316 in 0 : vector<1x1xf32>, vector<63x1xf32> -> vector<64x1xf32>
    %add3A_1318 = arith.addf %select_n3A_1310, %concatenate3A_1317 : vector<64x1xf32>
    %select_n3A_1319 = arith.select %eq3A_1313, %add3A_1318, %select_n3A_1310 : vector<64x1xi1>, vector<64x1xf32>
    %eq3A_1320 = arith.constant 20 : i32
    %eq3A_1321 = vector.broadcast %eq3A_1320 : i32 to vector<64x1xi32>
    %eq3A_1322 = arith.cmpi eq, %iota3A_1147, %eq3A_1321 : vector<64x1xi32>
    %broadcast_in_dim3A_1323 = arith.constant 0.000000e+00 : f32
    %broadcast_in_dim3A_1324 = vector.broadcast %broadcast_in_dim3A_1323 : f32 to vector<1x1xf32>
    %slice3A_1325 = vector.extract_strided_slice %select_n3A_1319 {offsets = [0, 0], sizes = [63, 1], strides = [1, 1]} : vector<64x1xf32> to vector<63x1xf32>
    %concatenate3A_1326 = tpu.concatenate %broadcast_in_dim3A_1324, %slice3A_1325 in 0 : vector<1x1xf32>, vector<63x1xf32> -> vector<64x1xf32>
    %add3A_1327 = arith.addf %select_n3A_1319, %concatenate3A_1326 : vector<64x1xf32>
    %select_n3A_1328 = arith.select %eq3A_1322, %add3A_1327, %select_n3A_1319 : vector<64x1xi1>, vector<64x1xf32>
    %eq3A_1329 = arith.constant 21 : i32
    %eq3A_1330 = vector.broadcast %eq3A_1329 : i32 to vector<64x1xi32>
    %eq3A_1331 = arith.cmpi eq, %iota3A_1147, %eq3A_1330 : vector<64x1xi32>
    %broadcast_in_dim3A_1332 = arith.constant 0.000000e+00 : f32
    %broadcast_in_dim3A_1333 = vector.broadcast %broadcast_in_dim3A_1332 : f32 to vector<1x1xf32>
    %slice3A_1334 = vector.extract_strided_slice %select_n3A_1328 {offsets = [0, 0], sizes = [63, 1], strides = [1, 1]} : vector<64x1xf32> to vector<63x1xf32>
    %concatenate3A_1335 = tpu.concatenate %broadcast_in_dim3A_1333, %slice3A_1334 in 0 : vector<1x1xf32>, vector<63x1xf32> -> vector<64x1xf32>
    %add3A_1336 = arith.addf %select_n3A_1328, %concatenate3A_1335 : vector<64x1xf32>
    %select_n3A_1337 = arith.select %eq3A_1331, %add3A_1336, %select_n3A_1328 : vector<64x1xi1>, vector<64x1xf32>
    %eq3A_1338 = arith.constant 22 : i32
    %eq3A_1339 = vector.broadcast %eq3A_1338 : i32 to vector<64x1xi32>
    %eq3A_1340 = arith.cmpi eq, %iota3A_1147, %eq3A_1339 : vector<64x1xi32>
    %broadcast_in_dim3A_1341 = arith.constant 0.000000e+00 : f32
    %broadcast_in_dim3A_1342 = vector.broadcast %broadcast_in_dim3A_1341 : f32 to vector<1x1xf32>
    %slice3A_1343 = vector.extract_strided_slice %select_n3A_1337 {offsets = [0, 0], sizes = [63, 1], strides = [1, 1]} : vector<64x1xf32> to vector<63x1xf32>
    %concatenate3A_1344 = tpu.concatenate %broadcast_in_dim3A_1342, %slice3A_1343 in 0 : vector<1x1xf32>, vector<63x1xf32> -> vector<64x1xf32>
    %add3A_1345 = arith.addf %select_n3A_1337, %concatenate3A_1344 : vector<64x1xf32>
    %select_n3A_1346 = arith.select %eq3A_1340, %add3A_1345, %select_n3A_1337 : vector<64x1xi1>, vector<64x1xf32>
    %eq3A_1347 = arith.constant 23 : i32
    %eq3A_1348 = vector.broadcast %eq3A_1347 : i32 to vector<64x1xi32>
    %eq3A_1349 = arith.cmpi eq, %iota3A_1147, %eq3A_1348 : vector<64x1xi32>
    %broadcast_in_dim3A_1350 = arith.constant 0.000000e+00 : f32
    %broadcast_in_dim3A_1351 = vector.broadcast %broadcast_in_dim3A_1350 : f32 to vector<1x1xf32>
    %slice3A_1352 = vector.extract_strided_slice %select_n3A_1346 {offsets = [0, 0], sizes = [63, 1], strides = [1, 1]} : vector<64x1xf32> to vector<63x1xf32>
    %concatenate3A_1353 = tpu.concatenate %broadcast_in_dim3A_1351, %slice3A_1352 in 0 : vector<1x1xf32>, vector<63x1xf32> -> vector<64x1xf32>
    %add3A_1354 = arith.addf %select_n3A_1346, %concatenate3A_1353 : vector<64x1xf32>
    %select_n3A_1355 = arith.select %eq3A_1349, %add3A_1354, %select_n3A_1346 : vector<64x1xi1>, vector<64x1xf32>
    %eq3A_1356 = arith.constant 24 : i32
    %eq3A_1357 = vector.broadcast %eq3A_1356 : i32 to vector<64x1xi32>
    %eq3A_1358 = arith.cmpi eq, %iota3A_1147, %eq3A_1357 : vector<64x1xi32>
    %broadcast_in_dim3A_1359 = arith.constant 0.000000e+00 : f32
    %broadcast_in_dim3A_1360 = vector.broadcast %broadcast_in_dim3A_1359 : f32 to vector<1x1xf32>
    %slice3A_1361 = vector.extract_strided_slice %select_n3A_1355 {offsets = [0, 0], sizes = [63, 1], strides = [1, 1]} : vector<64x1xf32> to vector<63x1xf32>
    %concatenate3A_1362 = tpu.concatenate %broadcast_in_dim3A_1360, %slice3A_1361 in 0 : vector<1x1xf32>, vector<63x1xf32> -> vector<64x1xf32>
    %add3A_1363 = arith.addf %select_n3A_1355, %concatenate3A_1362 : vector<64x1xf32>
    %select_n3A_1364 = arith.select %eq3A_1358, %add3A_1363, %select_n3A_1355 : vector<64x1xi1>, vector<64x1xf32>
    %eq3A_1365 = arith.constant 25 : i32
    %eq3A_1366 = vector.broadcast %eq3A_1365 : i32 to vector<64x1xi32>
    %eq3A_1367 = arith.cmpi eq, %iota3A_1147, %eq3A_1366 : vector<64x1xi32>
    %broadcast_in_dim3A_1368 = arith.constant 0.000000e+00 : f32
    %broadcast_in_dim3A_1369 = vector.broadcast %broadcast_in_dim3A_1368 : f32 to vector<1x1xf32>
    %slice3A_1370 = vector.extract_strided_slice %select_n3A_1364 {offsets = [0, 0], sizes = [63, 1], strides = [1, 1]} : vector<64x1xf32> to vector<63x1xf32>
    %concatenate3A_1371 = tpu.concatenate %broadcast_in_dim3A_1369, %slice3A_1370 in 0 : vector<1x1xf32>, vector<63x1xf32> -> vector<64x1xf32>
    %add3A_1372 = arith.addf %select_n3A_1364, %concatenate3A_1371 : vector<64x1xf32>
    %select_n3A_1373 = arith.select %eq3A_1367, %add3A_1372, %select_n3A_1364 : vector<64x1xi1>, vector<64x1xf32>
    %eq3A_1374 = arith.constant 26 : i32
    %eq3A_1375 = vector.broadcast %eq3A_1374 : i32 to vector<64x1xi32>
    %eq3A_1376 = arith.cmpi eq, %iota3A_1147, %eq3A_1375 : vector<64x1xi32>
    %broadcast_in_dim3A_1377 = arith.constant 0.000000e+00 : f32
    %broadcast_in_dim3A_1378 = vector.broadcast %broadcast_in_dim3A_1377 : f32 to vector<1x1xf32>
    %slice3A_1379 = vector.extract_strided_slice %select_n3A_1373 {offsets = [0, 0], sizes = [63, 1], strides = [1, 1]} : vector<64x1xf32> to vector<63x1xf32>
    %concatenate3A_1380 = tpu.concatenate %broadcast_in_dim3A_1378, %slice3A_1379 in 0 : vector<1x1xf32>, vector<63x1xf32> -> vector<64x1xf32>
    %add3A_1381 = arith.addf %select_n3A_1373, %concatenate3A_1380 : vector<64x1xf32>
    %select_n3A_1382 = arith.select %eq3A_1376, %add3A_1381, %select_n3A_1373 : vector<64x1xi1>, vector<64x1xf32>
    %eq3A_1383 = arith.constant 27 : i32
    %eq3A_1384 = vector.broadcast %eq3A_1383 : i32 to vector<64x1xi32>
    %eq3A_1385 = arith.cmpi eq, %iota3A_1147, %eq3A_1384 : vector<64x1xi32>
    %broadcast_in_dim3A_1386 = arith.constant 0.000000e+00 : f32
    %broadcast_in_dim3A_1387 = vector.broadcast %broadcast_in_dim3A_1386 : f32 to vector<1x1xf32>
    %slice3A_1388 = vector.extract_strided_slice %select_n3A_1382 {offsets = [0, 0], sizes = [63, 1], strides = [1, 1]} : vector<64x1xf32> to vector<63x1xf32>
    %concatenate3A_1389 = tpu.concatenate %broadcast_in_dim3A_1387, %slice3A_1388 in 0 : vector<1x1xf32>, vector<63x1xf32> -> vector<64x1xf32>
    %add3A_1390 = arith.addf %select_n3A_1382, %concatenate3A_1389 : vector<64x1xf32>
    %select_n3A_1391 = arith.select %eq3A_1385, %add3A_1390, %select_n3A_1382 : vector<64x1xi1>, vector<64x1xf32>
    %eq3A_1392 = arith.constant 28 : i32
    %eq3A_1393 = vector.broadcast %eq3A_1392 : i32 to vector<64x1xi32>
    %eq3A_1394 = arith.cmpi eq, %iota3A_1147, %eq3A_1393 : vector<64x1xi32>
    %broadcast_in_dim3A_1395 = arith.constant 0.000000e+00 : f32
    %broadcast_in_dim3A_1396 = vector.broadcast %broadcast_in_dim3A_1395 : f32 to vector<1x1xf32>
    %slice3A_1397 = vector.extract_strided_slice %select_n3A_1391 {offsets = [0, 0], sizes = [63, 1], strides = [1, 1]} : vector<64x1xf32> to vector<63x1xf32>
    %concatenate3A_1398 = tpu.concatenate %broadcast_in_dim3A_1396, %slice3A_1397 in 0 : vector<1x1xf32>, vector<63x1xf32> -> vector<64x1xf32>
    %add3A_1399 = arith.addf %select_n3A_1391, %concatenate3A_1398 : vector<64x1xf32>
    %select_n3A_1400 = arith.select %eq3A_1394, %add3A_1399, %select_n3A_1391 : vector<64x1xi1>, vector<64x1xf32>
    %eq3A_1401 = arith.constant 29 : i32
    %eq3A_1402 = vector.broadcast %eq3A_1401 : i32 to vector<64x1xi32>
    %eq3A_1403 = arith.cmpi eq, %iota3A_1147, %eq3A_1402 : vector<64x1xi32>
    %broadcast_in_dim3A_1404 = arith.constant 0.000000e+00 : f32
    %broadcast_in_dim3A_1405 = vector.broadcast %broadcast_in_dim3A_1404 : f32 to vector<1x1xf32>
    %slice3A_1406 = vector.extract_strided_slice %select_n3A_1400 {offsets = [0, 0], sizes = [63, 1], strides = [1, 1]} : vector<64x1xf32> to vector<63x1xf32>
    %concatenate3A_1407 = tpu.concatenate %broadcast_in_dim3A_1405, %slice3A_1406 in 0 : vector<1x1xf32>, vector<63x1xf32> -> vector<64x1xf32>
    %add3A_1408 = arith.addf %select_n3A_1400, %concatenate3A_1407 : vector<64x1xf32>
    %select_n3A_1409 = arith.select %eq3A_1403, %add3A_1408, %select_n3A_1400 : vector<64x1xi1>, vector<64x1xf32>
    %eq3A_1410 = arith.constant 30 : i32
    %eq3A_1411 = vector.broadcast %eq3A_1410 : i32 to vector<64x1xi32>
    %eq3A_1412 = arith.cmpi eq, %iota3A_1147, %eq3A_1411 : vector<64x1xi32>
    %broadcast_in_dim3A_1413 = arith.constant 0.000000e+00 : f32
    %broadcast_in_dim3A_1414 = vector.broadcast %broadcast_in_dim3A_1413 : f32 to vector<1x1xf32>
    %slice3A_1415 = vector.extract_strided_slice %select_n3A_1409 {offsets = [0, 0], sizes = [63, 1], strides = [1, 1]} : vector<64x1xf32> to vector<63x1xf32>
    %concatenate3A_1416 = tpu.concatenate %broadcast_in_dim3A_1414, %slice3A_1415 in 0 : vector<1x1xf32>, vector<63x1xf32> -> vector<64x1xf32>
    %add3A_1417 = arith.addf %select_n3A_1409, %concatenate3A_1416 : vector<64x1xf32>
    %select_n3A_1418 = arith.select %eq3A_1412, %add3A_1417, %select_n3A_1409 : vector<64x1xi1>, vector<64x1xf32>
    %eq3A_1419 = arith.constant 31 : i32
    %eq3A_1420 = vector.broadcast %eq3A_1419 : i32 to vector<64x1xi32>
    %eq3A_1421 = arith.cmpi eq, %iota3A_1147, %eq3A_1420 : vector<64x1xi32>
    %broadcast_in_dim3A_1422 = arith.constant 0.000000e+00 : f32
    %broadcast_in_dim3A_1423 = vector.broadcast %broadcast_in_dim3A_1422 : f32 to vector<1x1xf32>
    %slice3A_1424 = vector.extract_strided_slice %select_n3A_1418 {offsets = [0, 0], sizes = [63, 1], strides = [1, 1]} : vector<64x1xf32> to vector<63x1xf32>
    %concatenate3A_1425 = tpu.concatenate %broadcast_in_dim3A_1423, %slice3A_1424 in 0 : vector<1x1xf32>, vector<63x1xf32> -> vector<64x1xf32>
    %add3A_1426 = arith.addf %select_n3A_1418, %concatenate3A_1425 : vector<64x1xf32>
    %select_n3A_1427 = arith.select %eq3A_1421, %add3A_1426, %select_n3A_1418 : vector<64x1xi1>, vector<64x1xf32>
    %eq3A_1428 = arith.constant 32 : i32
    %eq3A_1429 = vector.broadcast %eq3A_1428 : i32 to vector<64x1xi32>
    %eq3A_1430 = arith.cmpi eq, %iota3A_1147, %eq3A_1429 : vector<64x1xi32>
    %broadcast_in_dim3A_1431 = arith.constant 0.000000e+00 : f32
    %broadcast_in_dim3A_1432 = vector.broadcast %broadcast_in_dim3A_1431 : f32 to vector<1x1xf32>
    %slice3A_1433 = vector.extract_strided_slice %select_n3A_1427 {offsets = [0, 0], sizes = [63, 1], strides = [1, 1]} : vector<64x1xf32> to vector<63x1xf32>
    %concatenate3A_1434 = tpu.concatenate %broadcast_in_dim3A_1432, %slice3A_1433 in 0 : vector<1x1xf32>, vector<63x1xf32> -> vector<64x1xf32>
    %add3A_1435 = arith.addf %select_n3A_1427, %concatenate3A_1434 : vector<64x1xf32>
    %select_n3A_1436 = arith.select %eq3A_1430, %add3A_1435, %select_n3A_1427 : vector<64x1xi1>, vector<64x1xf32>
    %eq3A_1437 = arith.constant 33 : i32
    %eq3A_1438 = vector.broadcast %eq3A_1437 : i32 to vector<64x1xi32>
    %eq3A_1439 = arith.cmpi eq, %iota3A_1147, %eq3A_1438 : vector<64x1xi32>
    %broadcast_in_dim3A_1440 = arith.constant 0.000000e+00 : f32
    %broadcast_in_dim3A_1441 = vector.broadcast %broadcast_in_dim3A_1440 : f32 to vector<1x1xf32>
    %slice3A_1442 = vector.extract_strided_slice %select_n3A_1436 {offsets = [0, 0], sizes = [63, 1], strides = [1, 1]} : vector<64x1xf32> to vector<63x1xf32>
    %concatenate3A_1443 = tpu.concatenate %broadcast_in_dim3A_1441, %slice3A_1442 in 0 : vector<1x1xf32>, vector<63x1xf32> -> vector<64x1xf32>
    %add3A_1444 = arith.addf %select_n3A_1436, %concatenate3A_1443 : vector<64x1xf32>
    %select_n3A_1445 = arith.select %eq3A_1439, %add3A_1444, %select_n3A_1436 : vector<64x1xi1>, vector<64x1xf32>
    %eq3A_1446 = arith.constant 34 : i32
    %eq3A_1447 = vector.broadcast %eq3A_1446 : i32 to vector<64x1xi32>
    %eq3A_1448 = arith.cmpi eq, %iota3A_1147, %eq3A_1447 : vector<64x1xi32>
    %broadcast_in_dim3A_1449 = arith.constant 0.000000e+00 : f32
    %broadcast_in_dim3A_1450 = vector.broadcast %broadcast_in_dim3A_1449 : f32 to vector<1x1xf32>
    %slice3A_1451 = vector.extract_strided_slice %select_n3A_1445 {offsets = [0, 0], sizes = [63, 1], strides = [1, 1]} : vector<64x1xf32> to vector<63x1xf32>
    %concatenate3A_1452 = tpu.concatenate %broadcast_in_dim3A_1450, %slice3A_1451 in 0 : vector<1x1xf32>, vector<63x1xf32> -> vector<64x1xf32>
    %add3A_1453 = arith.addf %select_n3A_1445, %concatenate3A_1452 : vector<64x1xf32>
    %select_n3A_1454 = arith.select %eq3A_1448, %add3A_1453, %select_n3A_1445 : vector<64x1xi1>, vector<64x1xf32>
    %eq3A_1455 = arith.constant 35 : i32
    %eq3A_1456 = vector.broadcast %eq3A_1455 : i32 to vector<64x1xi32>
    %eq3A_1457 = arith.cmpi eq, %iota3A_1147, %eq3A_1456 : vector<64x1xi32>
    %broadcast_in_dim3A_1458 = arith.constant 0.000000e+00 : f32
    %broadcast_in_dim3A_1459 = vector.broadcast %broadcast_in_dim3A_1458 : f32 to vector<1x1xf32>
    %slice3A_1460 = vector.extract_strided_slice %select_n3A_1454 {offsets = [0, 0], sizes = [63, 1], strides = [1, 1]} : vector<64x1xf32> to vector<63x1xf32>
    %concatenate3A_1461 = tpu.concatenate %broadcast_in_dim3A_1459, %slice3A_1460 in 0 : vector<1x1xf32>, vector<63x1xf32> -> vector<64x1xf32>
    %add3A_1462 = arith.addf %select_n3A_1454, %concatenate3A_1461 : vector<64x1xf32>
    %select_n3A_1463 = arith.select %eq3A_1457, %add3A_1462, %select_n3A_1454 : vector<64x1xi1>, vector<64x1xf32>
    %eq3A_1464 = arith.constant 36 : i32
    %eq3A_1465 = vector.broadcast %eq3A_1464 : i32 to vector<64x1xi32>
    %eq3A_1466 = arith.cmpi eq, %iota3A_1147, %eq3A_1465 : vector<64x1xi32>
    %broadcast_in_dim3A_1467 = arith.constant 0.000000e+00 : f32
    %broadcast_in_dim3A_1468 = vector.broadcast %broadcast_in_dim3A_1467 : f32 to vector<1x1xf32>
    %slice3A_1469 = vector.extract_strided_slice %select_n3A_1463 {offsets = [0, 0], sizes = [63, 1], strides = [1, 1]} : vector<64x1xf32> to vector<63x1xf32>
    %concatenate3A_1470 = tpu.concatenate %broadcast_in_dim3A_1468, %slice3A_1469 in 0 : vector<1x1xf32>, vector<63x1xf32> -> vector<64x1xf32>
    %add3A_1471 = arith.addf %select_n3A_1463, %concatenate3A_1470 : vector<64x1xf32>
    %select_n3A_1472 = arith.select %eq3A_1466, %add3A_1471, %select_n3A_1463 : vector<64x1xi1>, vector<64x1xf32>
    %eq3A_1473 = arith.constant 37 : i32
    %eq3A_1474 = vector.broadcast %eq3A_1473 : i32 to vector<64x1xi32>
    %eq3A_1475 = arith.cmpi eq, %iota3A_1147, %eq3A_1474 : vector<64x1xi32>
    %broadcast_in_dim3A_1476 = arith.constant 0.000000e+00 : f32
    %broadcast_in_dim3A_1477 = vector.broadcast %broadcast_in_dim3A_1476 : f32 to vector<1x1xf32>
    %slice3A_1478 = vector.extract_strided_slice %select_n3A_1472 {offsets = [0, 0], sizes = [63, 1], strides = [1, 1]} : vector<64x1xf32> to vector<63x1xf32>
    %concatenate3A_1479 = tpu.concatenate %broadcast_in_dim3A_1477, %slice3A_1478 in 0 : vector<1x1xf32>, vector<63x1xf32> -> vector<64x1xf32>
    %add3A_1480 = arith.addf %select_n3A_1472, %concatenate3A_1479 : vector<64x1xf32>
    %select_n3A_1481 = arith.select %eq3A_1475, %add3A_1480, %select_n3A_1472 : vector<64x1xi1>, vector<64x1xf32>
    %eq3A_1482 = arith.constant 38 : i32
    %eq3A_1483 = vector.broadcast %eq3A_1482 : i32 to vector<64x1xi32>
    %eq3A_1484 = arith.cmpi eq, %iota3A_1147, %eq3A_1483 : vector<64x1xi32>
    %broadcast_in_dim3A_1485 = arith.constant 0.000000e+00 : f32
    %broadcast_in_dim3A_1486 = vector.broadcast %broadcast_in_dim3A_1485 : f32 to vector<1x1xf32>
    %slice3A_1487 = vector.extract_strided_slice %select_n3A_1481 {offsets = [0, 0], sizes = [63, 1], strides = [1, 1]} : vector<64x1xf32> to vector<63x1xf32>
    %concatenate3A_1488 = tpu.concatenate %broadcast_in_dim3A_1486, %slice3A_1487 in 0 : vector<1x1xf32>, vector<63x1xf32> -> vector<64x1xf32>
    %add3A_1489 = arith.addf %select_n3A_1481, %concatenate3A_1488 : vector<64x1xf32>
    %select_n3A_1490 = arith.select %eq3A_1484, %add3A_1489, %select_n3A_1481 : vector<64x1xi1>, vector<64x1xf32>
    %eq3A_1491 = arith.constant 39 : i32
    %eq3A_1492 = vector.broadcast %eq3A_1491 : i32 to vector<64x1xi32>
    %eq3A_1493 = arith.cmpi eq, %iota3A_1147, %eq3A_1492 : vector<64x1xi32>
    %broadcast_in_dim3A_1494 = arith.constant 0.000000e+00 : f32
    %broadcast_in_dim3A_1495 = vector.broadcast %broadcast_in_dim3A_1494 : f32 to vector<1x1xf32>
    %slice3A_1496 = vector.extract_strided_slice %select_n3A_1490 {offsets = [0, 0], sizes = [63, 1], strides = [1, 1]} : vector<64x1xf32> to vector<63x1xf32>
    %concatenate3A_1497 = tpu.concatenate %broadcast_in_dim3A_1495, %slice3A_1496 in 0 : vector<1x1xf32>, vector<63x1xf32> -> vector<64x1xf32>
    %add3A_1498 = arith.addf %select_n3A_1490, %concatenate3A_1497 : vector<64x1xf32>
    %select_n3A_1499 = arith.select %eq3A_1493, %add3A_1498, %select_n3A_1490 : vector<64x1xi1>, vector<64x1xf32>
    %eq3A_1500 = arith.constant 40 : i32
    %eq3A_1501 = vector.broadcast %eq3A_1500 : i32 to vector<64x1xi32>
    %eq3A_1502 = arith.cmpi eq, %iota3A_1147, %eq3A_1501 : vector<64x1xi32>
    %broadcast_in_dim3A_1503 = arith.constant 0.000000e+00 : f32
    %broadcast_in_dim3A_1504 = vector.broadcast %broadcast_in_dim3A_1503 : f32 to vector<1x1xf32>
    %slice3A_1505 = vector.extract_strided_slice %select_n3A_1499 {offsets = [0, 0], sizes = [63, 1], strides = [1, 1]} : vector<64x1xf32> to vector<63x1xf32>
    %concatenate3A_1506 = tpu.concatenate %broadcast_in_dim3A_1504, %slice3A_1505 in 0 : vector<1x1xf32>, vector<63x1xf32> -> vector<64x1xf32>
    %add3A_1507 = arith.addf %select_n3A_1499, %concatenate3A_1506 : vector<64x1xf32>
    %select_n3A_1508 = arith.select %eq3A_1502, %add3A_1507, %select_n3A_1499 : vector<64x1xi1>, vector<64x1xf32>
    %eq3A_1509 = arith.constant 41 : i32
    %eq3A_1510 = vector.broadcast %eq3A_1509 : i32 to vector<64x1xi32>
    %eq3A_1511 = arith.cmpi eq, %iota3A_1147, %eq3A_1510 : vector<64x1xi32>
    %broadcast_in_dim3A_1512 = arith.constant 0.000000e+00 : f32
    %broadcast_in_dim3A_1513 = vector.broadcast %broadcast_in_dim3A_1512 : f32 to vector<1x1xf32>
    %slice3A_1514 = vector.extract_strided_slice %select_n3A_1508 {offsets = [0, 0], sizes = [63, 1], strides = [1, 1]} : vector<64x1xf32> to vector<63x1xf32>
    %concatenate3A_1515 = tpu.concatenate %broadcast_in_dim3A_1513, %slice3A_1514 in 0 : vector<1x1xf32>, vector<63x1xf32> -> vector<64x1xf32>
    %add3A_1516 = arith.addf %select_n3A_1508, %concatenate3A_1515 : vector<64x1xf32>
    %select_n3A_1517 = arith.select %eq3A_1511, %add3A_1516, %select_n3A_1508 : vector<64x1xi1>, vector<64x1xf32>
    %eq3A_1518 = arith.constant 42 : i32
    %eq3A_1519 = vector.broadcast %eq3A_1518 : i32 to vector<64x1xi32>
    %eq3A_1520 = arith.cmpi eq, %iota3A_1147, %eq3A_1519 : vector<64x1xi32>
    %broadcast_in_dim3A_1521 = arith.constant 0.000000e+00 : f32
    %broadcast_in_dim3A_1522 = vector.broadcast %broadcast_in_dim3A_1521 : f32 to vector<1x1xf32>
    %slice3A_1523 = vector.extract_strided_slice %select_n3A_1517 {offsets = [0, 0], sizes = [63, 1], strides = [1, 1]} : vector<64x1xf32> to vector<63x1xf32>
    %concatenate3A_1524 = tpu.concatenate %broadcast_in_dim3A_1522, %slice3A_1523 in 0 : vector<1x1xf32>, vector<63x1xf32> -> vector<64x1xf32>
    %add3A_1525 = arith.addf %select_n3A_1517, %concatenate3A_1524 : vector<64x1xf32>
    %select_n3A_1526 = arith.select %eq3A_1520, %add3A_1525, %select_n3A_1517 : vector<64x1xi1>, vector<64x1xf32>
    %eq3A_1527 = arith.constant 43 : i32
    %eq3A_1528 = vector.broadcast %eq3A_1527 : i32 to vector<64x1xi32>
    %eq3A_1529 = arith.cmpi eq, %iota3A_1147, %eq3A_1528 : vector<64x1xi32>
    %broadcast_in_dim3A_1530 = arith.constant 0.000000e+00 : f32
    %broadcast_in_dim3A_1531 = vector.broadcast %broadcast_in_dim3A_1530 : f32 to vector<1x1xf32>
    %slice3A_1532 = vector.extract_strided_slice %select_n3A_1526 {offsets = [0, 0], sizes = [63, 1], strides = [1, 1]} : vector<64x1xf32> to vector<63x1xf32>
    %concatenate3A_1533 = tpu.concatenate %broadcast_in_dim3A_1531, %slice3A_1532 in 0 : vector<1x1xf32>, vector<63x1xf32> -> vector<64x1xf32>
    %add3A_1534 = arith.addf %select_n3A_1526, %concatenate3A_1533 : vector<64x1xf32>
    %select_n3A_1535 = arith.select %eq3A_1529, %add3A_1534, %select_n3A_1526 : vector<64x1xi1>, vector<64x1xf32>
    %eq3A_1536 = arith.constant 44 : i32
    %eq3A_1537 = vector.broadcast %eq3A_1536 : i32 to vector<64x1xi32>
    %eq3A_1538 = arith.cmpi eq, %iota3A_1147, %eq3A_1537 : vector<64x1xi32>
    %broadcast_in_dim3A_1539 = arith.constant 0.000000e+00 : f32
    %broadcast_in_dim3A_1540 = vector.broadcast %broadcast_in_dim3A_1539 : f32 to vector<1x1xf32>
    %slice3A_1541 = vector.extract_strided_slice %select_n3A_1535 {offsets = [0, 0], sizes = [63, 1], strides = [1, 1]} : vector<64x1xf32> to vector<63x1xf32>
    %concatenate3A_1542 = tpu.concatenate %broadcast_in_dim3A_1540, %slice3A_1541 in 0 : vector<1x1xf32>, vector<63x1xf32> -> vector<64x1xf32>
    %add3A_1543 = arith.addf %select_n3A_1535, %concatenate3A_1542 : vector<64x1xf32>
    %select_n3A_1544 = arith.select %eq3A_1538, %add3A_1543, %select_n3A_1535 : vector<64x1xi1>, vector<64x1xf32>
    %eq3A_1545 = arith.constant 45 : i32
    %eq3A_1546 = vector.broadcast %eq3A_1545 : i32 to vector<64x1xi32>
    %eq3A_1547 = arith.cmpi eq, %iota3A_1147, %eq3A_1546 : vector<64x1xi32>
    %broadcast_in_dim3A_1548 = arith.constant 0.000000e+00 : f32
    %broadcast_in_dim3A_1549 = vector.broadcast %broadcast_in_dim3A_1548 : f32 to vector<1x1xf32>
    %slice3A_1550 = vector.extract_strided_slice %select_n3A_1544 {offsets = [0, 0], sizes = [63, 1], strides = [1, 1]} : vector<64x1xf32> to vector<63x1xf32>
    %concatenate3A_1551 = tpu.concatenate %broadcast_in_dim3A_1549, %slice3A_1550 in 0 : vector<1x1xf32>, vector<63x1xf32> -> vector<64x1xf32>
    %add3A_1552 = arith.addf %select_n3A_1544, %concatenate3A_1551 : vector<64x1xf32>
    %select_n3A_1553 = arith.select %eq3A_1547, %add3A_1552, %select_n3A_1544 : vector<64x1xi1>, vector<64x1xf32>
    %eq3A_1554 = arith.constant 46 : i32
    %eq3A_1555 = vector.broadcast %eq3A_1554 : i32 to vector<64x1xi32>
    %eq3A_1556 = arith.cmpi eq, %iota3A_1147, %eq3A_1555 : vector<64x1xi32>
    %broadcast_in_dim3A_1557 = arith.constant 0.000000e+00 : f32
    %broadcast_in_dim3A_1558 = vector.broadcast %broadcast_in_dim3A_1557 : f32 to vector<1x1xf32>
    %slice3A_1559 = vector.extract_strided_slice %select_n3A_1553 {offsets = [0, 0], sizes = [63, 1], strides = [1, 1]} : vector<64x1xf32> to vector<63x1xf32>
    %concatenate3A_1560 = tpu.concatenate %broadcast_in_dim3A_1558, %slice3A_1559 in 0 : vector<1x1xf32>, vector<63x1xf32> -> vector<64x1xf32>
    %add3A_1561 = arith.addf %select_n3A_1553, %concatenate3A_1560 : vector<64x1xf32>
    %select_n3A_1562 = arith.select %eq3A_1556, %add3A_1561, %select_n3A_1553 : vector<64x1xi1>, vector<64x1xf32>
    %eq3A_1563 = arith.constant 47 : i32
    %eq3A_1564 = vector.broadcast %eq3A_1563 : i32 to vector<64x1xi32>
    %eq3A_1565 = arith.cmpi eq, %iota3A_1147, %eq3A_1564 : vector<64x1xi32>
    %broadcast_in_dim3A_1566 = arith.constant 0.000000e+00 : f32
    %broadcast_in_dim3A_1567 = vector.broadcast %broadcast_in_dim3A_1566 : f32 to vector<1x1xf32>
    %slice3A_1568 = vector.extract_strided_slice %select_n3A_1562 {offsets = [0, 0], sizes = [63, 1], strides = [1, 1]} : vector<64x1xf32> to vector<63x1xf32>
    %concatenate3A_1569 = tpu.concatenate %broadcast_in_dim3A_1567, %slice3A_1568 in 0 : vector<1x1xf32>, vector<63x1xf32> -> vector<64x1xf32>
    %add3A_1570 = arith.addf %select_n3A_1562, %concatenate3A_1569 : vector<64x1xf32>
    %select_n3A_1571 = arith.select %eq3A_1565, %add3A_1570, %select_n3A_1562 : vector<64x1xi1>, vector<64x1xf32>
    %eq3A_1572 = arith.constant 48 : i32
    %eq3A_1573 = vector.broadcast %eq3A_1572 : i32 to vector<64x1xi32>
    %eq3A_1574 = arith.cmpi eq, %iota3A_1147, %eq3A_1573 : vector<64x1xi32>
    %broadcast_in_dim3A_1575 = arith.constant 0.000000e+00 : f32
    %broadcast_in_dim3A_1576 = vector.broadcast %broadcast_in_dim3A_1575 : f32 to vector<1x1xf32>
    %slice3A_1577 = vector.extract_strided_slice %select_n3A_1571 {offsets = [0, 0], sizes = [63, 1], strides = [1, 1]} : vector<64x1xf32> to vector<63x1xf32>
    %concatenate3A_1578 = tpu.concatenate %broadcast_in_dim3A_1576, %slice3A_1577 in 0 : vector<1x1xf32>, vector<63x1xf32> -> vector<64x1xf32>
    %add3A_1579 = arith.addf %select_n3A_1571, %concatenate3A_1578 : vector<64x1xf32>
    %select_n3A_1580 = arith.select %eq3A_1574, %add3A_1579, %select_n3A_1571 : vector<64x1xi1>, vector<64x1xf32>
    %eq3A_1581 = arith.constant 49 : i32
    %eq3A_1582 = vector.broadcast %eq3A_1581 : i32 to vector<64x1xi32>
    %eq3A_1583 = arith.cmpi eq, %iota3A_1147, %eq3A_1582 : vector<64x1xi32>
    %broadcast_in_dim3A_1584 = arith.constant 0.000000e+00 : f32
    %broadcast_in_dim3A_1585 = vector.broadcast %broadcast_in_dim3A_1584 : f32 to vector<1x1xf32>
    %slice3A_1586 = vector.extract_strided_slice %select_n3A_1580 {offsets = [0, 0], sizes = [63, 1], strides = [1, 1]} : vector<64x1xf32> to vector<63x1xf32>
    %concatenate3A_1587 = tpu.concatenate %broadcast_in_dim3A_1585, %slice3A_1586 in 0 : vector<1x1xf32>, vector<63x1xf32> -> vector<64x1xf32>
    %add3A_1588 = arith.addf %select_n3A_1580, %concatenate3A_1587 : vector<64x1xf32>
    %select_n3A_1589 = arith.select %eq3A_1583, %add3A_1588, %select_n3A_1580 : vector<64x1xi1>, vector<64x1xf32>
    %eq3A_1590 = arith.constant 50 : i32
    %eq3A_1591 = vector.broadcast %eq3A_1590 : i32 to vector<64x1xi32>
    %eq3A_1592 = arith.cmpi eq, %iota3A_1147, %eq3A_1591 : vector<64x1xi32>
    %broadcast_in_dim3A_1593 = arith.constant 0.000000e+00 : f32
    %broadcast_in_dim3A_1594 = vector.broadcast %broadcast_in_dim3A_1593 : f32 to vector<1x1xf32>
    %slice3A_1595 = vector.extract_strided_slice %select_n3A_1589 {offsets = [0, 0], sizes = [63, 1], strides = [1, 1]} : vector<64x1xf32> to vector<63x1xf32>
    %concatenate3A_1596 = tpu.concatenate %broadcast_in_dim3A_1594, %slice3A_1595 in 0 : vector<1x1xf32>, vector<63x1xf32> -> vector<64x1xf32>
    %add3A_1597 = arith.addf %select_n3A_1589, %concatenate3A_1596 : vector<64x1xf32>
    %select_n3A_1598 = arith.select %eq3A_1592, %add3A_1597, %select_n3A_1589 : vector<64x1xi1>, vector<64x1xf32>
    %eq3A_1599 = arith.constant 51 : i32
    %eq3A_1600 = vector.broadcast %eq3A_1599 : i32 to vector<64x1xi32>
    %eq3A_1601 = arith.cmpi eq, %iota3A_1147, %eq3A_1600 : vector<64x1xi32>
    %broadcast_in_dim3A_1602 = arith.constant 0.000000e+00 : f32
    %broadcast_in_dim3A_1603 = vector.broadcast %broadcast_in_dim3A_1602 : f32 to vector<1x1xf32>
    %slice3A_1604 = vector.extract_strided_slice %select_n3A_1598 {offsets = [0, 0], sizes = [63, 1], strides = [1, 1]} : vector<64x1xf32> to vector<63x1xf32>
    %concatenate3A_1605 = tpu.concatenate %broadcast_in_dim3A_1603, %slice3A_1604 in 0 : vector<1x1xf32>, vector<63x1xf32> -> vector<64x1xf32>
    %add3A_1606 = arith.addf %select_n3A_1598, %concatenate3A_1605 : vector<64x1xf32>
    %select_n3A_1607 = arith.select %eq3A_1601, %add3A_1606, %select_n3A_1598 : vector<64x1xi1>, vector<64x1xf32>
    %eq3A_1608 = arith.constant 52 : i32
    %eq3A_1609 = vector.broadcast %eq3A_1608 : i32 to vector<64x1xi32>
    %eq3A_1610 = arith.cmpi eq, %iota3A_1147, %eq3A_1609 : vector<64x1xi32>
    %broadcast_in_dim3A_1611 = arith.constant 0.000000e+00 : f32
    %broadcast_in_dim3A_1612 = vector.broadcast %broadcast_in_dim3A_1611 : f32 to vector<1x1xf32>
    %slice3A_1613 = vector.extract_strided_slice %select_n3A_1607 {offsets = [0, 0], sizes = [63, 1], strides = [1, 1]} : vector<64x1xf32> to vector<63x1xf32>
    %concatenate3A_1614 = tpu.concatenate %broadcast_in_dim3A_1612, %slice3A_1613 in 0 : vector<1x1xf32>, vector<63x1xf32> -> vector<64x1xf32>
    %add3A_1615 = arith.addf %select_n3A_1607, %concatenate3A_1614 : vector<64x1xf32>
    %select_n3A_1616 = arith.select %eq3A_1610, %add3A_1615, %select_n3A_1607 : vector<64x1xi1>, vector<64x1xf32>
    %eq3A_1617 = arith.constant 53 : i32
    %eq3A_1618 = vector.broadcast %eq3A_1617 : i32 to vector<64x1xi32>
    %eq3A_1619 = arith.cmpi eq, %iota3A_1147, %eq3A_1618 : vector<64x1xi32>
    %broadcast_in_dim3A_1620 = arith.constant 0.000000e+00 : f32
    %broadcast_in_dim3A_1621 = vector.broadcast %broadcast_in_dim3A_1620 : f32 to vector<1x1xf32>
    %slice3A_1622 = vector.extract_strided_slice %select_n3A_1616 {offsets = [0, 0], sizes = [63, 1], strides = [1, 1]} : vector<64x1xf32> to vector<63x1xf32>
    %concatenate3A_1623 = tpu.concatenate %broadcast_in_dim3A_1621, %slice3A_1622 in 0 : vector<1x1xf32>, vector<63x1xf32> -> vector<64x1xf32>
    %add3A_1624 = arith.addf %select_n3A_1616, %concatenate3A_1623 : vector<64x1xf32>
    %select_n3A_1625 = arith.select %eq3A_1619, %add3A_1624, %select_n3A_1616 : vector<64x1xi1>, vector<64x1xf32>
    %eq3A_1626 = arith.constant 54 : i32
    %eq3A_1627 = vector.broadcast %eq3A_1626 : i32 to vector<64x1xi32>
    %eq3A_1628 = arith.cmpi eq, %iota3A_1147, %eq3A_1627 : vector<64x1xi32>
    %broadcast_in_dim3A_1629 = arith.constant 0.000000e+00 : f32
    %broadcast_in_dim3A_1630 = vector.broadcast %broadcast_in_dim3A_1629 : f32 to vector<1x1xf32>
    %slice3A_1631 = vector.extract_strided_slice %select_n3A_1625 {offsets = [0, 0], sizes = [63, 1], strides = [1, 1]} : vector<64x1xf32> to vector<63x1xf32>
    %concatenate3A_1632 = tpu.concatenate %broadcast_in_dim3A_1630, %slice3A_1631 in 0 : vector<1x1xf32>, vector<63x1xf32> -> vector<64x1xf32>
    %add3A_1633 = arith.addf %select_n3A_1625, %concatenate3A_1632 : vector<64x1xf32>
    %select_n3A_1634 = arith.select %eq3A_1628, %add3A_1633, %select_n3A_1625 : vector<64x1xi1>, vector<64x1xf32>
    %eq3A_1635 = arith.constant 55 : i32
    %eq3A_1636 = vector.broadcast %eq3A_1635 : i32 to vector<64x1xi32>
    %eq3A_1637 = arith.cmpi eq, %iota3A_1147, %eq3A_1636 : vector<64x1xi32>
    %broadcast_in_dim3A_1638 = arith.constant 0.000000e+00 : f32
    %broadcast_in_dim3A_1639 = vector.broadcast %broadcast_in_dim3A_1638 : f32 to vector<1x1xf32>
    %slice3A_1640 = vector.extract_strided_slice %select_n3A_1634 {offsets = [0, 0], sizes = [63, 1], strides = [1, 1]} : vector<64x1xf32> to vector<63x1xf32>
    %concatenate3A_1641 = tpu.concatenate %broadcast_in_dim3A_1639, %slice3A_1640 in 0 : vector<1x1xf32>, vector<63x1xf32> -> vector<64x1xf32>
    %add3A_1642 = arith.addf %select_n3A_1634, %concatenate3A_1641 : vector<64x1xf32>
    %select_n3A_1643 = arith.select %eq3A_1637, %add3A_1642, %select_n3A_1634 : vector<64x1xi1>, vector<64x1xf32>
    %eq3A_1644 = arith.constant 56 : i32
    %eq3A_1645 = vector.broadcast %eq3A_1644 : i32 to vector<64x1xi32>
    %eq3A_1646 = arith.cmpi eq, %iota3A_1147, %eq3A_1645 : vector<64x1xi32>
    %broadcast_in_dim3A_1647 = arith.constant 0.000000e+00 : f32
    %broadcast_in_dim3A_1648 = vector.broadcast %broadcast_in_dim3A_1647 : f32 to vector<1x1xf32>
    %slice3A_1649 = vector.extract_strided_slice %select_n3A_1643 {offsets = [0, 0], sizes = [63, 1], strides = [1, 1]} : vector<64x1xf32> to vector<63x1xf32>
    %concatenate3A_1650 = tpu.concatenate %broadcast_in_dim3A_1648, %slice3A_1649 in 0 : vector<1x1xf32>, vector<63x1xf32> -> vector<64x1xf32>
    %add3A_1651 = arith.addf %select_n3A_1643, %concatenate3A_1650 : vector<64x1xf32>
    %select_n3A_1652 = arith.select %eq3A_1646, %add3A_1651, %select_n3A_1643 : vector<64x1xi1>, vector<64x1xf32>
    %eq3A_1653 = arith.constant 57 : i32
    %eq3A_1654 = vector.broadcast %eq3A_1653 : i32 to vector<64x1xi32>
    %eq3A_1655 = arith.cmpi eq, %iota3A_1147, %eq3A_1654 : vector<64x1xi32>
    %broadcast_in_dim3A_1656 = arith.constant 0.000000e+00 : f32
    %broadcast_in_dim3A_1657 = vector.broadcast %broadcast_in_dim3A_1656 : f32 to vector<1x1xf32>
    %slice3A_1658 = vector.extract_strided_slice %select_n3A_1652 {offsets = [0, 0], sizes = [63, 1], strides = [1, 1]} : vector<64x1xf32> to vector<63x1xf32>
    %concatenate3A_1659 = tpu.concatenate %broadcast_in_dim3A_1657, %slice3A_1658 in 0 : vector<1x1xf32>, vector<63x1xf32> -> vector<64x1xf32>
    %add3A_1660 = arith.addf %select_n3A_1652, %concatenate3A_1659 : vector<64x1xf32>
    %select_n3A_1661 = arith.select %eq3A_1655, %add3A_1660, %select_n3A_1652 : vector<64x1xi1>, vector<64x1xf32>
    %eq3A_1662 = arith.constant 58 : i32
    %eq3A_1663 = vector.broadcast %eq3A_1662 : i32 to vector<64x1xi32>
    %eq3A_1664 = arith.cmpi eq, %iota3A_1147, %eq3A_1663 : vector<64x1xi32>
    %broadcast_in_dim3A_1665 = arith.constant 0.000000e+00 : f32
    %broadcast_in_dim3A_1666 = vector.broadcast %broadcast_in_dim3A_1665 : f32 to vector<1x1xf32>
    %slice3A_1667 = vector.extract_strided_slice %select_n3A_1661 {offsets = [0, 0], sizes = [63, 1], strides = [1, 1]} : vector<64x1xf32> to vector<63x1xf32>
    %concatenate3A_1668 = tpu.concatenate %broadcast_in_dim3A_1666, %slice3A_1667 in 0 : vector<1x1xf32>, vector<63x1xf32> -> vector<64x1xf32>
    %add3A_1669 = arith.addf %select_n3A_1661, %concatenate3A_1668 : vector<64x1xf32>
    %select_n3A_1670 = arith.select %eq3A_1664, %add3A_1669, %select_n3A_1661 : vector<64x1xi1>, vector<64x1xf32>
    %eq3A_1671 = arith.constant 59 : i32
    %eq3A_1672 = vector.broadcast %eq3A_1671 : i32 to vector<64x1xi32>
    %eq3A_1673 = arith.cmpi eq, %iota3A_1147, %eq3A_1672 : vector<64x1xi32>
    %broadcast_in_dim3A_1674 = arith.constant 0.000000e+00 : f32
    %broadcast_in_dim3A_1675 = vector.broadcast %broadcast_in_dim3A_1674 : f32 to vector<1x1xf32>
    %slice3A_1676 = vector.extract_strided_slice %select_n3A_1670 {offsets = [0, 0], sizes = [63, 1], strides = [1, 1]} : vector<64x1xf32> to vector<63x1xf32>
    %concatenate3A_1677 = tpu.concatenate %broadcast_in_dim3A_1675, %slice3A_1676 in 0 : vector<1x1xf32>, vector<63x1xf32> -> vector<64x1xf32>
    %add3A_1678 = arith.addf %select_n3A_1670, %concatenate3A_1677 : vector<64x1xf32>
    %select_n3A_1679 = arith.select %eq3A_1673, %add3A_1678, %select_n3A_1670 : vector<64x1xi1>, vector<64x1xf32>
    %eq3A_1680 = arith.constant 60 : i32
    %eq3A_1681 = vector.broadcast %eq3A_1680 : i32 to vector<64x1xi32>
    %eq3A_1682 = arith.cmpi eq, %iota3A_1147, %eq3A_1681 : vector<64x1xi32>
    %broadcast_in_dim3A_1683 = arith.constant 0.000000e+00 : f32
    %broadcast_in_dim3A_1684 = vector.broadcast %broadcast_in_dim3A_1683 : f32 to vector<1x1xf32>
    %slice3A_1685 = vector.extract_strided_slice %select_n3A_1679 {offsets = [0, 0], sizes = [63, 1], strides = [1, 1]} : vector<64x1xf32> to vector<63x1xf32>
    %concatenate3A_1686 = tpu.concatenate %broadcast_in_dim3A_1684, %slice3A_1685 in 0 : vector<1x1xf32>, vector<63x1xf32> -> vector<64x1xf32>
    %add3A_1687 = arith.addf %select_n3A_1679, %concatenate3A_1686 : vector<64x1xf32>
    %select_n3A_1688 = arith.select %eq3A_1682, %add3A_1687, %select_n3A_1679 : vector<64x1xi1>, vector<64x1xf32>
    %eq3A_1689 = arith.constant 61 : i32
    %eq3A_1690 = vector.broadcast %eq3A_1689 : i32 to vector<64x1xi32>
    %eq3A_1691 = arith.cmpi eq, %iota3A_1147, %eq3A_1690 : vector<64x1xi32>
    %broadcast_in_dim3A_1692 = arith.constant 0.000000e+00 : f32
    %broadcast_in_dim3A_1693 = vector.broadcast %broadcast_in_dim3A_1692 : f32 to vector<1x1xf32>
    %slice3A_1694 = vector.extract_strided_slice %select_n3A_1688 {offsets = [0, 0], sizes = [63, 1], strides = [1, 1]} : vector<64x1xf32> to vector<63x1xf32>
    %concatenate3A_1695 = tpu.concatenate %broadcast_in_dim3A_1693, %slice3A_1694 in 0 : vector<1x1xf32>, vector<63x1xf32> -> vector<64x1xf32>
    %add3A_1696 = arith.addf %select_n3A_1688, %concatenate3A_1695 : vector<64x1xf32>
    %select_n3A_1697 = arith.select %eq3A_1691, %add3A_1696, %select_n3A_1688 : vector<64x1xi1>, vector<64x1xf32>
    %eq3A_1698 = arith.constant 62 : i32
    %eq3A_1699 = vector.broadcast %eq3A_1698 : i32 to vector<64x1xi32>
    %eq3A_1700 = arith.cmpi eq, %iota3A_1147, %eq3A_1699 : vector<64x1xi32>
    %broadcast_in_dim3A_1701 = arith.constant 0.000000e+00 : f32
    %broadcast_in_dim3A_1702 = vector.broadcast %broadcast_in_dim3A_1701 : f32 to vector<1x1xf32>
    %slice3A_1703 = vector.extract_strided_slice %select_n3A_1697 {offsets = [0, 0], sizes = [63, 1], strides = [1, 1]} : vector<64x1xf32> to vector<63x1xf32>
    %concatenate3A_1704 = tpu.concatenate %broadcast_in_dim3A_1702, %slice3A_1703 in 0 : vector<1x1xf32>, vector<63x1xf32> -> vector<64x1xf32>
    %add3A_1705 = arith.addf %select_n3A_1697, %concatenate3A_1704 : vector<64x1xf32>
    %select_n3A_1706 = arith.select %eq3A_1700, %add3A_1705, %select_n3A_1697 : vector<64x1xi1>, vector<64x1xf32>
    %eq3A_1707 = arith.constant 63 : i32
    %eq3A_1708 = vector.broadcast %eq3A_1707 : i32 to vector<64x1xi32>
    %eq3A_1709 = arith.cmpi eq, %iota3A_1147, %eq3A_1708 : vector<64x1xi32>
    %broadcast_in_dim3A_1710 = arith.constant 0.000000e+00 : f32
    %broadcast_in_dim3A_1711 = vector.broadcast %broadcast_in_dim3A_1710 : f32 to vector<1x1xf32>
    %slice3A_1712 = vector.extract_strided_slice %select_n3A_1706 {offsets = [0, 0], sizes = [63, 1], strides = [1, 1]} : vector<64x1xf32> to vector<63x1xf32>
    %concatenate3A_1713 = tpu.concatenate %broadcast_in_dim3A_1711, %slice3A_1712 in 0 : vector<1x1xf32>, vector<63x1xf32> -> vector<64x1xf32>
    %add3A_1714 = arith.addf %select_n3A_1706, %concatenate3A_1713 : vector<64x1xf32>
    %select_n3A_1715 = arith.select %eq3A_1709, %add3A_1714, %select_n3A_1706 : vector<64x1xi1>, vector<64x1xf32>
    %broadcast_in_dim3A_1716 = arith.constant 0.000000e+00 : f32
    %broadcast_in_dim3A_1717 = vector.broadcast %broadcast_in_dim3A_1716 : f32 to vector<1x1xf32>
    %slice3A_1718 = vector.extract_strided_slice %select_n3A_1715 {offsets = [0, 0], sizes = [63, 1], strides = [1, 1]} : vector<64x1xf32> to vector<63x1xf32>
    %concatenate3A_1719 = tpu.concatenate %broadcast_in_dim3A_1717, %slice3A_1718 in 0 : vector<1x1xf32>, vector<63x1xf32> -> vector<64x1xf32>
    %add3A_1720 = vector.broadcast %concatenate3A_1719 : vector<64x1xf32> to vector<64x128xf32>
    %add3A_1721 = arith.addf %select_n3A_1146, %add3A_1720 : vector<64x128xf32>
    %slice3A_1722 = vector.extract_strided_slice %add3A_1721 {offsets = [0, 127], sizes = [64, 1], strides = [1, 1]} : vector<64x128xf32> to vector<64x1xf32>
    %broadcast_in_dim3A_1723 = arith.constant 0.000000e+00 : f32
    %broadcast_in_dim3A_1724 = vector.broadcast %broadcast_in_dim3A_1723 : f32 to vector<1x1xf32>
    %slice3A_1725 = vector.extract_strided_slice %slice3A_1722 {offsets = [0, 0], sizes = [63, 1], strides = [1, 1]} : vector<64x1xf32> to vector<63x1xf32>
    %concatenate3A_1726 = tpu.concatenate %broadcast_in_dim3A_1724, %slice3A_1725 in 0 : vector<1x1xf32>, vector<63x1xf32> -> vector<64x1xf32>
    %slice3A_1727 = vector.extract_strided_slice %add3A_1721 {offsets = [0, 0], sizes = [64, 127], strides = [1, 1]} : vector<64x128xf32> to vector<64x127xf32>
    %concatenate3A_1728 = tpu.concatenate %concatenate3A_1726, %slice3A_1727 in 1 : vector<64x1xf32>, vector<64x127xf32> -> vector<64x128xf32>
    %scan3A_1729 = arith.constant 0 : i32
    %scan3A_1730 = arith.constant 128 : i32
    %scan3A_1731 = arith.addi %scan3A_1729, %scan3A_1730 : i32
    %scan3A_1732 = arith.constant 1 : i32
    scf.for %scan3A_1734 = %scan3A_1729 to %scan3A_1731 step %scan3A_1732  : i32 {
      %get3A_1735 = arith.index_cast %scan3A_1734 : i32 to index
      %get3A_1736 = arith.constant 0 : index
      %get3A_1737 = arith.constant 0 : index
      %get3A_1738 = vector.load %arg1[%get3A_1735, %get3A_1736, %get3A_1737] : memref<128x64x128xf32, #tpu.memory_space<vmem>>, vector<1x64x128xf32>
      %get3A_1739 = vector.shape_cast %get3A_1738 : vector<1x64x128xf32> to vector<64x128xf32>
      %add3A_1740 = arith.addf %get3A_1739, %concatenate3A_1728 : vector<64x128xf32>
      %swap3A_1741 = arith.index_cast %scan3A_1734 : i32 to index
      %swap3A_1742 = arith.constant 0 : index
      %swap3A_1743 = arith.constant 0 : index
      %swap3A_1744 = vector.load %arg1[%swap3A_1741, %swap3A_1742, %swap3A_1743] : memref<128x64x128xf32, #tpu.memory_space<vmem>>, vector<1x64x128xf32>
      %swap3A_1745 = vector.shape_cast %swap3A_1744 : vector<1x64x128xf32> to vector<64x128xf32>
      %swap3A_1746 = vector.shape_cast %add3A_1740 : vector<64x128xf32> to vector<1x64x128xf32>
      tpu.vector_store %arg1[%swap3A_1741, %swap3A_1742, %swap3A_1743], %swap3A_1746 {strides = array<i32>} : memref<128x64x128xf32, #tpu.memory_space<vmem>>, vector<1x64x128xf32>,
    }
    %scan3A_1733 = arith.constant 128 : i32
    return
  }
}

module attributes {stable_mosaic.version = 14 : i64} {
  func.func @_combine_kernel(%arg0: i32, %arg1: memref<128x128xf32, #tpu.memory_space<vmem>>, %arg2: memref<128x128xf32, #tpu.memory_space<vmem>>, %arg3: memref<1x128x128xi32, #tpu.memory_space<vmem>>, %arg4: memref<1x128x128xf32, #tpu.memory_space<vmem>>, %arg5: memref<1x128x128xi32, #tpu.memory_space<vmem>>, %arg6: memref<1xf32, #tpu.memory_space<smem>>) attributes {dimension_semantics = [#tpu.dimension_semantics<arbitrary>], iteration_bounds = array<i64: 64>, scalar_prefetch = 0 : i64, scratch_operands = 1 : i64, tpu.core_type = #tpu.core_type<tc>, window_params = [{transform_indices = @transform_0, window_bounds = array<i64: 128, 128>}, {transform_indices = @transform_1, window_bounds = array<i64: 128, 128>}, {transform_indices = @transform_2, window_bounds = array<i64: 1, 128, 128>}, {transform_indices = @transform_3, window_bounds = array<i64: 1, 128, 128>}, {transform_indices = @transform_4, window_bounds = array<i64: 1, 128, 128>}]} {
    %eq3A = arith.constant 0 : i32
    %eq3A_0 = arith.cmpi eq, %arg0, %eq3A : i32
    %convert_element_type3A = arith.extui %eq3A_0 : i1 to i32
    %cond3A = arith.constant 0 : i32
    %cond3A_1 = arith.cmpi ne, %convert_element_type3A, %cond3A : i32
    scf.if %cond3A_1 {
      %swap3A_52 = arith.constant 0.000000e+00 : f32
      %swap3A_53 = arith.constant 0 : index
      %swap3A_54 = memref.load %arg6[%swap3A_53] : memref<1xf32, #tpu.memory_space<smem>>
      memref.store %swap3A_52, %arg6[%swap3A_53] : memref<1xf32, #tpu.memory_space<smem>>
    } else {
    }
    %get3A = arith.constant 0 : index
    %get3A_2 = arith.constant 0 : index
    %get3A_3 = vector.load %arg1[%get3A, %get3A_2] : memref<128x128xf32, #tpu.memory_space<vmem>>, vector<128x128xf32>
    %get3A_4 = arith.constant 0 : index
    %get3A_5 = arith.constant 0 : index
    %get3A_6 = vector.load %arg2[%get3A_4, %get3A_5] : memref<128x128xf32, #tpu.memory_space<vmem>>, vector<128x128xf32>
    %sub3A = arith.subf %get3A_3, %get3A_6 : vector<128x128xf32>
    %transpose3A = tpu.transpose %sub3A, [1, 0] : vector<128x128xf32> -> vector<128x128xf32>
    %swap3A = arith.constant 0 : index
    %swap3A_7 = arith.constant 0 : index
    %swap3A_8 = arith.constant 0 : index
    %swap3A_9 = vector.load %arg4[%swap3A, %swap3A_7, %swap3A_8] : memref<1x128x128xf32, #tpu.memory_space<vmem>>, vector<1x128x128xf32>
    %swap3A_10 = vector.shape_cast %swap3A_9 : vector<1x128x128xf32> to vector<128x128xf32>
    %swap3A_11 = vector.shape_cast %transpose3A : vector<128x128xf32> to vector<1x128x128xf32>
    tpu.vector_store %arg4[%swap3A, %swap3A_7, %swap3A_8], %swap3A_11 {strides = array<i32>} : memref<1x128x128xf32, #tpu.memory_space<vmem>>, vector<1x128x128xf32>,
    %get3A_12 = arith.constant 0 : index
    %get3A_13 = arith.constant 0 : index
    %get3A_14 = arith.constant 0 : index
    %get3A_15 = vector.load %arg3[%get3A_12, %get3A_13, %get3A_14] : memref<1x128x128xi32, #tpu.memory_space<vmem>>, vector<1x128x128xi32>
    %get3A_16 = vector.shape_cast %get3A_15 : vector<1x128x128xi32> to vector<128x128xi32>
    %convert_element_type3A_17 = arith.sitofp %get3A_16 : vector<128x128xi32> to vector<128x128xf32>
    %iota3A = tpu.iota {dimensions = array<i32: 0>} : vector<128x128xi32>
    %iota3A_18 = tpu.iota {dimensions = array<i32: 1>} : vector<128x128xi32>
    %le3A = arith.cmpi sle, %iota3A, %iota3A_18 : vector<128x128xi32>
    %convert_element_type3A_19 = arith.extui %le3A : vector<128x128xi1> to vector<128x128xi32>
    %convert_element_type3A_20 = arith.sitofp %convert_element_type3A_19 : vector<128x128xi32> to vector<128x128xf32>
    %iota3A_21 = tpu.iota {dimensions = array<i32: 0>} : vector<128x128xi32>
    %iota3A_22 = tpu.iota {dimensions = array<i32: 1>} : vector<128x128xi32>
    %lt3A = arith.cmpi slt, %iota3A_22, %iota3A_21 : vector<128x128xi32>
    %convert_element_type3A_23 = arith.extui %lt3A : vector<128x128xi1> to vector<128x128xi32>
    %convert_element_type3A_24 = arith.sitofp %convert_element_type3A_23 : vector<128x128xi32> to vector<128x128xf32>
    %dot_general3A = arith.constant dense<0.000000e+00> : vector<128x128xf32>
    %dot_general3A_25 = tpu.matmul %convert_element_type3A_17, %convert_element_type3A_20, %dot_general3A {dimension_numbers = #tpu.dot_dimension_numbers<[1], [0], [0], [1], [0, 0, 1, 1], [], []>, transpose_lhs_hint = false} : vector<128x128xf32>, vector<128x128xf32>, vector<128x128xf32> -> vector<128x128xf32>
    %slice3A = vector.extract_strided_slice %dot_general3A_25 {offsets = [0, 127], sizes = [128, 1], strides = [1, 1]} : vector<128x128xf32> to vector<128x1xf32>
    %dot_general3A_26 = arith.constant dense<0.000000e+00> : vector<128x1xf32>
    %dot_general3A_27 = tpu.matmul %convert_element_type3A_24, %slice3A, %dot_general3A_26 {dimension_numbers = #tpu.dot_dimension_numbers<[1], [0], [0], [1], [0, 0, 1, 1], [], []>, transpose_lhs_hint = false} : vector<128x128xf32>, vector<128x1xf32>, vector<128x1xf32> -> vector<128x1xf32>
    %add3A = vector.broadcast %dot_general3A_27 : vector<128x1xf32> to vector<128x128xf32>
    %add3A_28 = arith.addf %dot_general3A_25, %add3A : vector<128x128xf32>
    %get3A_29 = arith.constant 0 : index
    %get3A_30 = memref.load %arg6[%get3A_29] : memref<1xf32, #tpu.memory_space<smem>>
    %add3A_31 = vector.broadcast %get3A_30 : f32 to vector<128x128xf32>
    %add3A_32 = arith.addf %add3A_28, %add3A_31 : vector<128x128xf32>
    %sub3A_33 = arith.constant 1.000000e+00 : f32
    %sub3A_34 = vector.broadcast %sub3A_33 : f32 to vector<128x128xf32>
    %sub3A_35 = arith.subf %add3A_32, %sub3A_34 : vector<128x128xf32>
    %convert_element_type3A_36 = arith.fptosi %sub3A_35 : vector<128x128xf32> to vector<128x128xi32>
    %swap3A_37 = arith.constant 0 : index
    %swap3A_38 = arith.constant 0 : index
    %swap3A_39 = arith.constant 0 : index
    %swap3A_40 = vector.load %arg5[%swap3A_37, %swap3A_38, %swap3A_39] : memref<1x128x128xi32, #tpu.memory_space<vmem>>, vector<1x128x128xi32>
    %swap3A_41 = vector.shape_cast %swap3A_40 : vector<1x128x128xi32> to vector<128x128xi32>
    %swap3A_42 = vector.shape_cast %convert_element_type3A_36 : vector<128x128xi32> to vector<1x128x128xi32>
    tpu.vector_store %arg5[%swap3A_37, %swap3A_38, %swap3A_39], %swap3A_42 {strides = array<i32>} : memref<1x128x128xi32, #tpu.memory_space<vmem>>, vector<1x128x128xi32>,
    %get3A_43 = arith.constant 0 : index
    %get3A_44 = memref.load %arg6[%get3A_43] : memref<1xf32, #tpu.memory_space<smem>>
    %reduce_sum3A = vector.shape_cast %convert_element_type3A_17 : vector<128x128xf32> to vector<1x128x128xf32>
    %reduce_sum3A_45 = arith.constant dense<0.000000e+00> : vector<1xf32>
    %reduce_sum3A_46 = vector.multi_reduction <add>, %reduce_sum3A, %reduce_sum3A_45 [1, 2] : vector<1x128x128xf32> to vector<1xf32>
    %reduce_sum3A_47 = vector.shape_cast %reduce_sum3A_46 : vector<1xf32> to vector<1x1x1xf32>
    %reduce_sum3A_48 = vector.extract %reduce_sum3A_47[0, 0, 0] : f32 from vector<1x1x1xf32>
    %add3A_49 = arith.addf %get3A_44, %reduce_sum3A_48 : f32
    %swap3A_50 = arith.constant 0 : index
    %swap3A_51 = memref.load %arg6[%swap3A_50] : memref<1xf32, #tpu.memory_space<smem>>
    memref.store %add3A_49, %arg6[%swap3A_50] : memref<1xf32, #tpu.memory_space<smem>>
    return
  }
  func.func @transform_0(%arg0: i32) -> (i32, i32) {
    %c0_i32 = arith.constant 0 : i32
    %c0_i32_0 = arith.constant 0 : i32
    return %c0_i32, %arg0 : i32, i32
  }
  func.func @transform_1(%arg0: i32) -> (i32, i32) {
    %c0_i32 = arith.constant 0 : i32
    %c0_i32_0 = arith.constant 0 : i32
    return %c0_i32, %arg0 : i32, i32
  }
  func.func @transform_2(%arg0: i32) -> (i32, i32, i32) {
    %c0_i32 = arith.constant 0 : i32
    %c0_i32_0 = arith.constant 0 : i32
    %c0_i32_1 = arith.constant 0 : i32
    return %arg0, %c0_i32, %c0_i32_0 : i32, i32, i32
  }
  func.func @transform_3(%arg0: i32) -> (i32, i32, i32) {
    %c0_i32 = arith.constant 0 : i32
    %c0_i32_0 = arith.constant 0 : i32
    %c0_i32_1 = arith.constant 0 : i32
    return %arg0, %c0_i32, %c0_i32_0 : i32, i32, i32
  }
  func.func @transform_4(%arg0: i32) -> (i32, i32, i32) {
    %c0_i32 = arith.constant 0 : i32
    %c0_i32_0 = arith.constant 0 : i32
    %c0_i32_1 = arith.constant 0 : i32
    return %arg0, %c0_i32, %c0_i32_0 : i32, i32, i32
  }
}

</mosaic_0001>

<sc_bundles>
// kernel: kernel.10.cloned.1.call-start
scs
__scs_entry_jumppad:
0x0: {  	(pc) =	sbr.rel $0x88, $3  }
0x1: {  	(tag) =	ssettag $0x0;
	lr =	simm.s32 $0x1  }
0x2: {  	[smem:$0x3F9B] =	sst lr;
	_ =	strace $0xD0000000  }
0x3: {  	_ = 	snop  }
0x4: {  	_ = 	snop  }
0x5: {  	_ = 	snop  }
0x6: {  	_ = 	snop  }
0x7: {  	_ = 	snop  }
__scs_overlays_trampoline_lowered:
0x8: {  	[smem:$0x3FAA] =	sst s0  }
0x9: {  	[smem:$0x3FAB] =	sst s1  }
0xa: {  	[smem:$0x3FAC] =	sst s2  }
0xb: {  	[smem:$0x3FAD] =	sst s3  }
0xc: {  	[smem:$0x3FAE] =	sst s4  }
0xd: {  	[smem:$0x3FAF] =	sst s5  }
0xe: {  	[smem:$0x3FB0] =	sst s6  }
0xf: {  	[smem:$0x3FB1] =	sst s7  }
0x10: {  	[smem:$0x3FB2] =	sst s8  }
0x11: {  	[smem:$0x3FB3] =	sst s9;
	s0 =	simm.s32 @!p0 $0x0  }
0x12: {  	s1 =	sld [smem:$0x3F99];
	s0 =	simm.s32 @p0 $0x1  }
0x13: {  	[smem:$0x3FB4] =	sst s0;
	s0 =	simm.s32 @!p1 $0x0  }
0x14: {  	s2 =	sld [smem:$0x3F98];
	s0 =	simm.s32 @p1 $0x1  }
0x15: {  	[smem:$0x3FB5] =	sst s0;
	s0 =	simm.s32 @!p2 $0x0  }
0x16: {  	s3 =	sld [smem:$0x3FDB];
	s0 =	simm.s32 @p2 $0x1  }
0x17: {  	s4 =	simm.s32 $0x1BF5;
	[smem:$0x3FB7] =	sst s0  }
0x18: {  	s0 =	sld [smem:$0x3F9A];
	_ =	swait.ge [sflag:s4], $0x0  }
0x19: {  	s7 =	sld [smem:$0x3F9B]  }
0x1a: {  	s8 =	sadd.s32 $0xFFFFE003, lr  }
0x1b: {  	s9 =	sadd.s32 $0xFFFFFEF7, lr;
	s5 =	simm.s32 $0xFFFFFFFF;
	p2 =	slt.u32 s8, $0xFFFFF086  }
0x1c: {  	p1 =	slt.u32 s9, $0xF7A;
	s5 =	simm.s32 @!p2 $0x0  }
0x1d: {  	s5 =	simm.s32 @p1 $0x1;
	p0 =	seq.s32 s7, s2  }
0x1e: {  	s7 =	smul.u32 @!p0 $0xF7A, s2;
	p2 =	seq.s32 @!p0 s5, $0x0  }
0x1f: {  	s9 =	smul.u32 $0xF7A, s1;
	s8 =	simm.s32 @!p0 $0x1BF5;
	p2 =	por !p2, p0  }
0x20: {  	[sflag:s8] =	ssyncset.s32 @!p0 $0xFFFFF086;
	s6 =	sadd.s32 @!p0 s3, s7;
	s7 =	simm.s32 @!p0 $0x108  }
0x21: {  	s3 =	sadd.s32 s3, s9;
	s6 =	sadd.s32 @!p0 $0x88, s6;
	s7 =	simm.s32 @p2 $0x1082  }
0x22: {  	[simem:s7], [sflag:s8] =	dma.local @!p0 [hbm:s6], $0xF7A  }
0x23: {  	s9 =	sor.u32 $0xD0000000, s2;
	s6 =	simm.s32 $0x108;
	_ =	swait.ge @!p0 [sflag:s8], $0x0  }
0x24: {  	s3 =	sadd.s32 $0x88, s3;
	s6 =	simm.s32 @!p1 $0x1082;
	[sflag:s4] =	ssyncset.s32 $0xFFFFF086  }
0x25: {  	[simem:s6], [sflag:s4] =	dma.local [hbm:s3], $0xF7A  }
0x26: {  	[smem:$0x3F9B] =	sst s1;
	(tag) =	ssettag s2;
	_ =	strace s9  }
0x27: {  	s1 =	sld [smem:$0x3FAB]  }
0x28: {  	s2 =	sld [smem:$0x3FAC]  }
0x29: {  	s4 =	sld [smem:$0x3FAE]  }
0x2a: {  	p0 =	seq.s32 s5, $0x0;
	s5 =	sld [smem:$0x3FAF]  }
0x2b: {  	s6 =	sld [smem:$0x3FB0]  }
0x2c: {  	s7 =	sld [smem:$0x3FB1]  }
0x2d: {  	s3 =	simm.s32 $0x108;
	s8 =	sld [smem:$0x3FB2]  }
0x2e: {  	s3 =	simm.s32 @!p0 $0x1082;
	s9 =	sld [smem:$0x3FB3]  }
0x2f: {  	lr =	sadd.s32 s0, s3;
	s0 =	sld [smem:$0x3FAA]  }
0x30: {  	s3 =	sld [smem:$0x3FAD]  }
0x31: {  	[smem:$0x3FB6] =	sst s10  }
0x32: {  	s10 =	sld [smem:$0x3FB4];
	_ =	sdelay $0x3  }
0x33: {  	p0 =	seq.s32 s10, $0x1;
	s10 =	sld [smem:$0x3FB6];
	_ =	sdelay $0x3  }
0x34: {  	[smem:$0x3FB6] =	sst s10  }
0x35: {  	s10 =	sld [smem:$0x3FB5];
	_ =	sdelay $0x3  }
0x36: {  	p1 =	seq.s32 s10, $0x1;
	s10 =	sld [smem:$0x3FB6];
	_ =	sdelay $0x3  }
0x37: {  	[smem:$0x3FB6] =	sst s10  }
0x38: {  	s10 =	sld [smem:$0x3FB7]  }
0x39: {  	_ = 	snop;
	(pc) =	sbr.ind lr, $3  }
0x3a: {  	_ = 	snop  }
0x3b: {  	_ = 	snop  }
0x3c: {  	p2 =	seq.s32 s10, $0x1;
	s10 =	sld [smem:$0x3FB6]  }
0x3d: {  	_ =	shalt  }
0x3e: {  	_ =	shalt  }
0x3f: {  	_ =	shalt  }
0x40: {  	_ =	shalt  }
0x41: {  	_ =	shalt  }
0x42: {  	_ =	shalt  }
0x43: {  	_ =	shalt  }
0x44: {  	_ =	shalt  }
0x45: {  	_ =	shalt  }
0x46: {  	_ =	shalt  }
0x47: {  	_ =	shalt  }
0x48: {  	_ =	shalt  }
0x49: {  	_ =	shalt  }
0x4a: {  	_ =	shalt  }
0x4b: {  	_ =	shalt  }
0x4c: {  	_ =	shalt  }
0x4d: {  	_ =	shalt  }
0x4e: {  	_ =	shalt  }
0x4f: {  	_ =	shalt  }
0x50: {  	_ =	shalt  }
0x51: {  	_ =	shalt  }
0x52: {  	_ =	shalt  }
0x53: {  	_ =	shalt  }
0x54: {  	_ =	shalt  }
0x55: {  	_ =	shalt  }
0x56: {  	_ =	shalt  }
0x57: {  	_ =	shalt  }
0x58: {  	_ =	shalt  }
0x59: {  	_ =	shalt  }
0x5a: {  	_ =	shalt  }
0x5b: {  	_ =	shalt  }
0x5c: {  	_ =	shalt  }
0x5d: {  	_ =	shalt  }
0x5e: {  	_ =	shalt  }
0x5f: {  	_ =	shalt  }
0x60: {  	_ =	shalt  }
0x61: {  	_ =	shalt  }
0x62: {  	_ =	shalt  }
0x63: {  	_ =	shalt  }
0x64: {  	_ =	shalt  }
0x65: {  	_ =	shalt  }
0x66: {  	_ =	shalt  }
0x67: {  	_ =	shalt  }
0x68: {  	_ =	shalt  }
0x69: {  	_ =	shalt  }
0x6a: {  	_ =	shalt  }
0x6b: {  	_ =	shalt  }
0x6c: {  	_ =	shalt  }
0x6d: {  	_ =	shalt  }
0x6e: {  	_ =	shalt  }
0x6f: {  	_ =	shalt  }
0x70: {  	_ =	shalt  }
0x71: {  	_ =	shalt  }
0x72: {  	_ =	shalt  }
0x73: {  	_ =	shalt  }
0x74: {  	_ =	shalt  }
0x75: {  	_ =	shalt  }
0x76: {  	_ =	shalt  }
0x77: {  	_ =	shalt  }
0x78: {  	_ =	shalt  }
0x79: {  	_ =	shalt  }
0x7a: {  	_ =	shalt  }
0x7b: {  	_ =	shalt  }
0x7c: {  	_ =	shalt  }
0x7d: {  	_ =	shalt  }
0x7e: {  	_ =	shalt  }
0x7f: {  	_ =	shalt  }
0x80: {  	_ =	shalt  }
0x81: {  	_ =	shalt  }
0x82: {  	_ =	shalt  }
0x83: {  	_ =	shalt  }
0x84: {  	_ =	shalt  }
0x85: {  	_ =	shalt  }
0x86: {  	_ =	shalt  }
0x87: {  	_ =	shalt  }
.Lfunc_end0:
.L_simem_size_0:
called_computation.1_lowered:
.L_overlay_start_0:
0x88: {  	s2 =	sld [smem:$0x3FD9]  }
0x89: {  	s3 =	sld [smem:$0x3FFE];
	_ =	sdelay $0x1  }
0x8a: {  	s1 =	srdreg.scid  }
0x8b: {  	s0 =	sand.u32 $0x1, s1  }
0x8c: {  	s14 =	sshll.u32 s0, $0xA;
	s2 =	sadd.s32 s3, s2  }
0x8d: {  	s2 =	sadd.s32 s2, s14  }
0x8e: {  	[smem:$0x3FC2] =	sst s2  }
0x8f: {  	_ = 	snop  }
0x90: {  	s2 =	sld [smem:$0x3FD0];
	_ =	sdelay $0x2  }
0x91: {  	s15 =	simm.s32 $0xA;
	s4 =	simm.s32 $0x10  }
0x92: {  	[smem:s4], [sflag:s15] =	dma.local [hbm:s2], $0x1  }
0x93: {  	_ =	swait.eq [sflag:s15], $0x1  }
0x94: {  	s16 =	sld [smem:$0x10];
	[sflag:s15] =	ssyncset.done $0x0  }
0x95: {  	s17 =	sld [smem:$0x11];
	[sflag:s15] =	ssyncadd.s32 $0xFFFFFFFF  }
0x96: {  	s18 =	sld [smem:$0x12];
	(tm) =	ssettm $0x1  }
0x97: {  	s5 =	sld [smem:$0x3FFB];
	_ =	sdelay $0x3  }
0x98: {  	_ =	strace s5  }
0x99: {  	s5 =	sld [smem:$0x3FFC];
	_ =	sdelay $0x3  }
0x9a: {  	_ =	strace s5  }
0x9b: {  	s5 =	sld [smem:$0x3FFD];
	_ =	sdelay $0x3  }
0x9c: {  	_ =	strace s5  }
0x9d: {  	_ =	strace $0x8FFFFFFF  }
0x9e: {  	s19 =	sld [smem:$0x3FDB];
	_ =	sdelay $0x1  }
0x9f: {  	s6 =	simm.s32 $_scs_section_size  }
0xa0: {  	s7 =	simm.s32 $_size__tile_overlayer_lowered;
	s8 =	simm.s32 $_tile_overlayer_lowered  }
0xa1: {  	s22 =	simm.s32 $0x1BFF;
	s21 =	sshll.u32 s8, $0x1;
	s5 =	sadd.s32 s6, s19  }
0xa2: {  	s9 =	simm.s32 $0x0;
	s20 =	sshll.u32 s7, $0x1;
	s7 =	sadd.s32 s21, s5  }
0xa3: {  	[timem:s9], [sflag:s22] =	dma.local [hbm:s7], s20  }
0xa4: {  	_ =	swait.ge [sflag:s22], s20  }
0xa5: {  	s6 =	ssub.s32 $0x0, s20;
	[sflag:s22] =	ssyncset.done $0x0  }
0xa6: {  	[sflag:s22] =	ssyncadd.s32 s6;
	_ =	sdelay $0x1  }
0xa7: {  	s23 =	simm.s32 $0x1B8B  }
0xa8: {  	_ =	swait.ge [sflag:s23], $0x1  }
0xa9: {  	[sflag:s23] =	ssyncset.done $0x0  }
0xaa: {  	s25 =	simm.s32 $0x1B8E;
	s24 =	sld [smem:$0x3FFE];
	[sflag:s23] =	ssyncadd.s32 $0xFFFFFFFF  }
0xab: {  	s26 =	simm.s32 $execute0_lowered;
	[smem:$0x3FD2] =	sst s25  }
0xac: {  	s7 =	sshll.u32 s26, $0x1;
	_ =	strace $0x80000049;
	[dreg:$0x1] =	wrdreg $0xFFFFFFFF  }
0xad: {  	s28 =	simm.s32 $_size_execute0_lowered;
	s5 =	sadd.s32 s5, s7;
	[dreg:$0x0] =	wrdreg $0x0  }
0xae: {  	s7 =	sshll.u32 s28, $0x1;
	[dreg:$0x2] =	wrdreg s5  }
0xaf: {  	[dreg:$0x3] =	wrdreg s7  }
0xb0: {  	[dreg:$0x4] =	wrdreg $0xC0  }
0xb1: {  	_ =	task [dreg:s9], $0x5FFFF  }
0xb2: {  	[dreg:$0x1] =	wrdreg $0xFFFFFFFF  }
0xb3: {  	[dreg:$0x0] =	wrdreg $0x60  }
0xb4: {  	[dreg:$0x2] =	wrdreg s24  }
0xb5: {  	[dreg:$0x3] =	wrdreg s16  }
0xb6: {  	[dreg:$0x4] =	wrdreg s17  }
0xb7: {  	[dreg:$0x5] =	wrdreg s18  }
0xb8: {  	[dreg:$0x6] =	wrdreg $0x9  }
0xb9: {  	_ =	task.clear_ibuf [dreg:s9], $0x7FFFF;
	_ =	strace $0x90000049  }
0xba: {  	s29 =	simm.s32 $0x9;
	_ =	strace $0x8000004B  }
0xbb: {  	_ =	swait.ge [sflag:s29], $0x1  }
0xbc: {  	[sflag:s29] =	ssyncadd.s32 $0xFFFFFFFF  }
0xbd: {  	_ =	strace $0x9000004B  }
0xbe: {  	_ =	sfence  }
0xbf: {  	s30 =	sld [smem:$0x0];
	_ =	sdelay $0x2  }
0xc0: {  	s31 =	sshll.u32 s1, $0xD;
	s1 =	sshrl.u32 s1, $0x2  }
0xc1: {  	s3 =	sand.u32 $0x4000, s31;
	s1 =	sadd.s32 s1, s30  }
0xc2: {  	s0 =	sor.u32 s3, s0;
	s1 =	sshll.u32 s1, $0x11  }
0xc3: {  	s0 =	sor.u32 s1, s0  }
0xc4: {  	s0 =	sadd.s32 $0x8F2B, s0  }
0xc5: {  	[sflag:s0] =	ssyncadd.remote.s32 $0x1  }
0xc6: {  	_ =	sfence.sel $0xFFFF  }
0xc7: {  	[dreg:$0x0] =	wrdreg $0xFFFFFFFF;
	(pc) =	sbr.abs _section_cstart, $3  }
0xc8: {  	[dreg:$0x1] =	wrdreg $0xFFFFFFFF  }
0xc9: {  	_ =	task.clear_ibuf [dreg:s9], $0x2FFFF;
	_ =	strace $0x9FFFFFFF  }
0xca: {  	(tm) =	ssettm $0x7FFFFFFF  }
0xcb: {  	_ =	shalt  }
tec
execute0_lowered:
.L_overlay_start_1:
0x0: {  	(tag) =	ssettag $0x1  }
0x1: {  	s0 =	rddreg [dreg:$0x0]  }
0x2: {  	s2 =	rddreg [dreg:$0x1]  }
0x3: {  	s7 =	rddreg [dreg:$0x2]  }
0x4: {  	s8 =	rddreg [dreg:$0x3];
	s1 =	simm.s32 $0x0  }
0x5: {  	s3 =	srdreg.scid;
	s9 =	stileid.u32;
	s14 =	simm.s32 $0x2  }
0x6: {  	s16 =	simm.s32 $0x100;
	s18 =	simm.s32 $0x900;
	s19 =	simm.s32 $0x1  }
0x7: {  	s20 =	simm.s32 $0x1100;
	s21 =	simm.s32 $0x2100;
	s28 =	simm.s32 $0x8100  }
0x8: {  	s29 =	simm.s32 $0x8900;
	s30 =	simm.s32 $0x9100;
	s31 =	simm.s32 $0x9900  }
0x9: {  	[smem:$0x7FF] =	sst s1;
	s6 =	sand.u32 $0x1, s3;
	s3 =	sadd.s32 $0x2400, s0  }
0xa: {  	s4 =	sadd.s32 $0xE2400, s0;
	_ =	strace $0x8000004A;
	s5 =	sshll.u32 s6, $0x4  }
0xb: {  	s6 =	ssub.s32 $0x2, s6;
	s9 =	sor.u32 s9, s5;
	s5 =	sadd.s32 $0x22400, s0  }
0xc: {  	s10 =	sshrl.u32 s6, $0x1;
	s15 =	sshll.u32 s9, $0xB;
	s9 =	sshll.u32 s9, $0x8  }
0xd: {  	s13 =	ssub.s32 s6, s10;
	s10 =	simm.s32 $0x0;
	s11 =	sshrl.u32 s15, $0x3  }
0xe: {  	s0 =	sadd.s32 s9, s0;
	s6 =	sadd.s32 s2, s9;
	s24 =	sadd.s32 s8, s9  }
0xf: {  	s25 =	sadd.s32 s7, s9;
	s13 =	smax.u32 s13, $0x1;
	[dreg:$0x6] =	wrdreg s24  }
0x10: {  	s22 =	sadd.s32 s2, s11;
	[dreg:$0x7] =	wrdreg s25;
	s26 =	sadd.s32 $0x42400, s0  }
0x11: {  	s11 =	sadd.s32 $0x44400, s0;
	s12 =	sadd.s32 $0x46400, s0;
	s24 =	simm.s32 $0x5100  }
0x12: {  	s25 =	simm.s32 $0x6100;
	s0 =	simm.s32 $0xA100;
	s2 =	simm.s32 $0x0  }
0x13: {  	s23 =	sadd.s32 $0x100, s22;
	[dreg:$0x8] =	wrdreg s26;
	s22 =	simm.s32 $0x3100  }
0x14: {  	v1 =	vimm.f32 $0.0e+00;
	v0 =	vmov s15;
	s26 =	simm.s32 $0x7100;
	[dreg:$0x5] =	wrdreg s23;
	s23 =	simm.s32 $0x4100  }
.LBB2_1:
0x15: {  	[tilespmem:s1], [sflag:$0x2] =	stream.linear.gather [hbm4b:s6+s1], $0x10, $0x38;
	[tilespmem:$0xA900] =	vst v63  }
0x16: {  	_ =	swait.ge [sflag:s14], $0x10  }
0x17: {  	[sflag:s14] =	ssyncset.done $0x0  }
0x18: {  	s8 =	simm.s32 $0x80;
	s7 =	rddreg [dreg:$0x5];
	[sflag:s14] =	ssyncadd.s32 $0xFFFFFFF0  }
0x19: {  	[tilespmem:s8], [sflag:$0x2] =	stream.linear.gather [hbm4b:s7+s1], $0x10, $0x38;
	[tilespmem:$0xA900] =	vst v63  }
0x1a: {  	_ =	swait.ge [sflag:s14], $0x10  }
0x1b: {  	[sflag:s14] =	ssyncset.done $0x0  }
0x1c: {  	[sflag:s14] =	ssyncadd.s32 $0xFFFFFFF0  }
0x1d: {  	v2 =	vld [tilespmem:$0x0]  }
0x1e: {  	v3 =	vld [tilespmem:$0x80];
	[tilespmem:s16], [sflag:$0x2] =	stream.linear.gather [hbm4b:s6+s1], $0x800, $0x38  }
0x1f: {  	_ =	swait.ge [sflag:s14], $0x800  }
0x20: {  	[sflag:s14] =	ssyncset.done $0x0  }
0x21: {  	s17 =	simm.s32 $0x800;
	[sflag:s14] =	ssyncadd.s32 $0xFFFFF800  }
0x22: {  	[tilespmem:s18], [sflag:$0x1] =	stream.indirect.gather [hbm4b:s3+s17], $0x1, s16, s17, $0xb8;
	[tilespmem:$0xA900] =	vst v63  }
0x23: {  	_ =	swait.ge [sflag:s19], $0x800  }
0x24: {  	[sflag:s19] =	ssyncset.done $0x0  }
0x25: {  	s8 =	simm.s32 $0x40;
	s7 =	simm.s32 $0x0;
	[sflag:s19] =	ssyncadd.s32 $0xFFFFF800  }
.LBB2_2:
0x26: {  	p0 =	seq.s32 s8, $0x1FC0;
	[tilespmem:s7+$0xA100] =	vst v1;
	s9 =	smov.u32 s8;
	s8 =	sadd.s32 $0x40, s8  }
.Ltmp0:
0x27: {  	[tilespmem:s7+$0x9900] =	vst v1;
	(pc) =	sbr.rel @!p0 .LBB2_2-.Ltmp0, $4  }
0x28: {  	[tilespmem:s7+$0x9100] =	vst v1  }
0x29: {  	[tilespmem:s7+$0x8100] =	vst v1  }
0x2a: {  	[tilespmem:s7+$0x8900] =	vst v1  }
0x2b: {  	s7 =	sshra.s32 s9, $0x2  }
0x2c: {  	(v2sf) =	vpush v2, $0x0  }
0x2d: {  	(v2sf) =	vpush v3, $0x0;
	_ =	sdelay $0xd  }
0x2e: {  	s17 =	spop (v2sf)  }
0x2f: {  	[tilespmem:s7+$0xA100] =	vst v1;
	s8 =	sshra.s32 s17, $0x1F;
	s9 =	spop (v2sf);
	s15 =	sand.u32 $0xFFF, s17  }
0x30: {  	[tilespmem:s7+$0x9900] =	vst v1;
	p0 =	slt.s32 s17, $0x1;
	s8 =	sshrl.u32 s8, $0x14;
	s9 =	sadd.s32 $0xFFF, s9  }
0x31: {  	[tilespmem:s7+$0x9100] =	vst v1;
	p1 =	sne.s32 s15, $0x0;
	s8 =	sadd.s32 s8, s17;
	s15 =	sand.u32 $0xFFF, s9  }
0x32: {  	[tilespmem:s7+$0x8100] =	vst v1;
	p0 =	por !p0, !p1;
	p6 =	slt.s32 s9, $0x1;
	s17 =	sshra.s32 s9, $0x1F  }
0x33: {  	[tilespmem:s7+$0x8900] =	vst v1;
	p2 =	sne.s32 s15, $0x0;
	s7 =	sshra.s32 s8, $0xC;
	p0 =	por !p0, !p0  }
0x34: {  	s15 =	simm.s32 $0x1;
	s8 =	sshrl.u32 s17, $0x14;
	p1 =	por !p6, !p2  }
0x35: {  	s8 =	sadd.s32 s8, s9;
	s9 =	simm.s32 $0x1;
	p1 =	por !p1, !p1  }
0x36: {  	s15 =	simm.s32 @!p0 $0x0;
	s8 =	sshra.s32 s8, $0xC;
	s9 =	simm.s32 @!p1 $0x0  }
0x37: {  	s15 =	ssub.s32 s7, s15;
	s17 =	ssub.s32 s8, s9  }
0x38: {  	p0 =	slt.s32 s15, s17  }
.Ltmp1:
0x39: {  	_ = 	snop;
	(pc) =	sbr.rel @!p0 .LBB2_7-.Ltmp1, $1  }
0x3a: {  	_ =	sdelay $0x3  }
.LBB2_4:
0x3b: {  	s7 =	sshll.u32 s15, $0xC  }
0x3c: {  	s8 =	sshrl.u32 s7, $0x3  }
0x3d: {  	s9 =	sadd.s32 s5, s8  }
0x3e: {  	[tilespmem:s20], [sflag:$0x1] =	stream.linear.gather [hbm4b:s9+s10], $0x1000, $0x38;
	[tilespmem:$0xA900] =	vst v63  }
0x3f: {  	s9 =	sadd.s32 s3, s8  }
0x40: {  	[tilespmem:s21], [sflag:$0x1] =	stream.linear.gather [hbm4b:s9+s10], $0x1000, $0x38;
	[tilespmem:$0xA900] =	vst v63  }
0x41: {  	s8 =	sadd.s32 s4, s8;
	s9 =	sadd.s32 $0x100000, s7  }
0x42: {  	[tilespmem:s22], [sflag:$0x1] =	stream.linear.gather [hbm4b:s8+s10], $0x1000, $0x38;
	[tilespmem:$0xA900] =	vst v63  }
0x43: {  	s8 =	sshrl.u32 s9, $0x3  }
0x44: {  	s9 =	sadd.s32 $0x200000, s7;
	s8 =	sadd.s32 s4, s8  }
0x45: {  	[tilespmem:s23], [sflag:$0x1] =	stream.linear.gather [hbm4b:s8+s10], $0x1000, $0x38;
	[tilespmem:$0xA900] =	vst v63  }
0x46: {  	s8 =	sshrl.u32 s9, $0x3  }
0x47: {  	s9 =	sadd.s32 $0x300000, s7;
	s8 =	sadd.s32 s4, s8  }
0x48: {  	[tilespmem:s24], [sflag:$0x1] =	stream.linear.gather [hbm4b:s8+s10], $0x1000, $0x38;
	[tilespmem:$0xA900] =	vst v63  }
0x49: {  	s7 =	sadd.s32 $0x400000, s7;
	s8 =	sshrl.u32 s9, $0x3  }
0x4a: {  	s7 =	sshrl.u32 s7, $0x3;
	s8 =	sadd.s32 s4, s8  }
0x4b: {  	[tilespmem:s25], [sflag:$0x1] =	stream.linear.gather [hbm4b:s8+s10], $0x1000, $0x38;
	[tilespmem:$0xA900] =	vst v63  }
0x4c: {  	s7 =	sadd.s32 s4, s7  }
0x4d: {  	[tilespmem:s26], [sflag:$0x1] =	stream.linear.gather [hbm4b:s7+s10], $0x1000, $0x38;
	[tilespmem:$0xA900] =	vst v63  }
0x4e: {  	_ =	swait.ge [sflag:s19], $0x1000  }
0x4f: {  	[sflag:s19] =	ssyncset.done $0x0  }
0x50: {  	[sflag:s19] =	ssyncadd.s32 $0xFFFFF000  }
0x51: {  	_ =	swait.ge [sflag:s19], $0x1000  }
0x52: {  	[sflag:s19] =	ssyncset.done $0x0  }
0x53: {  	[sflag:s19] =	ssyncadd.s32 $0xFFFFF000  }
0x54: {  	_ =	swait.ge [sflag:s19], $0x1000  }
0x55: {  	[sflag:s19] =	ssyncset.done $0x0  }
0x56: {  	[sflag:s19] =	ssyncadd.s32 $0xFFFFF000  }
0x57: {  	_ =	swait.ge [sflag:s19], $0x1000  }
0x58: {  	[sflag:s19] =	ssyncset.done $0x0  }
0x59: {  	[sflag:s19] =	ssyncadd.s32 $0xFFFFF000  }
0x5a: {  	_ =	swait.ge [sflag:s19], $0x1000  }
0x5b: {  	[sflag:s19] =	ssyncset.done $0x0  }
0x5c: {  	[sflag:s19] =	ssyncadd.s32 $0xFFFFF000  }
0x5d: {  	_ =	swait.ge [sflag:s19], $0x1000  }
0x5e: {  	[sflag:s19] =	ssyncset.done $0x0  }
0x5f: {  	[sflag:s19] =	ssyncadd.s32 $0xFFFFF000  }
0x60: {  	_ =	swait.ge [sflag:s19], $0x1000  }
0x61: {  	[sflag:s19] =	ssyncset.done $0x0  }
0x62: {  	s9 =	simm.s32 $0x0;
	[sflag:s19] =	ssyncadd.s32 $0xFFFFF000  }
0x63: {  	v2 =	vld [tilespmem:s9+$0x1100];
	_ =	sdelay $0x4  }
0x64: {  	v2 =	vsub.s32 v2, v0  }
0x65: {  	vm0 =	vlt.u32 v2, $0x800  }
0x66: {  	v2 =	vnsel vm0, $0x0, v2;
	_ =	sdelay $0x3  }
0x67: {  	v4 =	vld [tilespmem:s9+$0x2100]  }
0x68: {  	v3 =	vld.idx.msk [tilespmem:v2+s18+$0x0], $0xffff;
	_ =	sdelay $0x4  }
0x69: {  	v3 =	vsub.f32 v4, v3;
	_ =	sdelay $0x1  }
0x6a: {  	v3 =	vmul.f32 $1.442695020e+00, v3;
	_ =	sdelay $0x1  }
0x6b: {  	(erf) = vpow2.f32 v3;
	_ =	sdelay $0x4  }
0x6c: {  	v3 =	vld [tilespmem:s9+$0x3100];
	_ =	sdelay $0x3  }
0x6d: {  	v4 =	vpop (erf)  }
0x6e: {  	v3 =	vmul.f32 v4, v3;
	_ =	sdelay $0x1  }
0x6f: {  	[tilespmem:v2+s28+$0x0] =	vst.idx.add.f32.msk vm0, v3  }
0x70: {  	v3 =	vld [tilespmem:s9+$0x4100];
	_ =	sdelay $0x4  }
0x71: {  	v3 =	vmul.f32 v4, v3;
	_ =	sdelay $0x1  }
0x72: {  	[tilespmem:v2+s29+$0x0] =	vst.idx.add.f32.msk vm0, v3  }
0x73: {  	v3 =	vld [tilespmem:s9+$0x5100];
	_ =	sdelay $0x4  }
0x74: {  	v3 =	vmul.f32 v3, v4;
	_ =	sdelay $0x1  }
0x75: {  	[tilespmem:v2+s30+$0x0] =	vst.idx.add.f32.msk vm0, v3  }
0x76: {  	v3 =	vld [tilespmem:s9+$0x6100];
	_ =	sdelay $0x4  }
0x77: {  	v3 =	vmul.f32 v3, v4;
	_ =	sdelay $0x1  }
0x78: {  	[tilespmem:v2+s31+$0x0] =	vst.idx.add.f32.msk vm0, v3  }
0x79: {  	v3 =	vld [tilespmem:s9+$0x7100];
	_ =	sdelay $0x4  }
0x7a: {  	s8 =	simm.s32 $0x80;
	s7 =	simm.s32 $0x40;
	v3 =	vmul.f32 v3, v4  }
.LBB2_5:
0x7b: {  	p0 =	sne.s32 s8, $0x3FC0  }
0x7c: {  	s9 =	sshra.s32 s7, $0x2;
	s7 =	smov.u32 s8;
	s8 =	sadd.s32 $0x40, s8;
	[tilespmem:v2+s0+$0x0] =	vst.idx.add.f32.msk vm0, v3  }
0x7d: {  	v2 =	vld [tilespmem:s9+$0x1100];
	_ =	sdelay $0x4  }
0x7e: {  	v2 =	vsub.s32 v2, v0  }
0x7f: {  	vm0 =	vlt.u32 v2, $0x800  }
0x80: {  	v2 =	vnsel vm0, $0x0, v2;
	_ =	sdelay $0x4  }
0x81: {  	v3 =	vld.idx.msk [tilespmem:v2+s18+$0x0], $0xffff  }
0x82: {  	v4 =	vld [tilespmem:s9+$0x2100];
	_ =	sdelay $0x4  }
0x83: {  	v3 =	vsub.f32 v4, v3;
	_ =	sdelay $0x1  }
0x84: {  	v3 =	vmul.f32 $1.442695020e+00, v3;
	_ =	sdelay $0x1  }
0x85: {  	(erf) = vpow2.f32 v3;
	_ =	sdelay $0x4  }
0x86: {  	v3 =	vld [tilespmem:s9+$0x3100];
	_ =	sdelay $0x3  }
0x87: {  	v4 =	vpop (erf)  }
0x88: {  	v3 =	vmul.f32 v4, v3;
	_ =	sdelay $0x1  }
0x89: {  	[tilespmem:v2+s28+$0x0] =	vst.idx.add.f32.msk vm0, v3  }
0x8a: {  	v3 =	vld [tilespmem:s9+$0x4100];
	_ =	sdelay $0x4  }
0x8b: {  	v3 =	vmul.f32 v4, v3;
	_ =	sdelay $0x1  }
0x8c: {  	[tilespmem:v2+s29+$0x0] =	vst.idx.add.f32.msk vm0, v3  }
0x8d: {  	v3 =	vld [tilespmem:s9+$0x5100];
	_ =	sdelay $0x4  }
0x8e: {  	v3 =	vmul.f32 v3, v4;
	_ =	sdelay $0x1  }
0x8f: {  	[tilespmem:v2+s30+$0x0] =	vst.idx.add.f32.msk vm0, v3  }
0x90: {  	v3 =	vld [tilespmem:s9+$0x6100];
	_ =	sdelay $0x4  }
0x91: {  	v3 =	vmul.f32 v3, v4;
	_ =	sdelay $0x1  }
0x92: {  	[tilespmem:v2+s31+$0x0] =	vst.idx.add.f32.msk vm0, v3  }
0x93: {  	v3 =	vld [tilespmem:s9+$0x7100]  }
.Ltmp2:
0x94: {  	(pc) =	sbr.rel @p0 .LBB2_5-.Ltmp2, $2  }
0x95: {  	_ =	sdelay $0x2  }
0x96: {  	v3 =	vmul.f32 v3, v4  }
0x97: {  	_ =	sdelay $0x4  }
0x98: {  	s7 =	sshra.s32 s7, $0x2;
	[tilespmem:v2+s0+$0x0] =	vst.idx.add.f32.msk vm0, v3  }
0x99: {  	v2 =	vld [tilespmem:s7+$0x1100];
	_ =	sdelay $0x4  }
0x9a: {  	v2 =	vsub.s32 v2, v0  }
0x9b: {  	vm15 =	vlt.u32 v2, $0x800  }
0x9c: {  	v2 =	vnsel vm15, $0x0, v2;
	_ =	sdelay $0x3  }
0x9d: {  	v4 =	vld [tilespmem:s7+$0x2100]  }
0x9e: {  	v3 =	vld.idx.msk [tilespmem:v2+s18+$0x0], $0xffff;
	_ =	sdelay $0x4  }
0x9f: {  	v3 =	vsub.f32 v4, v3;
	_ =	sdelay $0x1  }
0xa0: {  	v3 =	vmul.f32 $1.442695020e+00, v3;
	_ =	sdelay $0x1  }
0xa1: {  	(erf) = vpow2.f32 v3;
	_ =	sdelay $0x4  }
0xa2: {  	v3 =	vld [tilespmem:s7+$0x3100];
	_ =	sdelay $0x3  }
0xa3: {  	v63 =	vpop (erf)  }
0xa4: {  	v3 =	vmul.f32 v63, v3;
	_ =	sdelay $0x1  }
0xa5: {  	[tilespmem:v2+s28+$0x0] =	vst.idx.add.f32.msk vm15, v3  }
0xa6: {  	v3 =	vld [tilespmem:s7+$0x4100];
	_ =	sdelay $0x4  }
0xa7: {  	v3 =	vmul.f32 v63, v3;
	_ =	sdelay $0x1  }
0xa8: {  	[tilespmem:v2+s29+$0x0] =	vst.idx.add.f32.msk vm15, v3  }
0xa9: {  	v3 =	vld [tilespmem:s7+$0x5100];
	_ =	sdelay $0x4  }
0xaa: {  	v3 =	vmul.f32 v3, v63;
	_ =	sdelay $0x1  }
0xab: {  	[tilespmem:v2+s30+$0x0] =	vst.idx.add.f32.msk vm15, v3  }
0xac: {  	v3 =	vld [tilespmem:s7+$0x6100];
	_ =	sdelay $0x4  }
0xad: {  	v3 =	vmul.f32 v3, v63;
	_ =	sdelay $0x1  }
0xae: {  	[tilespmem:v2+s31+$0x0] =	vst.idx.add.f32.msk vm15, v3  }
0xaf: {  	v3 =	vld [tilespmem:s7+$0x7100]  }
0xb0: {  	s15 =	sadd.s32 $0x1, s15  }
0xb1: {  	p0 =	slt.s32 s15, s17  }
.Ltmp3:
0xb2: {  	_ = 	snop;
	(pc) =	sbr.rel @p0 .LBB2_4-.Ltmp3, $3  }
0xb3: {  	_ = 	snop  }
0xb4: {  	v3 =	vmul.f32 v3, v63;
	_ =	sdelay $0x1  }
0xb5: {  	[tilespmem:v2+s0+$0x0] =	vst.idx.add.f32.msk vm15, v3  }
.LBB2_7:
0xb6: {  	s7 =	simm.s32 $0x0  }
0xb7: {  	v2 =	vld [tilespmem:s7+$0x9100]  }
0xb8: {  	s8 =	simm.s32 $0x40;
	v3 =	vld [tilespmem:s7+$0x9900]  }
.LBB2_8:
0xb9: {  	p0 =	sne.s32 s8, $0x1FC0;
	v4 =	vld [tilespmem:s7+$0xA100];
	_ =	sdelay $0x2  }
.Ltmp4:
0xba: {  	v2 =	vadd.f32 $1.000000000e+00, v2;
	(pc) =	sbr.rel @p0 .LBB2_8-.Ltmp4, $4  }
0xbb: {  	v3 =	vadd.f32 $1.000000000e+00, v3  }
0xbc: {  	s9 =	sshra.s32 s8, $0x2;
	[tilespmem:s7+$0x9100] =	vst v2;
	v4 =	vadd.f32 $1.000000000e+00, v4  }
0xbd: {  	v2 =	vld [tilespmem:s9+$0x9100];
	[tilespmem:s7+$0x9900] =	vst v3  }
0xbe: {  	s8 =	sadd.s32 $0x40, s8;
	v3 =	vld [tilespmem:s9+$0x9900];
	[tilespmem:s7+$0xA100] =	vst v4;
	s7 =	smov.u32 s9  }
0xbf: {  	v4 =	vld [tilespmem:s7+$0xA100];
	_ =	sdelay $0x2  }
0xc0: {  	v2 =	vadd.f32 $1.000000000e+00, v2  }
0xc1: {  	v3 =	vadd.f32 $1.000000000e+00, v3  }
0xc2: {  	[tilespmem:s7+$0x9100] =	vst v2;
	v2 =	vadd.f32 $1.000000000e+00, v4  }
0xc3: {  	[tilespmem:s7+$0x9900] =	vst v3  }
0xc4: {  	s9 =	rddreg [dreg:$0x6];
	[tilespmem:s7+$0xA100] =	vst v2  }
0xc5: {  	[hbm4b:s9+s1] =	stream.linear.scatter [tilespmem:s28], [sflag:$0x2], $0x800, $0x38;
	[tilespmem:$0xA900] =	vst v63  }
0xc6: {  	_ =	swait.ge [sflag:s14], $0x800  }
0xc7: {  	[sflag:s14] =	ssyncset.done $0x0  }
0xc8: {  	s15 =	rddreg [dreg:$0x7];
	[sflag:s14] =	ssyncadd.s32 $0xFFFFF800  }
0xc9: {  	[hbm4b:s15+s1] =	stream.linear.scatter [tilespmem:s29], [sflag:$0x2], $0x800, $0x38;
	[tilespmem:$0xA900] =	vst v63  }
0xca: {  	_ =	swait.ge [sflag:s14], $0x800  }
0xcb: {  	[sflag:s14] =	ssyncset.done $0x0  }
0xcc: {  	s17 =	rddreg [dreg:$0x8];
	[sflag:s14] =	ssyncadd.s32 $0xFFFFF800  }
0xcd: {  	[hbm4b:s17+s1] =	stream.linear.scatter [tilespmem:s30], [sflag:$0x2], $0x800, $0x38;
	[tilespmem:$0xA900] =	vst v63  }
0xce: {  	_ =	swait.ge [sflag:s14], $0x800  }
0xcf: {  	[sflag:s14] =	ssyncset.done $0x0  }
0xd0: {  	[sflag:s14] =	ssyncadd.s32 $0xFFFFF800  }
0xd1: {  	[hbm4b:s11+s1] =	stream.linear.scatter [tilespmem:s31], [sflag:$0x2], $0x800, $0x38;
	[tilespmem:$0xA900] =	vst v63  }
0xd2: {  	s2 =	sadd.s32 $0x1, s2;
	_ =	swait.ge [sflag:s14], $0x800  }
0xd3: {  	p0 =	sne.s32 s2, s13;
	[sflag:s14] =	ssyncset.done $0x0  }
.Ltmp5:
0xd4: {  	[sflag:s14] =	ssyncadd.s32 $0xFFFFF800;
	(pc) =	sbr.rel @p0 .LBB2_1-.Ltmp5, $4  }
0xd5: {  	[hbm4b:s12+s1] =	stream.linear.scatter [tilespmem:s0], [sflag:$0x2], $0x800, $0x38;
	[tilespmem:$0xA900] =	vst v63  }
0xd6: {  	_ =	swait.ge [sflag:s14], $0x800  }
0xd7: {  	[sflag:s14] =	ssyncset.done $0x0  }
0xd8: {  	[sflag:s14] =	ssyncadd.s32 $0xFFFFF800  }
0xd9: {  	_ =	sfence.sel $0x180000  }
0xda: {  	[bflag:$0x0] =	sbarrier.arrive $0xFFFF  }
0xdb: {  	_ =	strace $0x9000004A  }
0xdc: {  	s0 =	stileid.u32;
	[bflag:$0x2] =	sbarrier.arrive $0xFFFF  }
0xdd: {  	p0 =	sne.s32 s0, $0x0;
	s0 =	rddreg [dreg:$0x4]  }
0xde: {  	s0 =	sadd.s32 @!p0 $0x100000, s0  }
0xdf: {  	[sflag:s0] =	ssyncadd.tile.s32 @!p0 $0x1;
	_ =	shalt  }
.Lfunc_end2:
_tile_overlayer_lowered:
.L_overlay_start_2:
0xe0: {  	(tag) =	ssettag $0x2  }
0xe1: {  	s0 =	rddreg [dreg:$0x0];
	s2 =	stileid.u32  }
0xe2: {  	s1 =	rddreg [dreg:$0x1];
	p0 =	sne.s32 s2, $0x0  }
0xe3: {  	s3 =	rddreg [dreg:$0x2];
	[bflag:$0x3] =	sbarrier.arrive $0xFFFF;
	s2 =	simm.s32 @!p0 $0x1C02  }
0xe4: {  	[timem:s3], [sflag:s2] =	dma.local @!p0 [hbm:s0], s1  }
0xe5: {  	s0 =	simm.s32 @!p0 $0x2  }
0xe6: {  	_ =	swait.ge @!p0 [sflag:s0], s1  }
0xe7: {  	s1 =	ssub.s32 @!p0 $0x0, s1;
	[sflag:s0] =	ssyncset.done @!p0 $0x0  }
0xe8: {  	[sflag:s0] =	ssyncadd.s32 @!p0 s1  }
0xe9: {  	[bflag:$0x3] =	sbarrier.arrive $0xFFFF  }
0xea: {  	_ =	shalt  }

// kernel: kernel.7.cloned.1.call-start
scs
__scs_entry_jumppad:
0x0: {  	(pc) =	sbr.rel $0x88, $3  }
0x1: {  	(tag) =	ssettag $0x0;
	lr =	simm.s32 $0x1  }
0x2: {  	[smem:$0x3F9B] =	sst lr;
	_ =	strace $0xD0000000  }
0x3: {  	_ = 	snop  }
0x4: {  	_ = 	snop  }
0x5: {  	_ = 	snop  }
0x6: {  	_ = 	snop  }
0x7: {  	_ = 	snop  }
__scs_overlays_trampoline_lowered:
0x8: {  	[smem:$0x3FAA] =	sst s0  }
0x9: {  	[smem:$0x3FAB] =	sst s1  }
0xa: {  	[smem:$0x3FAC] =	sst s2  }
0xb: {  	[smem:$0x3FAD] =	sst s3  }
0xc: {  	[smem:$0x3FAE] =	sst s4  }
0xd: {  	[smem:$0x3FAF] =	sst s5  }
0xe: {  	[smem:$0x3FB0] =	sst s6  }
0xf: {  	[smem:$0x3FB1] =	sst s7  }
0x10: {  	[smem:$0x3FB2] =	sst s8  }
0x11: {  	[smem:$0x3FB3] =	sst s9;
	s0 =	simm.s32 @!p0 $0x0  }
0x12: {  	s1 =	sld [smem:$0x3F99];
	s0 =	simm.s32 @p0 $0x1  }
0x13: {  	[smem:$0x3FB4] =	sst s0;
	s0 =	simm.s32 @!p1 $0x0  }
0x14: {  	s2 =	sld [smem:$0x3F98];
	s0 =	simm.s32 @p1 $0x1  }
0x15: {  	[smem:$0x3FB5] =	sst s0;
	s0 =	simm.s32 @!p2 $0x0  }
0x16: {  	s3 =	sld [smem:$0x3FDB];
	s0 =	simm.s32 @p2 $0x1  }
0x17: {  	s4 =	simm.s32 $0x1BF5;
	[smem:$0x3FB7] =	sst s0  }
0x18: {  	s0 =	sld [smem:$0x3F9A];
	_ =	swait.ge [sflag:s4], $0x0  }
0x19: {  	s7 =	sld [smem:$0x3F9B]  }
0x1a: {  	s8 =	sadd.s32 $0xFFFFE003, lr  }
0x1b: {  	s9 =	sadd.s32 $0xFFFFFEF7, lr;
	s5 =	simm.s32 $0xFFFFFFFF;
	p2 =	slt.u32 s8, $0xFFFFF086  }
0x1c: {  	p1 =	slt.u32 s9, $0xF7A;
	s5 =	simm.s32 @!p2 $0x0  }
0x1d: {  	s5 =	simm.s32 @p1 $0x1;
	p0 =	seq.s32 s7, s2  }
0x1e: {  	s7 =	smul.u32 @!p0 $0xF7A, s2;
	p2 =	seq.s32 @!p0 s5, $0x0  }
0x1f: {  	s9 =	smul.u32 $0xF7A, s1;
	s8 =	simm.s32 @!p0 $0x1BF5;
	p2 =	por !p2, p0  }
0x20: {  	[sflag:s8] =	ssyncset.s32 @!p0 $0xFFFFF086;
	s6 =	sadd.s32 @!p0 s3, s7;
	s7 =	simm.s32 @!p0 $0x108  }
0x21: {  	s3 =	sadd.s32 s3, s9;
	s6 =	sadd.s32 @!p0 $0x88, s6;
	s7 =	simm.s32 @p2 $0x1082  }
0x22: {  	[simem:s7], [sflag:s8] =	dma.local @!p0 [hbm:s6], $0xF7A  }
0x23: {  	s9 =	sor.u32 $0xD0000000, s2;
	s6 =	simm.s32 $0x108;
	_ =	swait.ge @!p0 [sflag:s8], $0x0  }
0x24: {  	s3 =	sadd.s32 $0x88, s3;
	s6 =	simm.s32 @!p1 $0x1082;
	[sflag:s4] =	ssyncset.s32 $0xFFFFF086  }
0x25: {  	[simem:s6], [sflag:s4] =	dma.local [hbm:s3], $0xF7A  }
0x26: {  	[smem:$0x3F9B] =	sst s1;
	(tag) =	ssettag s2;
	_ =	strace s9  }
0x27: {  	s1 =	sld [smem:$0x3FAB]  }
0x28: {  	s2 =	sld [smem:$0x3FAC]  }
0x29: {  	s4 =	sld [smem:$0x3FAE]  }
0x2a: {  	p0 =	seq.s32 s5, $0x0;
	s5 =	sld [smem:$0x3FAF]  }
0x2b: {  	s6 =	sld [smem:$0x3FB0]  }
0x2c: {  	s7 =	sld [smem:$0x3FB1]  }
0x2d: {  	s3 =	simm.s32 $0x108;
	s8 =	sld [smem:$0x3FB2]  }
0x2e: {  	s3 =	simm.s32 @!p0 $0x1082;
	s9 =	sld [smem:$0x3FB3]  }
0x2f: {  	lr =	sadd.s32 s0, s3;
	s0 =	sld [smem:$0x3FAA]  }
0x30: {  	s3 =	sld [smem:$0x3FAD]  }
0x31: {  	[smem:$0x3FB6] =	sst s10  }
0x32: {  	s10 =	sld [smem:$0x3FB4];
	_ =	sdelay $0x3  }
0x33: {  	p0 =	seq.s32 s10, $0x1;
	s10 =	sld [smem:$0x3FB6];
	_ =	sdelay $0x3  }
0x34: {  	[smem:$0x3FB6] =	sst s10  }
0x35: {  	s10 =	sld [smem:$0x3FB5];
	_ =	sdelay $0x3  }
0x36: {  	p1 =	seq.s32 s10, $0x1;
	s10 =	sld [smem:$0x3FB6];
	_ =	sdelay $0x3  }
0x37: {  	[smem:$0x3FB6] =	sst s10  }
0x38: {  	s10 =	sld [smem:$0x3FB7]  }
0x39: {  	_ = 	snop;
	(pc) =	sbr.ind lr, $3  }
0x3a: {  	_ = 	snop  }
0x3b: {  	_ = 	snop  }
0x3c: {  	p2 =	seq.s32 s10, $0x1;
	s10 =	sld [smem:$0x3FB6]  }
0x3d: {  	_ =	shalt  }
0x3e: {  	_ =	shalt  }
0x3f: {  	_ =	shalt  }
0x40: {  	_ =	shalt  }
0x41: {  	_ =	shalt  }
0x42: {  	_ =	shalt  }
0x43: {  	_ =	shalt  }
0x44: {  	_ =	shalt  }
0x45: {  	_ =	shalt  }
0x46: {  	_ =	shalt  }
0x47: {  	_ =	shalt  }
0x48: {  	_ =	shalt  }
0x49: {  	_ =	shalt  }
0x4a: {  	_ =	shalt  }
0x4b: {  	_ =	shalt  }
0x4c: {  	_ =	shalt  }
0x4d: {  	_ =	shalt  }
0x4e: {  	_ =	shalt  }
0x4f: {  	_ =	shalt  }
0x50: {  	_ =	shalt  }
0x51: {  	_ =	shalt  }
0x52: {  	_ =	shalt  }
0x53: {  	_ =	shalt  }
0x54: {  	_ =	shalt  }
0x55: {  	_ =	shalt  }
0x56: {  	_ =	shalt  }
0x57: {  	_ =	shalt  }
0x58: {  	_ =	shalt  }
0x59: {  	_ =	shalt  }
0x5a: {  	_ =	shalt  }
0x5b: {  	_ =	shalt  }
0x5c: {  	_ =	shalt  }
0x5d: {  	_ =	shalt  }
0x5e: {  	_ =	shalt  }
0x5f: {  	_ =	shalt  }
0x60: {  	_ =	shalt  }
0x61: {  	_ =	shalt  }
0x62: {  	_ =	shalt  }
0x63: {  	_ =	shalt  }
0x64: {  	_ =	shalt  }
0x65: {  	_ =	shalt  }
0x66: {  	_ =	shalt  }
0x67: {  	_ =	shalt  }
0x68: {  	_ =	shalt  }
0x69: {  	_ =	shalt  }
0x6a: {  	_ =	shalt  }
0x6b: {  	_ =	shalt  }
0x6c: {  	_ =	shalt  }
0x6d: {  	_ =	shalt  }
0x6e: {  	_ =	shalt  }
0x6f: {  	_ =	shalt  }
0x70: {  	_ =	shalt  }
0x71: {  	_ =	shalt  }
0x72: {  	_ =	shalt  }
0x73: {  	_ =	shalt  }
0x74: {  	_ =	shalt  }
0x75: {  	_ =	shalt  }
0x76: {  	_ =	shalt  }
0x77: {  	_ =	shalt  }
0x78: {  	_ =	shalt  }
0x79: {  	_ =	shalt  }
0x7a: {  	_ =	shalt  }
0x7b: {  	_ =	shalt  }
0x7c: {  	_ =	shalt  }
0x7d: {  	_ =	shalt  }
0x7e: {  	_ =	shalt  }
0x7f: {  	_ =	shalt  }
0x80: {  	_ =	shalt  }
0x81: {  	_ =	shalt  }
0x82: {  	_ =	shalt  }
0x83: {  	_ =	shalt  }
0x84: {  	_ =	shalt  }
0x85: {  	_ =	shalt  }
0x86: {  	_ =	shalt  }
0x87: {  	_ =	shalt  }
.Lfunc_end0:
.L_simem_size_0:
called_computation_lowered:
.L_overlay_start_0:
0x88: {  	s2 =	sld [smem:$0x3FD9]  }
0x89: {  	s3 =	sld [smem:$0x3FFE];
	_ =	sdelay $0x1  }
0x8a: {  	s1 =	srdreg.scid  }
0x8b: {  	s0 =	sand.u32 $0x1, s1  }
0x8c: {  	s14 =	sshll.u32 s0, $0xA;
	s2 =	sadd.s32 s3, s2  }
0x8d: {  	s2 =	sadd.s32 s2, s14  }
0x8e: {  	[smem:$0x3FC2] =	sst s2  }
0x8f: {  	_ = 	snop  }
0x90: {  	s2 =	sld [smem:$0x3FD0];
	_ =	sdelay $0x2  }
0x91: {  	s15 =	simm.s32 $0xA;
	s4 =	simm.s32 $0x10  }
0x92: {  	[smem:s4], [sflag:s15] =	dma.local [hbm:s2], $0x1  }
0x93: {  	_ =	swait.eq [sflag:s15], $0x1  }
0x94: {  	[sflag:s15] =	ssyncset.done $0x0  }
0x95: {  	[sflag:s15] =	ssyncadd.s32 $0xFFFFFFFF  }
0x96: {  	s16 =	sld [smem:$0x10];
	(tm) =	ssettm $0x1  }
0x97: {  	s17 =	sld [smem:$0x3FFB];
	_ =	sdelay $0x3  }
0x98: {  	_ =	strace s17  }
0x99: {  	s3 =	sld [smem:$0x3FFC];
	_ =	sdelay $0x3  }
0x9a: {  	_ =	strace s3  }
0x9b: {  	s3 =	sld [smem:$0x3FFD];
	_ =	sdelay $0x3  }
0x9c: {  	_ =	strace s3  }
0x9d: {  	_ =	strace $0x8FFFFFFF  }
0x9e: {  	s18 =	sld [smem:$0x3FDB];
	_ =	sdelay $0x1  }
0x9f: {  	s19 =	simm.s32 $_scs_section_size  }
0xa0: {  	s5 =	simm.s32 $_size__tile_overlayer_lowered;
	s6 =	simm.s32 $_tile_overlayer_lowered  }
0xa1: {  	s22 =	simm.s32 $0x1BFF;
	s21 =	sshll.u32 s6, $0x1;
	s3 =	sadd.s32 s19, s18  }
0xa2: {  	s7 =	simm.s32 $0x0;
	s20 =	sshll.u32 s5, $0x1;
	s5 =	sadd.s32 s21, s3  }
0xa3: {  	[timem:s7], [sflag:s22] =	dma.local [hbm:s5], s20  }
0xa4: {  	_ =	swait.ge [sflag:s22], s20  }
0xa5: {  	s4 =	ssub.s32 $0x0, s20;
	[sflag:s22] =	ssyncset.done $0x0  }
0xa6: {  	[sflag:s22] =	ssyncadd.s32 s4;
	_ =	sdelay $0x1  }
0xa7: {  	s23 =	simm.s32 $0x1B8B  }
0xa8: {  	_ =	swait.ge [sflag:s23], $0x1  }
0xa9: {  	[sflag:s23] =	ssyncset.done $0x0  }
0xaa: {  	s25 =	simm.s32 $0x1B8E;
	s24 =	sld [smem:$0x3FFE];
	[sflag:s23] =	ssyncadd.s32 $0xFFFFFFFF  }
0xab: {  	s26 =	simm.s32 $execute0_lowered;
	[smem:$0x3FD2] =	sst s25  }
0xac: {  	s5 =	sshll.u32 s26, $0x1;
	_ =	strace $0x80000046;
	[dreg:$0x1] =	wrdreg $0xFFFFFFFF  }
0xad: {  	s28 =	simm.s32 $_size_execute0_lowered;
	s3 =	sadd.s32 s3, s5;
	[dreg:$0x0] =	wrdreg $0x0  }
0xae: {  	s5 =	sshll.u32 s28, $0x1;
	[dreg:$0x2] =	wrdreg s3  }
0xaf: {  	[dreg:$0x3] =	wrdreg s5  }
0xb0: {  	[dreg:$0x4] =	wrdreg $0xC0  }
0xb1: {  	_ =	task [dreg:s7], $0x5FFFF  }
0xb2: {  	[dreg:$0x1] =	wrdreg $0xFFFFFFFF  }
0xb3: {  	[dreg:$0x0] =	wrdreg $0x60  }
0xb4: {  	[dreg:$0x2] =	wrdreg s16  }
0xb5: {  	[dreg:$0x3] =	wrdreg s24  }
0xb6: {  	[dreg:$0x4] =	wrdreg $0xB0000  }
0xb7: {  	[dreg:$0x5] =	wrdreg $0x9  }
0xb8: {  	_ =	task.clear_ibuf [dreg:s7], $0x6FFFF;
	_ =	strace $0x90000046  }
0xb9: {  	s29 =	simm.s32 $0x9;
	_ =	strace $0x80000048  }
0xba: {  	_ =	swait.ge [sflag:s29], $0x1  }
0xbb: {  	[sflag:s29] =	ssyncadd.s32 $0xFFFFFFFF  }
0xbc: {  	_ =	strace $0x90000048  }
0xbd: {  	_ =	sfence  }
0xbe: {  	s30 =	sld [smem:$0x0];
	_ =	sdelay $0x2  }
0xbf: {  	s31 =	sshll.u32 s1, $0xD;
	s1 =	sshrl.u32 s1, $0x2  }
0xc0: {  	s3 =	sand.u32 $0x4000, s31;
	s1 =	sadd.s32 s1, s30  }
0xc1: {  	s0 =	sor.u32 s3, s0;
	s1 =	sshll.u32 s1, $0x11  }
0xc2: {  	s0 =	sor.u32 s1, s0  }
0xc3: {  	s0 =	sadd.s32 $0x8F2B, s0  }
0xc4: {  	[sflag:s0] =	ssyncadd.remote.s32 $0x1  }
0xc5: {  	_ =	sfence.sel $0xFFFF  }
0xc6: {  	[dreg:$0x0] =	wrdreg $0xFFFFFFFF;
	(pc) =	sbr.abs _section_cstart, $3  }
0xc7: {  	[dreg:$0x1] =	wrdreg $0xFFFFFFFF  }
0xc8: {  	_ =	task.clear_ibuf [dreg:s7], $0x2FFFF;
	_ =	strace $0x9FFFFFFF  }
0xc9: {  	(tm) =	ssettm $0x7FFFFFFF  }
tec
execute0_lowered:
.L_overlay_start_1:
0x0: {  	(tag) =	ssettag $0x1  }
0x1: {  	s5 =	rddreg [dreg:$0x0]  }
0x2: {  	s0 =	srdreg.scid;
	s3 =	rddreg [dreg:$0x1]  }
0x3: {  	s11 =	stileid.u32;
	s1 =	rddreg [dreg:$0x2]  }
0x4: {  	s2 =	simm.s32 $0x0;
	s9 =	simm.s32 $0x1;
	s10 =	simm.s32 $0x1000  }
0x5: {  	s4 =	sand.u32 $0x1, s0;
	s6 =	sshll.u32 s11, $0xF;
	s0 =	rddreg [dreg:$0x3]  }
0x6: {  	[smem:$0x7FF] =	sst s2;
	s31 =	sshll.u32 s11, $0x9;
	p0 =	sne.s32 s11, $0x0  }
0x7: {  	s13 =	sshll.u32 s11, $0x6;
	s11 =	simm.s32 $0x2000;
	s12 =	sshll.u32 s4, $0x13  }
0x8: {  	s4 =	ssub.s32 $0x2, s4;
	_ =	strace $0x80000047;
	s7 =	sor.u32 s6, s12  }
0x9: {  	s5 =	sadd.s32 s5, s31;
	s30 =	sshrl.u32 s4, $0x1;
	s7 =	sshrl.u32 s7, $0x3  }
0xa: {  	v0 =	vmov s12;
	s12 =	sor.u32 $0x1C01, s13;
	s8 =	ssub.s32 s4, s30;
	s7 =	sadd.s32 s7, s3  }
0xb: {  	s4 =	sadd.s32 $0x80000, s1;
	s3 =	sadd.s32 s6, s1;
	s6 =	sadd.s32 $0x2400, s7  }
0xc: {  	v1 =	vimm.s32 $0x0;
	v2 =	vimm.s32 $0x1;
	s7 =	smax.u32 s8, $0x1;
	s8 =	simm.s32 $0x3000;
	s13 =	sshrl.u32 s3, $0x3  }
.LBB2_1:
0xd: {  	s14 =	simm.s32 $0x0  }
.LBB2_2:
0xe: {  	p1 =	sne.s32 s14, $0x1FFC0  }
.Ltmp0:
0xf: {  	_ = 	snop;
	(pc) =	sbr.rel @p1 .LBB2_2-.Ltmp0, $3  }
0x10: {  	_ =	sdelay $0x1  }
0x11: {  	s15 =	sshra.s32 s14, $0x2  }
0x12: {  	s14 =	sadd.s32 $0x40, s14;
	[tilespmem:s15+$0x3000] =	vst v1  }
0x13: {  	s14 =	simm.s32 $0x40;
	s15 =	simm.s32 $0x0  }
.LBB2_4:
0x14: {  	p1 =	sne.s32 s14, $0x3FC0;
	[tilespmem:s15+$0x2000] =	vst v2;
	s15 =	smov.u32 s14;
	s14 =	sadd.s32 $0x40, s14  }
.Ltmp1:
0x15: {  	(pc) =	sbr.rel @p1 .LBB2_4-.Ltmp1, $2  }
0x16: {  	_ =	sdelay $0x2  }
0x17: {  	s15 =	sshra.s32 s15, $0x2  }
0x18: {  	[tilespmem:s15+$0x2000] =	vst v2  }
0x19: {  	[spmem:s3] =	stream.linear.scatter [tilespmem:s8], [sflag:$0x1], $0x8000, $0x38;
	[tilespmem:$0x13010] =	vst v63  }
0x1a: {  	_ =	swait.ge [sflag:s9], $0x8000  }
0x1b: {  	[sflag:s9] =	ssyncset.done $0x0  }
0x1c: {  	s14 =	simm.s32 @!p0 $0x3000;
	[sflag:s9] =	ssyncadd.s32 $0xFFFF8000  }
0x1d: {  	[spmem:s4] =	stream.linear.scatter @!p0 [tilespmem:s14], [sflag:$0x1], $0x100, $0x38;
	[tilespmem:$0x13010] =	vst v63  }
0x1e: {  	s14 =	simm.s32 @!p0 $0x1  }
0x1f: {  	_ =	swait.ge @!p0 [sflag:s14], $0x100  }
0x20: {  	[sflag:s14] =	ssyncset.done @!p0 $0x0  }
0x21: {  	[sflag:s14] =	ssyncadd.s32 @!p0 $0xFFFFFF00  }
0x22: {  	s31 =	simm.s32 $0x0;
	[bflag:$0x0] =	sbarrier.arrive $0xFFFF  }
0x23: {  	[tilespmem:s31], [sflag:$0x1] =	stream.linear.gather [hbm4b:s5+s31], $0x1000, $0x38;
	[tilespmem:$0x13010] =	vst v63  }
0x24: {  	_ =	swait.ge [sflag:s9], $0x1000  }
0x25: {  	[sflag:s9] =	ssyncset.done $0x0  }
0x26: {  	s14 =	simm.s32 $0x0;
	[sflag:s9] =	ssyncadd.s32 $0xFFFFF000  }
0x27: {  	v3 =	vld [tilespmem:s14+$0x0]  }
0x28: {  	s15 =	simm.s32 $0x40  }
.LBB2_6:
0x29: {  	p1 =	sne.s32 s15, $0x3FC0  }
.Ltmp2:
0x2a: {  	_ = 	snop;
	(pc) =	sbr.rel @p1 .LBB2_6-.Ltmp2, $4  }
0x2b: {  	_ = 	snop  }
0x2c: {  	s16 =	sshra.s32 s15, $0x2;
	s15 =	sadd.s32 $0x40, s15;
	v4 =	vsub.s32 v3, v0  }
0x2d: {  	v3 =	vld [tilespmem:s16+$0x0];
	v4 =	vmin.u32 v4, $0x80000  }
0x2e: {  	[tilespmem:s14+$0x1000] =	vst v4;
	s14 =	smov.u32 s16  }
0x2f: {  	_ =	sdelay $0x2  }
0x30: {  	v3 =	vsub.s32 v3, v0  }
0x31: {  	v3 =	vmin.u32 v3, $0x80000  }
0x32: {  	[tilespmem:s14+$0x1000] =	vst v3  }
0x33: {  	[spmem:s1] =	stream.indirect.scatter.add.s32 [tilespmem:s11], [sflag:$0x1], $0x1, s10, s10, $0xb8;
	[tilespmem:$0x13010] =	vst v63  }
0x34: {  	_ =	swait.ge [sflag:s9], $0x1000  }
0x35: {  	s2 =	sadd.s32 $0x1, s2;
	[sflag:s9] =	ssyncset.done $0x0  }
0x36: {  	p1 =	sne.s32 s2, s7;
	[sflag:s9] =	ssyncadd.s32 $0xFFFFF000  }
.Ltmp3:
0x37: {  	[bflag:$0x0] =	sbarrier.arrive $0xFFFF;
	(pc) =	sbr.rel @p1 .LBB2_1-.Ltmp3, $4  }
0x38: {  	[hbm:s6], [sflag:s12] =	dma.local [spmem:s13], $0x1000  }
0x39: {  	_ =	swait.ge [sflag:s9], $0x1000  }
0x3a: {  	[sflag:s9] =	ssyncset.done $0x0  }
0x3b: {  	[sflag:s9] =	ssyncadd.s32 $0xFFFFF000  }
0x3c: {  	_ =	sfence.sel $0x180000  }
0x3d: {  	[bflag:$0x0] =	sbarrier.arrive $0xFFFF  }
0x3e: {  	_ =	strace $0x90000047  }
0x3f: {  	s0 =	sadd.s32 @!p0 $0x100000, s0;
	[bflag:$0x2] =	sbarrier.arrive $0xFFFF  }
0x40: {  	[sflag:s0] =	ssyncadd.tile.s32 @!p0 $0x1;
	_ =	shalt  }
.Lfunc_end2:
_tile_overlayer_lowered:
.L_overlay_start_2:
0x41: {  	(tag) =	ssettag $0x2  }
0x42: {  	s0 =	rddreg [dreg:$0x0];
	s2 =	stileid.u32  }
0x43: {  	s1 =	rddreg [dreg:$0x1];
	p0 =	sne.s32 s2, $0x0  }
0x44: {  	s3 =	rddreg [dreg:$0x2];
	[bflag:$0x3] =	sbarrier.arrive $0xFFFF;
	s2 =	simm.s32 @!p0 $0x1C01  }
0x45: {  	[timem:s3], [sflag:s2] =	dma.local @!p0 [hbm:s0], s1  }
0x46: {  	s0 =	simm.s32 @!p0 $0x1  }
0x47: {  	_ =	swait.ge @!p0 [sflag:s0], s1  }
0x48: {  	s1 =	ssub.s32 @!p0 $0x0, s1;
	[sflag:s0] =	ssyncset.done @!p0 $0x0  }
0x49: {  	[sflag:s0] =	ssyncadd.s32 @!p0 s1  }
0x4a: {  	[bflag:$0x3] =	sbarrier.arrive $0xFFFF  }
0x4b: {  	_ =	shalt  }

</sc_bundles>
